<compile_context>
chip_gen: v7x
topology: tpu7x:2x2x1
jax: 0.10.2.dev20260603
libtpu: 0.0.44.dev20260713+nightly
codegen_flags: <defaults>
</compile_context>

<pallas_src>
import jax
import jax.numpy as jnp
from jax import lax
from jax.experimental import pallas as pl
from jax.experimental.pallas import tpu as pltpu
from jax.experimental.pallas import tpu_sc as plsc

_N = 10000
_E = 320000
_G = 64
_RP = 10240
_NC = 2
_NS = 16
_NW = _NC * _NS
_CH = 128
_RSUB = _RP // _NS

_f32 = jnp.float32
_i32 = jnp.int32



def _deg_body(ei_hbm, deg_hbm, idx_v, deg_v):
    c = lax.axis_index("c")
    s = lax.axis_index("s")
    w = c * _NS + s
    rows = _E // _NW // 16
    pltpu.sync_copy(ei_hbm.at[1].at[pl.ds(w * rows, rows)], idx_v)
    zero16 = jnp.zeros((16,), _f32)

    def zbody(i, carry):
        deg_v[pl.ds(i * 16, 16)] = zero16
        return carry

    lax.fori_loop(0, _RP // 16, zbody, 0)
    ones16 = jnp.ones((16,), _f32)

    def body(t, carry):
        idx16 = idx_v[t]
        plsc.addupdate_scatter(deg_v, [idx16], ones16)
        return carry

    lax.fori_loop(0, rows, body, 0)
    pltpu.sync_copy(deg_v, deg_hbm.at[w])


_SC_PARAMS = pltpu.CompilerParams(
    needs_layout_passes=False, use_tc_tiling_on_sc=False
)

_deg_call = pl.kernel(
    _deg_body,
    mesh=plsc.VectorSubcoreMesh(core_axis_name="c", subcore_axis_name="s"),
    out_type=jax.ShapeDtypeStruct((_NW, _RP), _f32),
    scratch_types=[
        pltpu.VMEM((_E // _NW // 16, 16), _i32),
        pltpu.VMEM((_RP,), _f32),
    ],
    compiler_params=_SC_PARAMS,
)


def _make_scatter(d):
    dh = d // 2
    cpt = 80
    rows15 = _E // 256 - 15 * 80

    def body(g_hbm, ei_hbm, out_hbm, idxs_v, idxd_v, buf0, buf1,
             sem0, sem1, acc):
        c = lax.axis_index("c")
        s = lax.axis_index("s")
        nch = jnp.where(s == _NS - 1, rows15, cpt)
        gtab = g_hbm.at[c]
        pltpu.sync_copy(ei_hbm.at[0].at[pl.ds(s * cpt, rows15)],
                        idxs_v.at[pl.ds(0, rows15)])
        pltpu.sync_copy(ei_hbm.at[1].at[pl.ds(s * cpt, rows15)],
                        idxd_v.at[pl.ds(0, rows15)])

        @pl.when(s < _NS - 1)
        def _():
            pltpu.sync_copy(
                ei_hbm.at[0].at[pl.ds(s * cpt + rows15, cpt - rows15)],
                idxs_v.at[pl.ds(rows15, cpt - rows15)])
            pltpu.sync_copy(
                ei_hbm.at[1].at[pl.ds(s * cpt + rows15, cpt - rows15)],
                idxd_v.at[pl.ds(rows15, cpt - rows15)])

        zero16 = jnp.zeros((16,), _f32)
        nper = dh // 16

        def zbody(i, carry):
            buf0[i // nper, pl.ds((i % nper) * 16, 16)] = zero16
            return carry

        lax.fori_loop(0, _CH * nper, zbody, 0)
        base = s * _RSUB
        for r in range(_RSUB // _CH):
            pltpu.sync_copy(buf0.at[pl.ds(0, _CH)],
                            acc.at[pl.ds(base + r * _CH, _CH)])
        plsc.subcore_barrier()

        bufs = (buf0, buf1)
        sems = (sem0, sem1)

        def gather(j, b):
            return pltpu.make_async_copy(
                gtab.at[idxs_v.at[j]], bufs[b], sems[b])

        gather(0, 0).start()
        gather(1, 1).start()

        def loop_body(i, carry):
            j = i * 2
            for b in range(2):
                jj = j + b
                gather(jj, b).wait()
                pltpu.sync_copy(bufs[b], acc.at[idxd_v.at[jj]], add=True)

                @pl.when(jj + 2 < nch)
                def _():
                    gather(jj + 2, b).start()

            return carry

        lax.fori_loop(0, nch // 2, loop_body, 0)
        plsc.subcore_barrier()
        for r in range(_RSUB // _CH):
            row = base + r * _CH
            pltpu.sync_copy(acc.at[pl.ds(row, _CH)], buf0.at[pl.ds(0, _CH)])
            pltpu.sync_copy(buf0.at[pl.ds(0, _CH)],
                            out_hbm.at[c].at[pl.ds(row, _CH)])

    return pl.kernel(
        body,
        mesh=plsc.VectorSubcoreMesh(core_axis_name="c", subcore_axis_name="s"),
        out_type=jax.ShapeDtypeStruct((_NC, _RP, dh), _f32),
        scratch_types=[
            pltpu.VMEM((cpt, 256), _i32),
            pltpu.VMEM((cpt, 256), _i32),
            pltpu.VMEM((256, dh), _f32),
            pltpu.VMEM((256, dh), _f32),
            pltpu.SemaphoreType.DMA,
            pltpu.SemaphoreType.DMA,
            pltpu.VMEM_SHARED((_RP, dh), _f32),
        ],
        compiler_params=_SC_PARAMS,
    )


_scatter128 = _make_scatter(128)
_scatter64 = _make_scatter(64)



def _k1_body(degp_ref, xp_ref, w1_ref, g1_ref, dinv_ref):
    degp = degp_ref[...]
    ones = jnp.ones((_NW, 1), _f32)
    degc = lax.dot_general(degp, ones, (((0,), (0,)), ((), ())),
                           preferred_element_type=_f32)
    dinv = lax.rsqrt(degc + 1.0)
    h = jnp.dot(xp_ref[...], w1_ref[...], preferred_element_type=_f32)
    g = h * dinv
    g1_ref[0] = g[:, :64]
    g1_ref[1] = g[:, 64:]
    dinv_ref[...] = dinv


_k1 = pl.pallas_call(
    _k1_body,
    out_shape=[
        jax.ShapeDtypeStruct((2, _RP, 64), _f32),
        jax.ShapeDtypeStruct((_RP, 1), _f32),
    ],
)


def _k3_body(s1p_ref, g1_ref, dinv_ref, b1_ref, w2_ref, g2_ref):
    sacc = jnp.concatenate(
        [s1p_ref[0] + g1_ref[0], s1p_ref[1] + g1_ref[1]], axis=1)
    dinv = dinv_ref[...]
    a = jnp.maximum(dinv * sacc + b1_ref[...], 0.0)
    h2 = jnp.dot(a, w2_ref[...], preferred_element_type=_f32)
    g2 = dinv * h2
    g2_ref[0] = g2[:, :32]
    g2_ref[1] = g2[:, 32:]


_k3 = pl.pallas_call(
    _k3_body,
    out_shape=jax.ShapeDtypeStruct((2, _RP, 32), _f32),
)


def _k5_body(s2p_ref, g2_ref, dinv_ref, b2_ref, batch_ref,
             wl1_ref, bl1_ref, wl2_ref, bl2_ref, wl3_ref, bl3_ref,
             wl4_ref, bl4_ref, wl5_ref, bl5_ref, out_ref):
    sacc = jnp.concatenate(
        [s2p_ref[0] + g2_ref[0], s2p_ref[1] + g2_ref[1]], axis=1)
    o = dinv_ref[...] * sacc + b2_ref[...]
    bt = batch_ref[...]
    gid = lax.broadcasted_iota(_i32, (_G, _RP), 0)
    m = jnp.where(gid == bt, 1.0, 0.0)
    h = jnp.dot(m, o, preferred_element_type=_f32,
                precision=lax.Precision.HIGHEST)
    h = jnp.maximum(jnp.dot(h, wl1_ref[...], preferred_element_type=_f32)
                    + bl1_ref[...], 0.0)
    h = jnp.maximum(jnp.dot(h, wl2_ref[...], preferred_element_type=_f32)
                    + bl2_ref[...], 0.0)
    h = jnp.maximum(jnp.dot(h, wl3_ref[...], preferred_element_type=_f32)
                    + bl3_ref[...], 0.0)
    h = jnp.maximum(jnp.dot(h, wl4_ref[...], preferred_element_type=_f32)
                    + bl4_ref[...], 0.0)
    out_ref[...] = (jnp.dot(h, wl5_ref[...], preferred_element_type=_f32)
                    + bl5_ref[...])


_k5 = pl.pallas_call(
    _k5_body,
    out_shape=jax.ShapeDtypeStruct((_G, 128), _f32),
)



def kernel(x, edge_index, batch, W1, b1, W2, b2, Wl1, bl1, Wl2, bl2,
           Wl3, bl3, Wl4, bl4, Wl5, bl5):
    ei = edge_index.astype(_i32)
    ei3 = ei.reshape(2, _E // 256, 256)
    ei16 = ei.reshape(2, _E // 16, 16)

    batch_p = jnp.pad(batch.astype(_i32), (0, _RP - _N),
                      constant_values=_G).reshape(1, _RP)
    wl5p = jnp.pad(Wl5, ((0, 0), (0, 127)))
    bl5p = jnp.pad(bl5, (0, 127)).reshape(1, -1)

    deg_p = _deg_call(ei16)
    xp = jnp.pad(x, ((0, _RP - _N), (0, 256 - 131)))
    w1p = jnp.pad(W1, ((0, 256 - 131), (0, 0)))
    g1h, dinv = _k1(deg_p, xp, w1p)
    s1p = _scatter128(g1h, ei3)
    g2h = _k3(s1p, g1h, dinv, b1.reshape(1, -1), W2)
    s2p = _scatter64(g2h, ei3)
    out = _k5(s2p, g2h, dinv, b2.reshape(1, -1), batch_p,
              Wl1, bl1.reshape(1, -1), Wl2, bl2.reshape(1, -1),
              Wl3, bl3.reshape(1, -1), Wl4, bl4.reshape(1, -1),
              wl5p, bl5p)
    return out[:, :1]

# --- scband reference (transcript-rebuilt; emitter-appended) ---
"""Pipeline reference for scband-st-gcn-non-sf-90305982366370 (READ-ONLY COPY).

The authoritative reference and input builder live on the scoring server;
editing this copy changes nothing except your own understanding.
"""

import jax, jax.numpy as jnp
import numpy as np

N = 10000
E = 320000
G = 64


def gcn_conv(x, src, dst, W, b, n):
    # GCNConv: D^{-1/2} (A + I) D^{-1/2} X W + b  (self loops already appended to src/dst)
    h = x @ W
    deg = jnp.zeros((n,), x.dtype).at[dst].add(1.0)
    dinv = jnp.where(deg > 0, 1.0 / jnp.sqrt(deg), 0.0)
    norm = dinv[src] * dinv[dst]
    msg = h[src] * norm[:, None]
    out = jnp.zeros((n, h.shape[1]), x.dtype).at[dst].add(msg)
    return out + b


def setup_inputs(seed: int = 0):
    key = jax.random.key(seed)
    ks = jax.random.split(key, 12)

    def lin(k, i, o):
        return (jax.random.normal(k, (i, o), jnp.float32) / np.sqrt(i)).astype(jnp.float32)

    inp = {
        "x": jax.random.normal(ks[0], (N, 131), jnp.float32),
        "edge_index": jax.random.randint(ks[1], (2, E), 0, N),
        "batch": jnp.sort(jax.random.randint(ks[2], (N,), 0, G)),
        "W1": lin(ks[3], 131, 128), "b1": jnp.zeros((128,), jnp.float32),
        "W2": lin(ks[4], 128, 64), "b2": jnp.zeros((64,), jnp.float32),
        "Wl1": lin(ks[5], 64, 2048), "bl1": jnp.zeros((2048,), jnp.float32),
        "Wl2": lin(ks[6], 2048, 1024), "bl2": jnp.zeros((1024,), jnp.float32),
        "Wl3": lin(ks[7], 1024, 128), "bl3": jnp.zeros((128,), jnp.float32),
        "Wl4": lin(ks[8], 128, 32), "bl4": jnp.zeros((32,), jnp.float32),
        "Wl5": lin(ks[9], 32, 1), "bl5": jnp.zeros((1,), jnp.float32),
    }
    return inp


def reference(x, edge_index, batch, W1, b1, W2, b2, Wl1, bl1, Wl2, bl2, Wl3, bl3, Wl4, bl4, Wl5, bl5):
    loop = jnp.arange(N)
    src = jnp.concatenate([edge_index[0], loop])
    dst = jnp.concatenate([edge_index[1], loop])
    h = jax.nn.relu(gcn_conv(x, src, dst, W1, b1, N))
    h = gcn_conv(h, src, dst, W2, b2, N)
    p = jax.ops.segment_sum(h, batch, num_segments=G)  # global_add_pool
    # dropout is identity in eval mode
    h = jax.nn.relu(p @ Wl1 + bl1)
    h = jax.nn.relu(h @ Wl2 + bl2)
    h = jax.nn.relu(h @ Wl3 + bl3)
    h = jax.nn.relu(h @ Wl4 + bl4)
    return h @ Wl5 + bl5

if __name__ == "__main__":
    import jax
    _d = setup_inputs()
    print(jax.jit(kernel)(*tuple(_d.values())))

</pallas_src>

<mosaic_0001>
#map = affine_map<(d0, d1) -> (0, 0, 0)>
module attributes {stable_mosaic.version = 14 : i64} {
  func.func @body(%arg0: i32, %arg1: i32, %arg2: memref<2x10240x64xf32, #tpu.memory_space<hbm>>, %arg3: memref<2x1250x256xi32, #tpu.memory_space<hbm>>, %arg4: memref<2x10240x64xf32, #tpu.memory_space<hbm>>, %arg5: memref<80x256xi32, #tpu.memory_space<vmem>>, %arg6: memref<80x256xi32, #tpu.memory_space<vmem>>, %arg7: memref<256x64xf32, #tpu.memory_space<vmem>>, %arg8: memref<256x64xf32, #tpu.memory_space<vmem>>, %arg9: memref<!tpu.dma_semaphore, #tpu.memory_space<semaphore_mem>>, %arg10: memref<!tpu.dma_semaphore, #tpu.memory_space<semaphore_mem>>, %arg11: memref<10240x64xf32, #tpu.memory_space<vmem_shared>>) attributes {dimension_semantics = [#tpu.dimension_semantics<core_parallel>, #tpu.dimension_semantics<subcore_parallel>], iteration_bounds = array<i64: 2, 16>, scalar_prefetch = 0 : i64, scratch_operands = 7 : i64, tpu.core_type = #tpu.core_type<sc_vector_subcore>, window_params = [{transform_indices = #map}, {transform_indices = #map}, {transform_indices = #map}]} {
    %eq3A = arith.constant 15 : i32
    %eq3A_0 = arith.cmpi eq, %arg1, %eq3A : i32
    %jit3A = arith.constant 50 : i32
    %jit3A_1 = arith.constant 80 : i32
    %select_n3A = arith.select %eq3A_0, %jit3A, %jit3A_1 : i32
    %mul3A = arith.constant 80 : i32
    %mul3A_2 = arith.muli %arg1, %mul3A : i32
    %run_scoped3A = arith.constant 0 : i32
    "tpu.region"() ({
      %run_scoped3A_84 = tpu.sem_alloc : memref<!tpu.dma_semaphore, #tpu.memory_space<semaphore_mem>>
      %dma_start3A_85 = arith.constant 0 : i32
      %dma_start3A_86 = arith.constant 0 : i32
      %dma_start3A_87 = tpu.memref_slice %arg5[%dma_start3A_85, %dma_start3A_86] : memref<80x256xi32, #tpu.memory_space<vmem>> -> memref<50x256xi32, #tpu.memory_space<vmem>>
      %dma_start3A_88 = arith.constant 0 : i32
      %dma_start3A_89 = arith.constant 0 : i32
      %dma_start3A_90 = tpu.memref_slice %arg3[%run_scoped3A, %dma_start3A_88, %dma_start3A_89] : memref<2x1250x256xi32, #tpu.memory_space<hbm>> -> memref<1x1250x256xi32, #tpu.memory_space<hbm>>
      %dma_start3A_91 = tpu.memref_squeeze %dma_start3A_90 : memref<1x1250x256xi32, #tpu.memory_space<hbm>> -> memref<1250x256xi32, #tpu.memory_space<hbm>>
      %dma_start3A_92 = arith.constant 0 : i32
      %dma_start3A_93 = tpu.memref_slice %dma_start3A_91[%mul3A_2, %dma_start3A_92] : memref<1250x256xi32, #tpu.memory_space<hbm>> -> memref<50x256xi32, #tpu.memory_space<hbm>>
      %dma_start3A_94 = arith.constant 0 : i32
      %dma_start3A_95 = arith.constant 0 : i32
      %dma_start3A_96 = tpu.memref_slice %arg5[%dma_start3A_94, %dma_start3A_95] : memref<80x256xi32, #tpu.memory_space<vmem>> -> memref<50x256xi32, #tpu.memory_space<vmem>>
      %dma_start3A_97 = arith.constant 0 : i32
      %dma_start3A_98 = arith.constant 0 : i32
      %dma_start3A_99 = tpu.memref_slice %arg3[%run_scoped3A, %dma_start3A_97, %dma_start3A_98] : memref<2x1250x256xi32, #tpu.memory_space<hbm>> -> memref<1x1250x256xi32, #tpu.memory_space<hbm>>
      %dma_start3A_100 = tpu.memref_squeeze %dma_start3A_99 : memref<1x1250x256xi32, #tpu.memory_space<hbm>> -> memref<1250x256xi32, #tpu.memory_space<hbm>>
      %dma_start3A_101 = arith.constant 0 : i32
      %dma_start3A_102 = tpu.memref_slice %dma_start3A_100[%mul3A_2, %dma_start3A_101] : memref<1250x256xi32, #tpu.memory_space<hbm>> -> memref<50x256xi32, #tpu.memory_space<hbm>>
      tpu.enqueue_dma source(%dma_start3A_102 : memref<50x256xi32, #tpu.memory_space<hbm>>) target(%dma_start3A_96 : memref<50x256xi32, #tpu.memory_space<vmem>>) target_semaphore(%run_scoped3A_84 : memref<!tpu.dma_semaphore, #tpu.memory_space<semaphore_mem>>)
      %dma_wait3A = arith.constant 0 : i32
      %dma_wait3A_103 = arith.constant 0 : i32
      %dma_wait3A_104 = tpu.memref_slice %arg5[%dma_wait3A, %dma_wait3A_103] : memref<80x256xi32, #tpu.memory_space<vmem>> -> memref<50x256xi32, #tpu.memory_space<vmem>>
      %dma_wait3A_105 = arith.constant 0 : i32
      %dma_wait3A_106 = arith.constant 0 : i32
      %dma_wait3A_107 = tpu.memref_slice %arg3[%run_scoped3A, %dma_wait3A_105, %dma_wait3A_106] : memref<2x1250x256xi32, #tpu.memory_space<hbm>> -> memref<1x1250x256xi32, #tpu.memory_space<hbm>>
      %dma_wait3A_108 = tpu.memref_squeeze %dma_wait3A_107 : memref<1x1250x256xi32, #tpu.memory_space<hbm>> -> memref<1250x256xi32, #tpu.memory_space<hbm>>
      %dma_wait3A_109 = arith.constant 0 : i32
      %dma_wait3A_110 = tpu.memref_slice %dma_wait3A_108[%mul3A_2, %dma_wait3A_109] : memref<1250x256xi32, #tpu.memory_space<hbm>> -> memref<50x256xi32, #tpu.memory_space<hbm>>
      %dma_wait3A_111 = arith.constant 0 : i32
      %dma_wait3A_112 = arith.constant 0 : i32
      %dma_wait3A_113 = tpu.memref_slice %arg5[%dma_wait3A_111, %dma_wait3A_112] : memref<80x256xi32, #tpu.memory_space<vmem>> -> memref<50x256xi32, #tpu.memory_space<vmem>>
      %dma_wait3A_114 = arith.constant 0 : i32
      %dma_wait3A_115 = arith.constant 0 : i32
      %dma_wait3A_116 = tpu.memref_slice %arg3[%run_scoped3A, %dma_wait3A_114, %dma_wait3A_115] : memref<2x1250x256xi32, #tpu.memory_space<hbm>> -> memref<1x1250x256xi32, #tpu.memory_space<hbm>>
      %dma_wait3A_117 = tpu.memref_squeeze %dma_wait3A_116 : memref<1x1250x256xi32, #tpu.memory_space<hbm>> -> memref<1250x256xi32, #tpu.memory_space<hbm>>
      %dma_wait3A_118 = arith.constant 0 : i32
      %dma_wait3A_119 = tpu.memref_slice %dma_wait3A_117[%mul3A_2, %dma_wait3A_118] : memref<1250x256xi32, #tpu.memory_space<hbm>> -> memref<50x256xi32, #tpu.memory_space<hbm>>
      tpu.wait_dma2 semaphore(%run_scoped3A_84 : memref<!tpu.dma_semaphore, #tpu.memory_space<semaphore_mem>>) src(%dma_wait3A_119 : memref<50x256xi32, #tpu.memory_space<hbm>>) dst(%dma_wait3A_113 : memref<50x256xi32, #tpu.memory_space<vmem>>)
      tpu.yield
    }) : () -> ()
    %mul3A_3 = arith.constant 80 : i32
    %mul3A_4 = arith.muli %arg1, %mul3A_3 : i32
    %run_scoped3A_5 = arith.constant 1 : i32
    "tpu.region"() ({
      %run_scoped3A_84 = tpu.sem_alloc : memref<!tpu.dma_semaphore, #tpu.memory_space<semaphore_mem>>
      %dma_start3A_85 = arith.constant 0 : i32
      %dma_start3A_86 = arith.constant 0 : i32
      %dma_start3A_87 = tpu.memref_slice %arg6[%dma_start3A_85, %dma_start3A_86] : memref<80x256xi32, #tpu.memory_space<vmem>> -> memref<50x256xi32, #tpu.memory_space<vmem>>
      %dma_start3A_88 = arith.constant 0 : i32
      %dma_start3A_89 = arith.constant 0 : i32
      %dma_start3A_90 = tpu.memref_slice %arg3[%run_scoped3A_5, %dma_start3A_88, %dma_start3A_89] : memref<2x1250x256xi32, #tpu.memory_space<hbm>> -> memref<1x1250x256xi32, #tpu.memory_space<hbm>>
      %dma_start3A_91 = tpu.memref_squeeze %dma_start3A_90 : memref<1x1250x256xi32, #tpu.memory_space<hbm>> -> memref<1250x256xi32, #tpu.memory_space<hbm>>
      %dma_start3A_92 = arith.constant 0 : i32
      %dma_start3A_93 = tpu.memref_slice %dma_start3A_91[%mul3A_4, %dma_start3A_92] : memref<1250x256xi32, #tpu.memory_space<hbm>> -> memref<50x256xi32, #tpu.memory_space<hbm>>
      %dma_start3A_94 = arith.constant 0 : i32
      %dma_start3A_95 = arith.constant 0 : i32
      %dma_start3A_96 = tpu.memref_slice %arg6[%dma_start3A_94, %dma_start3A_95] : memref<80x256xi32, #tpu.memory_space<vmem>> -> memref<50x256xi32, #tpu.memory_space<vmem>>
      %dma_start3A_97 = arith.constant 0 : i32
      %dma_start3A_98 = arith.constant 0 : i32
      %dma_start3A_99 = tpu.memref_slice %arg3[%run_scoped3A_5, %dma_start3A_97, %dma_start3A_98] : memref<2x1250x256xi32, #tpu.memory_space<hbm>> -> memref<1x1250x256xi32, #tpu.memory_space<hbm>>
      %dma_start3A_100 = tpu.memref_squeeze %dma_start3A_99 : memref<1x1250x256xi32, #tpu.memory_space<hbm>> -> memref<1250x256xi32, #tpu.memory_space<hbm>>
      %dma_start3A_101 = arith.constant 0 : i32
      %dma_start3A_102 = tpu.memref_slice %dma_start3A_100[%mul3A_4, %dma_start3A_101] : memref<1250x256xi32, #tpu.memory_space<hbm>> -> memref<50x256xi32, #tpu.memory_space<hbm>>
      tpu.enqueue_dma source(%dma_start3A_102 : memref<50x256xi32, #tpu.memory_space<hbm>>) target(%dma_start3A_96 : memref<50x256xi32, #tpu.memory_space<vmem>>) target_semaphore(%run_scoped3A_84 : memref<!tpu.dma_semaphore, #tpu.memory_space<semaphore_mem>>)
      %dma_wait3A = arith.constant 0 : i32
      %dma_wait3A_103 = arith.constant 0 : i32
      %dma_wait3A_104 = tpu.memref_slice %arg6[%dma_wait3A, %dma_wait3A_103] : memref<80x256xi32, #tpu.memory_space<vmem>> -> memref<50x256xi32, #tpu.memory_space<vmem>>
      %dma_wait3A_105 = arith.constant 0 : i32
      %dma_wait3A_106 = arith.constant 0 : i32
      %dma_wait3A_107 = tpu.memref_slice %arg3[%run_scoped3A_5, %dma_wait3A_105, %dma_wait3A_106] : memref<2x1250x256xi32, #tpu.memory_space<hbm>> -> memref<1x1250x256xi32, #tpu.memory_space<hbm>>
      %dma_wait3A_108 = tpu.memref_squeeze %dma_wait3A_107 : memref<1x1250x256xi32, #tpu.memory_space<hbm>> -> memref<1250x256xi32, #tpu.memory_space<hbm>>
      %dma_wait3A_109 = arith.constant 0 : i32
      %dma_wait3A_110 = tpu.memref_slice %dma_wait3A_108[%mul3A_4, %dma_wait3A_109] : memref<1250x256xi32, #tpu.memory_space<hbm>> -> memref<50x256xi32, #tpu.memory_space<hbm>>
      %dma_wait3A_111 = arith.constant 0 : i32
      %dma_wait3A_112 = arith.constant 0 : i32
      %dma_wait3A_113 = tpu.memref_slice %arg6[%dma_wait3A_111, %dma_wait3A_112] : memref<80x256xi32, #tpu.memory_space<vmem>> -> memref<50x256xi32, #tpu.memory_space<vmem>>
      %dma_wait3A_114 = arith.constant 0 : i32
      %dma_wait3A_115 = arith.constant 0 : i32
      %dma_wait3A_116 = tpu.memref_slice %arg3[%run_scoped3A_5, %dma_wait3A_114, %dma_wait3A_115] : memref<2x1250x256xi32, #tpu.memory_space<hbm>> -> memref<1x1250x256xi32, #tpu.memory_space<hbm>>
      %dma_wait3A_117 = tpu.memref_squeeze %dma_wait3A_116 : memref<1x1250x256xi32, #tpu.memory_space<hbm>> -> memref<1250x256xi32, #tpu.memory_space<hbm>>
      %dma_wait3A_118 = arith.constant 0 : i32
      %dma_wait3A_119 = tpu.memref_slice %dma_wait3A_117[%mul3A_4, %dma_wait3A_118] : memref<1250x256xi32, #tpu.memory_space<hbm>> -> memref<50x256xi32, #tpu.memory_space<hbm>>
      tpu.wait_dma2 semaphore(%run_scoped3A_84 : memref<!tpu.dma_semaphore, #tpu.memory_space<semaphore_mem>>) src(%dma_wait3A_119 : memref<50x256xi32, #tpu.memory_space<hbm>>) dst(%dma_wait3A_113 : memref<50x256xi32, #tpu.memory_space<vmem>>)
      tpu.yield
    }) : () -> ()
    %lt3A = arith.constant 15 : i32
    %lt3A_6 = arith.cmpi slt, %arg1, %lt3A : i32
    %convert_element_type3A = arith.extui %lt3A_6 : i1 to i32
    %cond3A = arith.constant 0 : i32
    %cond3A_7 = arith.cmpi ne, %convert_element_type3A, %cond3A : i32
    scf.if %cond3A_7 {
      %mul3A_84 = arith.constant 80 : i32
      %mul3A_85 = arith.muli %arg1, %mul3A_84 : i32
      %add3A_86 = arith.constant 50 : i32
      %add3A_87 = arith.addi %mul3A_85, %add3A_86 : i32
      %run_scoped3A_88 = arith.constant 0 : i32
      "tpu.region"() ({
        %run_scoped3A_94 = tpu.sem_alloc : memref<!tpu.dma_semaphore, #tpu.memory_space<semaphore_mem>>
        %dma_start3A_95 = arith.constant 50 : i32
        %dma_start3A_96 = arith.constant 0 : i32
        %dma_start3A_97 = tpu.memref_slice %arg5[%dma_start3A_95, %dma_start3A_96] : memref<80x256xi32, #tpu.memory_space<vmem>> -> memref<30x256xi32, #tpu.memory_space<vmem>>
        %dma_start3A_98 = arith.constant 0 : i32
        %dma_start3A_99 = arith.constant 0 : i32
        %dma_start3A_100 = tpu.memref_slice %arg3[%run_scoped3A_88, %dma_start3A_98, %dma_start3A_99] : memref<2x1250x256xi32, #tpu.memory_space<hbm>> -> memref<1x1250x256xi32, #tpu.memory_space<hbm>>
        %dma_start3A_101 = tpu.memref_squeeze %dma_start3A_100 : memref<1x1250x256xi32, #tpu.memory_space<hbm>> -> memref<1250x256xi32, #tpu.memory_space<hbm>>
        %dma_start3A_102 = arith.constant 0 : i32
        %dma_start3A_103 = tpu.memref_slice %dma_start3A_101[%add3A_87, %dma_start3A_102] : memref<1250x256xi32, #tpu.memory_space<hbm>> -> memref<30x256xi32, #tpu.memory_space<hbm>>
        %dma_start3A_104 = arith.constant 50 : i32
        %dma_start3A_105 = arith.constant 0 : i32
        %dma_start3A_106 = tpu.memref_slice %arg5[%dma_start3A_104, %dma_start3A_105] : memref<80x256xi32, #tpu.memory_space<vmem>> -> memref<30x256xi32, #tpu.memory_space<vmem>>
        %dma_start3A_107 = arith.constant 0 : i32
        %dma_start3A_108 = arith.constant 0 : i32
        %dma_start3A_109 = tpu.memref_slice %arg3[%run_scoped3A_88, %dma_start3A_107, %dma_start3A_108] : memref<2x1250x256xi32, #tpu.memory_space<hbm>> -> memref<1x1250x256xi32, #tpu.memory_space<hbm>>
        %dma_start3A_110 = tpu.memref_squeeze %dma_start3A_109 : memref<1x1250x256xi32, #tpu.memory_space<hbm>> -> memref<1250x256xi32, #tpu.memory_space<hbm>>
        %dma_start3A_111 = arith.constant 0 : i32
        %dma_start3A_112 = tpu.memref_slice %dma_start3A_110[%add3A_87, %dma_start3A_111] : memref<1250x256xi32, #tpu.memory_space<hbm>> -> memref<30x256xi32, #tpu.memory_space<hbm>>
        tpu.enqueue_dma source(%dma_start3A_112 : memref<30x256xi32, #tpu.memory_space<hbm>>) target(%dma_start3A_106 : memref<30x256xi32, #tpu.memory_space<vmem>>) target_semaphore(%run_scoped3A_94 : memref<!tpu.dma_semaphore, #tpu.memory_space<semaphore_mem>>)
        %dma_wait3A = arith.constant 50 : i32
        %dma_wait3A_113 = arith.constant 0 : i32
        %dma_wait3A_114 = tpu.memref_slice %arg5[%dma_wait3A, %dma_wait3A_113] : memref<80x256xi32, #tpu.memory_space<vmem>> -> memref<30x256xi32, #tpu.memory_space<vmem>>
        %dma_wait3A_115 = arith.constant 0 : i32
        %dma_wait3A_116 = arith.constant 0 : i32
        %dma_wait3A_117 = tpu.memref_slice %arg3[%run_scoped3A_88, %dma_wait3A_115, %dma_wait3A_116] : memref<2x1250x256xi32, #tpu.memory_space<hbm>> -> memref<1x1250x256xi32, #tpu.memory_space<hbm>>
        %dma_wait3A_118 = tpu.memref_squeeze %dma_wait3A_117 : memref<1x1250x256xi32, #tpu.memory_space<hbm>> -> memref<1250x256xi32, #tpu.memory_space<hbm>>
        %dma_wait3A_119 = arith.constant 0 : i32
        %dma_wait3A_120 = tpu.memref_slice %dma_wait3A_118[%add3A_87, %dma_wait3A_119] : memref<1250x256xi32, #tpu.memory_space<hbm>> -> memref<30x256xi32, #tpu.memory_space<hbm>>
        %dma_wait3A_121 = arith.constant 50 : i32
        %dma_wait3A_122 = arith.constant 0 : i32
        %dma_wait3A_123 = tpu.memref_slice %arg5[%dma_wait3A_121, %dma_wait3A_122] : memref<80x256xi32, #tpu.memory_space<vmem>> -> memref<30x256xi32, #tpu.memory_space<vmem>>
        %dma_wait3A_124 = arith.constant 0 : i32
        %dma_wait3A_125 = arith.constant 0 : i32
        %dma_wait3A_126 = tpu.memref_slice %arg3[%run_scoped3A_88, %dma_wait3A_124, %dma_wait3A_125] : memref<2x1250x256xi32, #tpu.memory_space<hbm>> -> memref<1x1250x256xi32, #tpu.memory_space<hbm>>
        %dma_wait3A_127 = tpu.memref_squeeze %dma_wait3A_126 : memref<1x1250x256xi32, #tpu.memory_space<hbm>> -> memref<1250x256xi32, #tpu.memory_space<hbm>>
        %dma_wait3A_128 = arith.constant 0 : i32
        %dma_wait3A_129 = tpu.memref_slice %dma_wait3A_127[%add3A_87, %dma_wait3A_128] : memref<1250x256xi32, #tpu.memory_space<hbm>> -> memref<30x256xi32, #tpu.memory_space<hbm>>
        tpu.wait_dma2 semaphore(%run_scoped3A_94 : memref<!tpu.dma_semaphore, #tpu.memory_space<semaphore_mem>>) src(%dma_wait3A_129 : memref<30x256xi32, #tpu.memory_space<hbm>>) dst(%dma_wait3A_123 : memref<30x256xi32, #tpu.memory_space<vmem>>)
        tpu.yield
      }) : () -> ()
      %mul3A_89 = arith.constant 80 : i32
      %mul3A_90 = arith.muli %arg1, %mul3A_89 : i32
      %add3A_91 = arith.constant 50 : i32
      %add3A_92 = arith.addi %mul3A_90, %add3A_91 : i32
      %run_scoped3A_93 = arith.constant 1 : i32
      "tpu.region"() ({
        %run_scoped3A_94 = tpu.sem_alloc : memref<!tpu.dma_semaphore, #tpu.memory_space<semaphore_mem>>
        %dma_start3A_95 = arith.constant 50 : i32
        %dma_start3A_96 = arith.constant 0 : i32
        %dma_start3A_97 = tpu.memref_slice %arg6[%dma_start3A_95, %dma_start3A_96] : memref<80x256xi32, #tpu.memory_space<vmem>> -> memref<30x256xi32, #tpu.memory_space<vmem>>
        %dma_start3A_98 = arith.constant 0 : i32
        %dma_start3A_99 = arith.constant 0 : i32
        %dma_start3A_100 = tpu.memref_slice %arg3[%run_scoped3A_93, %dma_start3A_98, %dma_start3A_99] : memref<2x1250x256xi32, #tpu.memory_space<hbm>> -> memref<1x1250x256xi32, #tpu.memory_space<hbm>>
        %dma_start3A_101 = tpu.memref_squeeze %dma_start3A_100 : memref<1x1250x256xi32, #tpu.memory_space<hbm>> -> memref<1250x256xi32, #tpu.memory_space<hbm>>
        %dma_start3A_102 = arith.constant 0 : i32
        %dma_start3A_103 = tpu.memref_slice %dma_start3A_101[%add3A_92, %dma_start3A_102] : memref<1250x256xi32, #tpu.memory_space<hbm>> -> memref<30x256xi32, #tpu.memory_space<hbm>>
        %dma_start3A_104 = arith.constant 50 : i32
        %dma_start3A_105 = arith.constant 0 : i32
        %dma_start3A_106 = tpu.memref_slice %arg6[%dma_start3A_104, %dma_start3A_105] : memref<80x256xi32, #tpu.memory_space<vmem>> -> memref<30x256xi32, #tpu.memory_space<vmem>>
        %dma_start3A_107 = arith.constant 0 : i32
        %dma_start3A_108 = arith.constant 0 : i32
        %dma_start3A_109 = tpu.memref_slice %arg3[%run_scoped3A_93, %dma_start3A_107, %dma_start3A_108] : memref<2x1250x256xi32, #tpu.memory_space<hbm>> -> memref<1x1250x256xi32, #tpu.memory_space<hbm>>
        %dma_start3A_110 = tpu.memref_squeeze %dma_start3A_109 : memref<1x1250x256xi32, #tpu.memory_space<hbm>> -> memref<1250x256xi32, #tpu.memory_space<hbm>>
        %dma_start3A_111 = arith.constant 0 : i32
        %dma_start3A_112 = tpu.memref_slice %dma_start3A_110[%add3A_92, %dma_start3A_111] : memref<1250x256xi32, #tpu.memory_space<hbm>> -> memref<30x256xi32, #tpu.memory_space<hbm>>
        tpu.enqueue_dma source(%dma_start3A_112 : memref<30x256xi32, #tpu.memory_space<hbm>>) target(%dma_start3A_106 : memref<30x256xi32, #tpu.memory_space<vmem>>) target_semaphore(%run_scoped3A_94 : memref<!tpu.dma_semaphore, #tpu.memory_space<semaphore_mem>>)
        %dma_wait3A = arith.constant 50 : i32
        %dma_wait3A_113 = arith.constant 0 : i32
        %dma_wait3A_114 = tpu.memref_slice %arg6[%dma_wait3A, %dma_wait3A_113] : memref<80x256xi32, #tpu.memory_space<vmem>> -> memref<30x256xi32, #tpu.memory_space<vmem>>
        %dma_wait3A_115 = arith.constant 0 : i32
        %dma_wait3A_116 = arith.constant 0 : i32
        %dma_wait3A_117 = tpu.memref_slice %arg3[%run_scoped3A_93, %dma_wait3A_115, %dma_wait3A_116] : memref<2x1250x256xi32, #tpu.memory_space<hbm>> -> memref<1x1250x256xi32, #tpu.memory_space<hbm>>
        %dma_wait3A_118 = tpu.memref_squeeze %dma_wait3A_117 : memref<1x1250x256xi32, #tpu.memory_space<hbm>> -> memref<1250x256xi32, #tpu.memory_space<hbm>>
        %dma_wait3A_119 = arith.constant 0 : i32
        %dma_wait3A_120 = tpu.memref_slice %dma_wait3A_118[%add3A_92, %dma_wait3A_119] : memref<1250x256xi32, #tpu.memory_space<hbm>> -> memref<30x256xi32, #tpu.memory_space<hbm>>
        %dma_wait3A_121 = arith.constant 50 : i32
        %dma_wait3A_122 = arith.constant 0 : i32
        %dma_wait3A_123 = tpu.memref_slice %arg6[%dma_wait3A_121, %dma_wait3A_122] : memref<80x256xi32, #tpu.memory_space<vmem>> -> memref<30x256xi32, #tpu.memory_space<vmem>>
        %dma_wait3A_124 = arith.constant 0 : i32
        %dma_wait3A_125 = arith.constant 0 : i32
        %dma_wait3A_126 = tpu.memref_slice %arg3[%run_scoped3A_93, %dma_wait3A_124, %dma_wait3A_125] : memref<2x1250x256xi32, #tpu.memory_space<hbm>> -> memref<1x1250x256xi32, #tpu.memory_space<hbm>>
        %dma_wait3A_127 = tpu.memref_squeeze %dma_wait3A_126 : memref<1x1250x256xi32, #tpu.memory_space<hbm>> -> memref<1250x256xi32, #tpu.memory_space<hbm>>
        %dma_wait3A_128 = arith.constant 0 : i32
        %dma_wait3A_129 = tpu.memref_slice %dma_wait3A_127[%add3A_92, %dma_wait3A_128] : memref<1250x256xi32, #tpu.memory_space<hbm>> -> memref<30x256xi32, #tpu.memory_space<hbm>>
        tpu.wait_dma2 semaphore(%run_scoped3A_94 : memref<!tpu.dma_semaphore, #tpu.memory_space<semaphore_mem>>) src(%dma_wait3A_129 : memref<30x256xi32, #tpu.memory_space<hbm>>) dst(%dma_wait3A_123 : memref<30x256xi32, #tpu.memory_space<vmem>>)
        tpu.yield
      }) : () -> ()
    } else {
    }
    %broadcast_in_dim3A = arith.constant 0.000000e+00 : f32
    %broadcast_in_dim3A_8 = vector.broadcast %broadcast_in_dim3A : f32 to vector<16xf32>
    %scan3A = arith.constant 0 : i32
    %scan3A_9 = arith.constant 0 : i32
    %scan3A_10 = arith.constant 512 : i32
    %scan3A_11 = arith.addi %scan3A_9, %scan3A_10 : i32
    %scan3A_12 = arith.constant 1 : i32
    scf.for %scan3A_84 = %scan3A_9 to %scan3A_11 step %scan3A_12  : i32 {
      %jit3A_85 = arith.constant 4 : i32
      %div3A_86 = arith.divsi %scan3A_84, %jit3A_85 : i32
      %sign3A_87 = arith.constant 0 : i32
      %sign3A_88 = arith.cmpi sgt, %scan3A_84, %sign3A_87 : i32
      %sign3A_89 = arith.extui %sign3A_88 : i1 to i32
      %sign3A_90 = arith.constant 0 : i32
      %sign3A_91 = arith.cmpi slt, %scan3A_84, %sign3A_90 : i32
      %sign3A_92 = arith.extui %sign3A_91 : i1 to i32
      %sign3A_93 = arith.subi %sign3A_89, %sign3A_92 : i32
      %sign3A_94 = arith.constant 0 : i32
      %sign3A_95 = arith.cmpi sgt, %jit3A_85, %sign3A_94 : i32
      %sign3A_96 = arith.extui %sign3A_95 : i1 to i32
      %sign3A_97 = arith.constant 0 : i32
      %sign3A_98 = arith.cmpi slt, %jit3A_85, %sign3A_97 : i32
      %sign3A_99 = arith.extui %sign3A_98 : i1 to i32
      %sign3A_100 = arith.subi %sign3A_96, %sign3A_99 : i32
      %ne3A_101 = arith.cmpi ne, %sign3A_93, %sign3A_100 : i32
      %rem3A_102 = arith.remsi %scan3A_84, %jit3A_85 : i32
      %ne3A_103 = arith.constant 0 : i32
      %ne3A_104 = arith.cmpi ne, %rem3A_102, %ne3A_103 : i32
      %and3A_105 = arith.andi %ne3A_101, %ne3A_104 : i1
      %sub3A_106 = arith.constant 1 : i32
      %sub3A_107 = arith.subi %div3A_86, %sub3A_106 : i32
      %select_n3A_108 = arith.select %and3A_105, %sub3A_107, %div3A_86 : i32
      %jit3A_109 = arith.constant 4 : i32
      %eq3A_110 = arith.constant 0 : i32
      %eq3A_111 = arith.cmpi eq, %jit3A_109, %eq3A_110 : i32
      %jit3A_112 = arith.constant 1 : i32
      %select_n3A_113 = arith.select %eq3A_111, %jit3A_112, %jit3A_109 : i32
      %rem3A_114 = arith.remsi %scan3A_84, %select_n3A_113 : i32
      %ne3A_115 = arith.constant 0 : i32
      %ne3A_116 = arith.cmpi ne, %rem3A_114, %ne3A_115 : i32
      %lt3A_117 = arith.constant 0 : i32
      %lt3A_118 = arith.cmpi slt, %rem3A_114, %lt3A_117 : i32
      %lt3A_119 = arith.constant 0 : i32
      %lt3A_120 = arith.cmpi slt, %select_n3A_113, %lt3A_119 : i32
      %ne3A_121 = arith.xori %lt3A_118, %lt3A_120 : i1
      %and3A_122 = arith.andi %ne3A_121, %ne3A_116 : i1
      %add3A_123 = arith.addi %rem3A_114, %select_n3A_113 : i32
      %select_n3A_124 = arith.select %and3A_122, %add3A_123, %rem3A_114 : i32
      %mul3A_125 = arith.constant 16 : i32
      %mul3A_126 = arith.muli %select_n3A_124, %mul3A_125 : i32
      %swap3A = arith.index_cast %select_n3A_108 : i32 to index
      %swap3A_127 = arith.index_cast %mul3A_126 : i32 to index
      %swap3A_128 = tpu.vector_load %arg7[%swap3A, %swap3A_127] {strides = array<i32>} : memref<256x64xf32, #tpu.memory_space<vmem>>, vector<16xf32>,
      tpu.vector_store %arg7[%swap3A, %swap3A_127], %broadcast_in_dim3A_8 {strides = array<i32>} : memref<256x64xf32, #tpu.memory_space<vmem>>, vector<16xf32>,
    }
    %scan3A_13 = arith.constant 512 : i32
    %mul3A_14 = arith.constant 640 : i32
    %mul3A_15 = arith.muli %arg1, %mul3A_14 : i32
    %add3A = arith.constant 0 : i32
    %add3A_16 = arith.addi %mul3A_15, %add3A : i32
    "tpu.region"() ({
      %run_scoped3A_84 = tpu.sem_alloc : memref<!tpu.dma_semaphore, #tpu.memory_space<semaphore_mem>>
      %dma_start3A_85 = arith.constant 0 : i32
      %dma_start3A_86 = arith.constant 0 : i32
      %dma_start3A_87 = tpu.memref_slice %arg7[%dma_start3A_85, %dma_start3A_86] : memref<256x64xf32, #tpu.memory_space<vmem>> -> memref<128x64xf32, #tpu.memory_space<vmem>>
      %dma_start3A_88 = arith.constant 0 : i32
      %dma_start3A_89 = tpu.memref_slice %arg11[%add3A_16, %dma_start3A_88] : memref<10240x64xf32, #tpu.memory_space<vmem_shared>> -> memref<128x64xf32, #tpu.memory_space<vmem_shared>>
      %dma_start3A_90 = arith.constant 0 : i32
      %dma_start3A_91 = tpu.memref_slice %arg11[%add3A_16, %dma_start3A_90] : memref<10240x64xf32, #tpu.memory_space<vmem_shared>> -> memref<128x64xf32, #tpu.memory_space<vmem_shared>>
      %dma_start3A_92 = arith.constant 0 : i32
      %dma_start3A_93 = arith.constant 0 : i32
      %dma_start3A_94 = tpu.memref_slice %arg7[%dma_start3A_92, %dma_start3A_93] : memref<256x64xf32, #tpu.memory_space<vmem>> -> memref<128x64xf32, #tpu.memory_space<vmem>>
      tpu.enqueue_dma source(%dma_start3A_94 : memref<128x64xf32, #tpu.memory_space<vmem>>) target(%dma_start3A_91 : memref<128x64xf32, #tpu.memory_space<vmem_shared>>) target_semaphore(%run_scoped3A_84 : memref<!tpu.dma_semaphore, #tpu.memory_space<semaphore_mem>>)
      %dma_wait3A = arith.constant 0 : i32
      %dma_wait3A_95 = arith.constant 0 : i32
      %dma_wait3A_96 = tpu.memref_slice %arg7[%dma_wait3A, %dma_wait3A_95] : memref<256x64xf32, #tpu.memory_space<vmem>> -> memref<128x64xf32, #tpu.memory_space<vmem>>
      %dma_wait3A_97 = arith.constant 0 : i32
      %dma_wait3A_98 = tpu.memref_slice %arg11[%add3A_16, %dma_wait3A_97] : memref<10240x64xf32, #tpu.memory_space<vmem_shared>> -> memref<128x64xf32, #tpu.memory_space<vmem_shared>>
      %dma_wait3A_99 = arith.constant 0 : i32
      %dma_wait3A_100 = tpu.memref_slice %arg11[%add3A_16, %dma_wait3A_99] : memref<10240x64xf32, #tpu.memory_space<vmem_shared>> -> memref<128x64xf32, #tpu.memory_space<vmem_shared>>
      %dma_wait3A_101 = arith.constant 0 : i32
      %dma_wait3A_102 = arith.constant 0 : i32
      %dma_wait3A_103 = tpu.memref_slice %arg7[%dma_wait3A_101, %dma_wait3A_102] : memref<256x64xf32, #tpu.memory_space<vmem>> -> memref<128x64xf32, #tpu.memory_space<vmem>>
      tpu.wait_dma2 semaphore(%run_scoped3A_84 : memref<!tpu.dma_semaphore, #tpu.memory_space<semaphore_mem>>) src(%dma_wait3A_103 : memref<128x64xf32, #tpu.memory_space<vmem>>) dst(%dma_wait3A_100 : memref<128x64xf32, #tpu.memory_space<vmem_shared>>)
      tpu.yield
    }) : () -> ()
    %add3A_17 = arith.constant 128 : i32
    %add3A_18 = arith.addi %mul3A_15, %add3A_17 : i32
    "tpu.region"() ({
      %run_scoped3A_84 = tpu.sem_alloc : memref<!tpu.dma_semaphore, #tpu.memory_space<semaphore_mem>>
      %dma_start3A_85 = arith.constant 0 : i32
      %dma_start3A_86 = arith.constant 0 : i32
      %dma_start3A_87 = tpu.memref_slice %arg7[%dma_start3A_85, %dma_start3A_86] : memref<256x64xf32, #tpu.memory_space<vmem>> -> memref<128x64xf32, #tpu.memory_space<vmem>>
      %dma_start3A_88 = arith.constant 0 : i32
      %dma_start3A_89 = tpu.memref_slice %arg11[%add3A_18, %dma_start3A_88] : memref<10240x64xf32, #tpu.memory_space<vmem_shared>> -> memref<128x64xf32, #tpu.memory_space<vmem_shared>>
      %dma_start3A_90 = arith.constant 0 : i32
      %dma_start3A_91 = tpu.memref_slice %arg11[%add3A_18, %dma_start3A_90] : memref<10240x64xf32, #tpu.memory_space<vmem_shared>> -> memref<128x64xf32, #tpu.memory_space<vmem_shared>>
      %dma_start3A_92 = arith.constant 0 : i32
      %dma_start3A_93 = arith.constant 0 : i32
      %dma_start3A_94 = tpu.memref_slice %arg7[%dma_start3A_92, %dma_start3A_93] : memref<256x64xf32, #tpu.memory_space<vmem>> -> memref<128x64xf32, #tpu.memory_space<vmem>>
      tpu.enqueue_dma source(%dma_start3A_94 : memref<128x64xf32, #tpu.memory_space<vmem>>) target(%dma_start3A_91 : memref<128x64xf32, #tpu.memory_space<vmem_shared>>) target_semaphore(%run_scoped3A_84 : memref<!tpu.dma_semaphore, #tpu.memory_space<semaphore_mem>>)
      %dma_wait3A = arith.constant 0 : i32
      %dma_wait3A_95 = arith.constant 0 : i32
      %dma_wait3A_96 = tpu.memref_slice %arg7[%dma_wait3A, %dma_wait3A_95] : memref<256x64xf32, #tpu.memory_space<vmem>> -> memref<128x64xf32, #tpu.memory_space<vmem>>
      %dma_wait3A_97 = arith.constant 0 : i32
      %dma_wait3A_98 = tpu.memref_slice %arg11[%add3A_18, %dma_wait3A_97] : memref<10240x64xf32, #tpu.memory_space<vmem_shared>> -> memref<128x64xf32, #tpu.memory_space<vmem_shared>>
      %dma_wait3A_99 = arith.constant 0 : i32
      %dma_wait3A_100 = tpu.memref_slice %arg11[%add3A_18, %dma_wait3A_99] : memref<10240x64xf32, #tpu.memory_space<vmem_shared>> -> memref<128x64xf32, #tpu.memory_space<vmem_shared>>
      %dma_wait3A_101 = arith.constant 0 : i32
      %dma_wait3A_102 = arith.constant 0 : i32
      %dma_wait3A_103 = tpu.memref_slice %arg7[%dma_wait3A_101, %dma_wait3A_102] : memref<256x64xf32, #tpu.memory_space<vmem>> -> memref<128x64xf32, #tpu.memory_space<vmem>>
      tpu.wait_dma2 semaphore(%run_scoped3A_84 : memref<!tpu.dma_semaphore, #tpu.memory_space<semaphore_mem>>) src(%dma_wait3A_103 : memref<128x64xf32, #tpu.memory_space<vmem>>) dst(%dma_wait3A_100 : memref<128x64xf32, #tpu.memory_space<vmem_shared>>)
      tpu.yield
    }) : () -> ()
    %add3A_19 = arith.constant 256 : i32
    %add3A_20 = arith.addi %mul3A_15, %add3A_19 : i32
    "tpu.region"() ({
      %run_scoped3A_84 = tpu.sem_alloc : memref<!tpu.dma_semaphore, #tpu.memory_space<semaphore_mem>>
      %dma_start3A_85 = arith.constant 0 : i32
      %dma_start3A_86 = arith.constant 0 : i32
      %dma_start3A_87 = tpu.memref_slice %arg7[%dma_start3A_85, %dma_start3A_86] : memref<256x64xf32, #tpu.memory_space<vmem>> -> memref<128x64xf32, #tpu.memory_space<vmem>>
      %dma_start3A_88 = arith.constant 0 : i32
      %dma_start3A_89 = tpu.memref_slice %arg11[%add3A_20, %dma_start3A_88] : memref<10240x64xf32, #tpu.memory_space<vmem_shared>> -> memref<128x64xf32, #tpu.memory_space<vmem_shared>>
      %dma_start3A_90 = arith.constant 0 : i32
      %dma_start3A_91 = tpu.memref_slice %arg11[%add3A_20, %dma_start3A_90] : memref<10240x64xf32, #tpu.memory_space<vmem_shared>> -> memref<128x64xf32, #tpu.memory_space<vmem_shared>>
      %dma_start3A_92 = arith.constant 0 : i32
      %dma_start3A_93 = arith.constant 0 : i32
      %dma_start3A_94 = tpu.memref_slice %arg7[%dma_start3A_92, %dma_start3A_93] : memref<256x64xf32, #tpu.memory_space<vmem>> -> memref<128x64xf32, #tpu.memory_space<vmem>>
      tpu.enqueue_dma source(%dma_start3A_94 : memref<128x64xf32, #tpu.memory_space<vmem>>) target(%dma_start3A_91 : memref<128x64xf32, #tpu.memory_space<vmem_shared>>) target_semaphore(%run_scoped3A_84 : memref<!tpu.dma_semaphore, #tpu.memory_space<semaphore_mem>>)
      %dma_wait3A = arith.constant 0 : i32
      %dma_wait3A_95 = arith.constant 0 : i32
      %dma_wait3A_96 = tpu.memref_slice %arg7[%dma_wait3A, %dma_wait3A_95] : memref<256x64xf32, #tpu.memory_space<vmem>> -> memref<128x64xf32, #tpu.memory_space<vmem>>
      %dma_wait3A_97 = arith.constant 0 : i32
      %dma_wait3A_98 = tpu.memref_slice %arg11[%add3A_20, %dma_wait3A_97] : memref<10240x64xf32, #tpu.memory_space<vmem_shared>> -> memref<128x64xf32, #tpu.memory_space<vmem_shared>>
      %dma_wait3A_99 = arith.constant 0 : i32
      %dma_wait3A_100 = tpu.memref_slice %arg11[%add3A_20, %dma_wait3A_99] : memref<10240x64xf32, #tpu.memory_space<vmem_shared>> -> memref<128x64xf32, #tpu.memory_space<vmem_shared>>
      %dma_wait3A_101 = arith.constant 0 : i32
      %dma_wait3A_102 = arith.constant 0 : i32
      %dma_wait3A_103 = tpu.memref_slice %arg7[%dma_wait3A_101, %dma_wait3A_102] : memref<256x64xf32, #tpu.memory_space<vmem>> -> memref<128x64xf32, #tpu.memory_space<vmem>>
      tpu.wait_dma2 semaphore(%run_scoped3A_84 : memref<!tpu.dma_semaphore, #tpu.memory_space<semaphore_mem>>) src(%dma_wait3A_103 : memref<128x64xf32, #tpu.memory_space<vmem>>) dst(%dma_wait3A_100 : memref<128x64xf32, #tpu.memory_space<vmem_shared>>)
      tpu.yield
    }) : () -> ()
    %add3A_21 = arith.constant 384 : i32
    %add3A_22 = arith.addi %mul3A_15, %add3A_21 : i32
    "tpu.region"() ({
      %run_scoped3A_84 = tpu.sem_alloc : memref<!tpu.dma_semaphore, #tpu.memory_space<semaphore_mem>>
      %dma_start3A_85 = arith.constant 0 : i32
      %dma_start3A_86 = arith.constant 0 : i32
      %dma_start3A_87 = tpu.memref_slice %arg7[%dma_start3A_85, %dma_start3A_86] : memref<256x64xf32, #tpu.memory_space<vmem>> -> memref<128x64xf32, #tpu.memory_space<vmem>>
      %dma_start3A_88 = arith.constant 0 : i32
      %dma_start3A_89 = tpu.memref_slice %arg11[%add3A_22, %dma_start3A_88] : memref<10240x64xf32, #tpu.memory_space<vmem_shared>> -> memref<128x64xf32, #tpu.memory_space<vmem_shared>>
      %dma_start3A_90 = arith.constant 0 : i32
      %dma_start3A_91 = tpu.memref_slice %arg11[%add3A_22, %dma_start3A_90] : memref<10240x64xf32, #tpu.memory_space<vmem_shared>> -> memref<128x64xf32, #tpu.memory_space<vmem_shared>>
      %dma_start3A_92 = arith.constant 0 : i32
      %dma_start3A_93 = arith.constant 0 : i32
      %dma_start3A_94 = tpu.memref_slice %arg7[%dma_start3A_92, %dma_start3A_93] : memref<256x64xf32, #tpu.memory_space<vmem>> -> memref<128x64xf32, #tpu.memory_space<vmem>>
      tpu.enqueue_dma source(%dma_start3A_94 : memref<128x64xf32, #tpu.memory_space<vmem>>) target(%dma_start3A_91 : memref<128x64xf32, #tpu.memory_space<vmem_shared>>) target_semaphore(%run_scoped3A_84 : memref<!tpu.dma_semaphore, #tpu.memory_space<semaphore_mem>>)
      %dma_wait3A = arith.constant 0 : i32
      %dma_wait3A_95 = arith.constant 0 : i32
      %dma_wait3A_96 = tpu.memref_slice %arg7[%dma_wait3A, %dma_wait3A_95] : memref<256x64xf32, #tpu.memory_space<vmem>> -> memref<128x64xf32, #tpu.memory_space<vmem>>
      %dma_wait3A_97 = arith.constant 0 : i32
      %dma_wait3A_98 = tpu.memref_slice %arg11[%add3A_22, %dma_wait3A_97] : memref<10240x64xf32, #tpu.memory_space<vmem_shared>> -> memref<128x64xf32, #tpu.memory_space<vmem_shared>>
      %dma_wait3A_99 = arith.constant 0 : i32
      %dma_wait3A_100 = tpu.memref_slice %arg11[%add3A_22, %dma_wait3A_99] : memref<10240x64xf32, #tpu.memory_space<vmem_shared>> -> memref<128x64xf32, #tpu.memory_space<vmem_shared>>
      %dma_wait3A_101 = arith.constant 0 : i32
      %dma_wait3A_102 = arith.constant 0 : i32
      %dma_wait3A_103 = tpu.memref_slice %arg7[%dma_wait3A_101, %dma_wait3A_102] : memref<256x64xf32, #tpu.memory_space<vmem>> -> memref<128x64xf32, #tpu.memory_space<vmem>>
      tpu.wait_dma2 semaphore(%run_scoped3A_84 : memref<!tpu.dma_semaphore, #tpu.memory_space<semaphore_mem>>) src(%dma_wait3A_103 : memref<128x64xf32, #tpu.memory_space<vmem>>) dst(%dma_wait3A_100 : memref<128x64xf32, #tpu.memory_space<vmem_shared>>)
      tpu.yield
    }) : () -> ()
    %add3A_23 = arith.constant 512 : i32
    %add3A_24 = arith.addi %mul3A_15, %add3A_23 : i32
    "tpu.region"() ({
      %run_scoped3A_84 = tpu.sem_alloc : memref<!tpu.dma_semaphore, #tpu.memory_space<semaphore_mem>>
      %dma_start3A_85 = arith.constant 0 : i32
      %dma_start3A_86 = arith.constant 0 : i32
      %dma_start3A_87 = tpu.memref_slice %arg7[%dma_start3A_85, %dma_start3A_86] : memref<256x64xf32, #tpu.memory_space<vmem>> -> memref<128x64xf32, #tpu.memory_space<vmem>>
      %dma_start3A_88 = arith.constant 0 : i32
      %dma_start3A_89 = tpu.memref_slice %arg11[%add3A_24, %dma_start3A_88] : memref<10240x64xf32, #tpu.memory_space<vmem_shared>> -> memref<128x64xf32, #tpu.memory_space<vmem_shared>>
      %dma_start3A_90 = arith.constant 0 : i32
      %dma_start3A_91 = tpu.memref_slice %arg11[%add3A_24, %dma_start3A_90] : memref<10240x64xf32, #tpu.memory_space<vmem_shared>> -> memref<128x64xf32, #tpu.memory_space<vmem_shared>>
      %dma_start3A_92 = arith.constant 0 : i32
      %dma_start3A_93 = arith.constant 0 : i32
      %dma_start3A_94 = tpu.memref_slice %arg7[%dma_start3A_92, %dma_start3A_93] : memref<256x64xf32, #tpu.memory_space<vmem>> -> memref<128x64xf32, #tpu.memory_space<vmem>>
      tpu.enqueue_dma source(%dma_start3A_94 : memref<128x64xf32, #tpu.memory_space<vmem>>) target(%dma_start3A_91 : memref<128x64xf32, #tpu.memory_space<vmem_shared>>) target_semaphore(%run_scoped3A_84 : memref<!tpu.dma_semaphore, #tpu.memory_space<semaphore_mem>>)
      %dma_wait3A = arith.constant 0 : i32
      %dma_wait3A_95 = arith.constant 0 : i32
      %dma_wait3A_96 = tpu.memref_slice %arg7[%dma_wait3A, %dma_wait3A_95] : memref<256x64xf32, #tpu.memory_space<vmem>> -> memref<128x64xf32, #tpu.memory_space<vmem>>
      %dma_wait3A_97 = arith.constant 0 : i32
      %dma_wait3A_98 = tpu.memref_slice %arg11[%add3A_24, %dma_wait3A_97] : memref<10240x64xf32, #tpu.memory_space<vmem_shared>> -> memref<128x64xf32, #tpu.memory_space<vmem_shared>>
      %dma_wait3A_99 = arith.constant 0 : i32
      %dma_wait3A_100 = tpu.memref_slice %arg11[%add3A_24, %dma_wait3A_99] : memref<10240x64xf32, #tpu.memory_space<vmem_shared>> -> memref<128x64xf32, #tpu.memory_space<vmem_shared>>
      %dma_wait3A_101 = arith.constant 0 : i32
      %dma_wait3A_102 = arith.constant 0 : i32
      %dma_wait3A_103 = tpu.memref_slice %arg7[%dma_wait3A_101, %dma_wait3A_102] : memref<256x64xf32, #tpu.memory_space<vmem>> -> memref<128x64xf32, #tpu.memory_space<vmem>>
      tpu.wait_dma2 semaphore(%run_scoped3A_84 : memref<!tpu.dma_semaphore, #tpu.memory_space<semaphore_mem>>) src(%dma_wait3A_103 : memref<128x64xf32, #tpu.memory_space<vmem>>) dst(%dma_wait3A_100 : memref<128x64xf32, #tpu.memory_space<vmem_shared>>)
      tpu.yield
    }) : () -> ()
    %barrier3A = arith.constant 0 : index
    tpu.barrier barrier_id(%barrier3A)
    %dma_start3A = arith.constant 0 : i32
    %dma_start3A_25 = arith.constant 0 : i32
    %dma_start3A_26 = tpu.memref_slice %arg5[%dma_start3A, %dma_start3A_25] : memref<80x256xi32, #tpu.memory_space<vmem>> -> memref<1x256xi32, #tpu.memory_space<vmem>>
    %dma_start3A_27 = tpu.memref_squeeze %dma_start3A_26 : memref<1x256xi32, #tpu.memory_space<vmem>> -> memref<256xi32, #tpu.memory_space<vmem>>
    %dma_start3A_28 = arith.constant 0 : i32
    %dma_start3A_29 = arith.constant 0 : i32
    %dma_start3A_30 = tpu.memref_slice %arg2[%arg0, %dma_start3A_28, %dma_start3A_29] : memref<2x10240x64xf32, #tpu.memory_space<hbm>> -> memref<1x10240x64xf32, #tpu.memory_space<hbm>>
    %dma_start3A_31 = tpu.memref_squeeze %dma_start3A_30 : memref<1x10240x64xf32, #tpu.memory_space<hbm>> -> memref<10240x64xf32, #tpu.memory_space<hbm>>
    %dma_start3A_32 = arith.constant 0 : i32
    %dma_start3A_33 = arith.constant 0 : i32
    %dma_start3A_34 = tpu.memref_slice %dma_start3A_31[%dma_start3A_32, %dma_start3A_33] : memref<10240x64xf32, #tpu.memory_space<hbm>> -> memref<10240x64xf32, #tpu.memory_space<hbm>>
    tpu.enqueue_indirect_dma source(%dma_start3A_34 : memref<10240x64xf32, #tpu.memory_space<hbm>>) target(%arg7 : memref<256x64xf32, #tpu.memory_space<vmem>>) offsets(%dma_start3A_27 : memref<256xi32, #tpu.memory_space<vmem>>) semaphore(%arg9 : memref<!tpu.dma_semaphore, #tpu.memory_space<semaphore_mem>>)
    %dma_start3A_35 = arith.constant 1 : i32
    %dma_start3A_36 = arith.constant 0 : i32
    %dma_start3A_37 = tpu.memref_slice %arg5[%dma_start3A_35, %dma_start3A_36] : memref<80x256xi32, #tpu.memory_space<vmem>> -> memref<1x256xi32, #tpu.memory_space<vmem>>
    %dma_start3A_38 = tpu.memref_squeeze %dma_start3A_37 : memref<1x256xi32, #tpu.memory_space<vmem>> -> memref<256xi32, #tpu.memory_space<vmem>>
    %dma_start3A_39 = arith.constant 0 : i32
    %dma_start3A_40 = arith.constant 0 : i32
    %dma_start3A_41 = tpu.memref_slice %arg2[%arg0, %dma_start3A_39, %dma_start3A_40] : memref<2x10240x64xf32, #tpu.memory_space<hbm>> -> memref<1x10240x64xf32, #tpu.memory_space<hbm>>
    %dma_start3A_42 = tpu.memref_squeeze %dma_start3A_41 : memref<1x10240x64xf32, #tpu.memory_space<hbm>> -> memref<10240x64xf32, #tpu.memory_space<hbm>>
    %dma_start3A_43 = arith.constant 0 : i32
    %dma_start3A_44 = arith.constant 0 : i32
    %dma_start3A_45 = tpu.memref_slice %dma_start3A_42[%dma_start3A_43, %dma_start3A_44] : memref<10240x64xf32, #tpu.memory_space<hbm>> -> memref<10240x64xf32, #tpu.memory_space<hbm>>
    tpu.enqueue_indirect_dma source(%dma_start3A_45 : memref<10240x64xf32, #tpu.memory_space<hbm>>) target(%arg8 : memref<256x64xf32, #tpu.memory_space<vmem>>) offsets(%dma_start3A_38 : memref<256xi32, #tpu.memory_space<vmem>>) semaphore(%arg10 : memref<!tpu.dma_semaphore, #tpu.memory_space<semaphore_mem>>)
    %jit3A_46 = arith.constant 2 : i32
    %div3A = arith.divsi %select_n3A, %jit3A_46 : i32
    %sign3A = arith.constant 0 : i32
    %sign3A_47 = arith.cmpi sgt, %select_n3A, %sign3A : i32
    %sign3A_48 = arith.extui %sign3A_47 : i1 to i32
    %sign3A_49 = arith.constant 0 : i32
    %sign3A_50 = arith.cmpi slt, %select_n3A, %sign3A_49 : i32
    %sign3A_51 = arith.extui %sign3A_50 : i1 to i32
    %sign3A_52 = arith.subi %sign3A_48, %sign3A_51 : i32
    %sign3A_53 = arith.constant 0 : i32
    %sign3A_54 = arith.cmpi sgt, %jit3A_46, %sign3A_53 : i32
    %sign3A_55 = arith.extui %sign3A_54 : i1 to i32
    %sign3A_56 = arith.constant 0 : i32
    %sign3A_57 = arith.cmpi slt, %jit3A_46, %sign3A_56 : i32
    %sign3A_58 = arith.extui %sign3A_57 : i1 to i32
    %sign3A_59 = arith.subi %sign3A_55, %sign3A_58 : i32
    %ne3A = arith.cmpi ne, %sign3A_52, %sign3A_59 : i32
    %rem3A = arith.remsi %select_n3A, %jit3A_46 : i32
    %ne3A_60 = arith.constant 0 : i32
    %ne3A_61 = arith.cmpi ne, %rem3A, %ne3A_60 : i32
    %and3A = arith.andi %ne3A, %ne3A_61 : i1
    %sub3A = arith.constant 1 : i32
    %sub3A_62 = arith.subi %div3A, %sub3A : i32
    %select_n3A_63 = arith.select %and3A, %sub3A_62, %div3A : i32
    %while3A = arith.constant 0 : i32
    %while3A_64 = arith.constant 0 : i32
    %while3A_65 = arith.subi %select_n3A_63, %while3A_64 : i32
    %while3A_66 = arith.addi %while3A_64, %while3A_65 : i32
    %while3A_67 = arith.constant 1 : i32
    %while3A_68 = arith.divsi %while3A_65, %while3A_67 : i32
    %while3A_69 = arith.muli %while3A_68, %while3A_67 : i32
    %while3A_70 = arith.addi %while3A_64, %while3A_69 : i32
    %while3A_71 = arith.constant 1 : i32
    scf.for %while3A_84 = %while3A_64 to %while3A_70 step %while3A_71  : i32 {
      %mul3A_85 = arith.constant 2 : i32
      %mul3A_86 = arith.muli %while3A_84, %mul3A_85 : i32
      %add3A_87 = arith.constant 0 : i32
      %add3A_88 = arith.addi %mul3A_86, %add3A_87 : i32
      %dma_wait3A = arith.constant 0 : i32
      %dma_wait3A_89 = tpu.memref_slice %arg5[%add3A_88, %dma_wait3A] : memref<80x256xi32, #tpu.memory_space<vmem>> -> memref<1x256xi32, #tpu.memory_space<vmem>>
      %dma_wait3A_90 = tpu.memref_squeeze %dma_wait3A_89 : memref<1x256xi32, #tpu.memory_space<vmem>> -> memref<256xi32, #tpu.memory_space<vmem>>
      %dma_wait3A_91 = arith.constant 0 : i32
      %dma_wait3A_92 = arith.constant 0 : i32
      %dma_wait3A_93 = tpu.memref_slice %arg2[%arg0, %dma_wait3A_91, %dma_wait3A_92] : memref<2x10240x64xf32, #tpu.memory_space<hbm>> -> memref<1x10240x64xf32, #tpu.memory_space<hbm>>
      %dma_wait3A_94 = tpu.memref_squeeze %dma_wait3A_93 : memref<1x10240x64xf32, #tpu.memory_space<hbm>> -> memref<10240x64xf32, #tpu.memory_space<hbm>>
      %dma_wait3A_95 = arith.constant 0 : i32
      %dma_wait3A_96 = arith.constant 0 : i32
      %dma_wait3A_97 = tpu.memref_slice %dma_wait3A_94[%dma_wait3A_95, %dma_wait3A_96] : memref<10240x64xf32, #tpu.memory_space<hbm>> -> memref<10240x64xf32, #tpu.memory_space<hbm>>
      tpu.wait_indirect_dma semaphore(%arg9 : memref<!tpu.dma_semaphore, #tpu.memory_space<semaphore_mem>>) src(%dma_wait3A_97 : memref<10240x64xf32, #tpu.memory_space<hbm>>) dst(%arg7 : memref<256x64xf32, #tpu.memory_space<vmem>>)
      "tpu.region"() ({
        %run_scoped3A_122 = tpu.sem_alloc : memref<!tpu.dma_semaphore, #tpu.memory_space<semaphore_mem>>
        %dma_start3A_123 = arith.constant 0 : i32
        %dma_start3A_124 = tpu.memref_slice %arg6[%add3A_88, %dma_start3A_123] : memref<80x256xi32, #tpu.memory_space<vmem>> -> memref<1x256xi32, #tpu.memory_space<vmem>>
        %dma_start3A_125 = tpu.memref_squeeze %dma_start3A_124 : memref<1x256xi32, #tpu.memory_space<vmem>> -> memref<256xi32, #tpu.memory_space<vmem>>
        %dma_start3A_126 = arith.constant 0 : i32
        %dma_start3A_127 = arith.constant 0 : i32
        %dma_start3A_128 = tpu.memref_slice %arg11[%dma_start3A_126, %dma_start3A_127] : memref<10240x64xf32, #tpu.memory_space<vmem_shared>> -> memref<10240x64xf32, #tpu.memory_space<vmem_shared>>
        tpu.enqueue_indirect_dma source(%arg7 : memref<256x64xf32, #tpu.memory_space<vmem>>) target(%dma_start3A_128 : memref<10240x64xf32, #tpu.memory_space<vmem_shared>>) offsets(%dma_start3A_125 : memref<256xi32, #tpu.memory_space<vmem>>) semaphore(%run_scoped3A_122 : memref<!tpu.dma_semaphore, #tpu.memory_space<semaphore_mem>>) {add = true}
        %dma_wait3A_129 = arith.constant 0 : i32
        %dma_wait3A_130 = tpu.memref_slice %arg6[%add3A_88, %dma_wait3A_129] : memref<80x256xi32, #tpu.memory_space<vmem>> -> memref<1x256xi32, #tpu.memory_space<vmem>>
        %dma_wait3A_131 = tpu.memref_squeeze %dma_wait3A_130 : memref<1x256xi32, #tpu.memory_space<vmem>> -> memref<256xi32, #tpu.memory_space<vmem>>
        %dma_wait3A_132 = arith.constant 0 : i32
        %dma_wait3A_133 = arith.constant 0 : i32
        %dma_wait3A_134 = tpu.memref_slice %arg11[%dma_wait3A_132, %dma_wait3A_133] : memref<10240x64xf32, #tpu.memory_space<vmem_shared>> -> memref<10240x64xf32, #tpu.memory_space<vmem_shared>>
        tpu.wait_indirect_dma semaphore(%run_scoped3A_122 : memref<!tpu.dma_semaphore, #tpu.memory_space<semaphore_mem>>) src(%arg7 : memref<256x64xf32, #tpu.memory_space<vmem>>) dst(%dma_wait3A_134 : memref<10240x64xf32, #tpu.memory_space<vmem_shared>>)
        tpu.yield
      }) : () -> ()
      %add3A_98 = arith.constant 2 : i32
      %add3A_99 = arith.addi %add3A_88, %add3A_98 : i32
      %lt3A_100 = arith.cmpi slt, %add3A_99, %select_n3A : i32
      %convert_element_type3A_101 = arith.extui %lt3A_100 : i1 to i32
      %cond3A_102 = arith.constant 0 : i32
      %cond3A_103 = arith.cmpi ne, %convert_element_type3A_101, %cond3A_102 : i32
      scf.if %cond3A_103 {
        %add3A_122 = arith.constant 2 : i32
        %add3A_123 = arith.addi %add3A_88, %add3A_122 : i32
        %dma_start3A_124 = arith.constant 0 : i32
        %dma_start3A_125 = tpu.memref_slice %arg5[%add3A_123, %dma_start3A_124] : memref<80x256xi32, #tpu.memory_space<vmem>> -> memref<1x256xi32, #tpu.memory_space<vmem>>
        %dma_start3A_126 = tpu.memref_squeeze %dma_start3A_125 : memref<1x256xi32, #tpu.memory_space<vmem>> -> memref<256xi32, #tpu.memory_space<vmem>>
        %dma_start3A_127 = arith.constant 0 : i32
        %dma_start3A_128 = arith.constant 0 : i32
        %dma_start3A_129 = tpu.memref_slice %arg2[%arg0, %dma_start3A_127, %dma_start3A_128] : memref<2x10240x64xf32, #tpu.memory_space<hbm>> -> memref<1x10240x64xf32, #tpu.memory_space<hbm>>
        %dma_start3A_130 = tpu.memref_squeeze %dma_start3A_129 : memref<1x10240x64xf32, #tpu.memory_space<hbm>> -> memref<10240x64xf32, #tpu.memory_space<hbm>>
        %dma_start3A_131 = arith.constant 0 : i32
        %dma_start3A_132 = arith.constant 0 : i32
        %dma_start3A_133 = tpu.memref_slice %dma_start3A_130[%dma_start3A_131, %dma_start3A_132] : memref<10240x64xf32, #tpu.memory_space<hbm>> -> memref<10240x64xf32, #tpu.memory_space<hbm>>
        tpu.enqueue_indirect_dma source(%dma_start3A_133 : memref<10240x64xf32, #tpu.memory_space<hbm>>) target(%arg7 : memref<256x64xf32, #tpu.memory_space<vmem>>) offsets(%dma_start3A_126 : memref<256xi32, #tpu.memory_space<vmem>>) semaphore(%arg9 : memref<!tpu.dma_semaphore, #tpu.memory_space<semaphore_mem>>)
      } else {
      }
      %add3A_104 = arith.constant 1 : i32
      %add3A_105 = arith.addi %mul3A_86, %add3A_104 : i32
      %dma_wait3A_106 = arith.constant 0 : i32
      %dma_wait3A_107 = tpu.memref_slice %arg5[%add3A_105, %dma_wait3A_106] : memref<80x256xi32, #tpu.memory_space<vmem>> -> memref<1x256xi32, #tpu.memory_space<vmem>>
      %dma_wait3A_108 = tpu.memref_squeeze %dma_wait3A_107 : memref<1x256xi32, #tpu.memory_space<vmem>> -> memref<256xi32, #tpu.memory_space<vmem>>
      %dma_wait3A_109 = arith.constant 0 : i32
      %dma_wait3A_110 = arith.constant 0 : i32
      %dma_wait3A_111 = tpu.memref_slice %arg2[%arg0, %dma_wait3A_109, %dma_wait3A_110] : memref<2x10240x64xf32, #tpu.memory_space<hbm>> -> memref<1x10240x64xf32, #tpu.memory_space<hbm>>
      %dma_wait3A_112 = tpu.memref_squeeze %dma_wait3A_111 : memref<1x10240x64xf32, #tpu.memory_space<hbm>> -> memref<10240x64xf32, #tpu.memory_space<hbm>>
      %dma_wait3A_113 = arith.constant 0 : i32
      %dma_wait3A_114 = arith.constant 0 : i32
      %dma_wait3A_115 = tpu.memref_slice %dma_wait3A_112[%dma_wait3A_113, %dma_wait3A_114] : memref<10240x64xf32, #tpu.memory_space<hbm>> -> memref<10240x64xf32, #tpu.memory_space<hbm>>
      tpu.wait_indirect_dma semaphore(%arg10 : memref<!tpu.dma_semaphore, #tpu.memory_space<semaphore_mem>>) src(%dma_wait3A_115 : memref<10240x64xf32, #tpu.memory_space<hbm>>) dst(%arg8 : memref<256x64xf32, #tpu.memory_space<vmem>>)
      "tpu.region"() ({
        %run_scoped3A_122 = tpu.sem_alloc : memref<!tpu.dma_semaphore, #tpu.memory_space<semaphore_mem>>
        %dma_start3A_123 = arith.constant 0 : i32
        %dma_start3A_124 = tpu.memref_slice %arg6[%add3A_105, %dma_start3A_123] : memref<80x256xi32, #tpu.memory_space<vmem>> -> memref<1x256xi32, #tpu.memory_space<vmem>>
        %dma_start3A_125 = tpu.memref_squeeze %dma_start3A_124 : memref<1x256xi32, #tpu.memory_space<vmem>> -> memref<256xi32, #tpu.memory_space<vmem>>
        %dma_start3A_126 = arith.constant 0 : i32
        %dma_start3A_127 = arith.constant 0 : i32
        %dma_start3A_128 = tpu.memref_slice %arg11[%dma_start3A_126, %dma_start3A_127] : memref<10240x64xf32, #tpu.memory_space<vmem_shared>> -> memref<10240x64xf32, #tpu.memory_space<vmem_shared>>
        tpu.enqueue_indirect_dma source(%arg8 : memref<256x64xf32, #tpu.memory_space<vmem>>) target(%dma_start3A_128 : memref<10240x64xf32, #tpu.memory_space<vmem_shared>>) offsets(%dma_start3A_125 : memref<256xi32, #tpu.memory_space<vmem>>) semaphore(%run_scoped3A_122 : memref<!tpu.dma_semaphore, #tpu.memory_space<semaphore_mem>>) {add = true}
        %dma_wait3A_129 = arith.constant 0 : i32
        %dma_wait3A_130 = tpu.memref_slice %arg6[%add3A_105, %dma_wait3A_129] : memref<80x256xi32, #tpu.memory_space<vmem>> -> memref<1x256xi32, #tpu.memory_space<vmem>>
        %dma_wait3A_131 = tpu.memref_squeeze %dma_wait3A_130 : memref<1x256xi32, #tpu.memory_space<vmem>> -> memref<256xi32, #tpu.memory_space<vmem>>
        %dma_wait3A_132 = arith.constant 0 : i32
        %dma_wait3A_133 = arith.constant 0 : i32
        %dma_wait3A_134 = tpu.memref_slice %arg11[%dma_wait3A_132, %dma_wait3A_133] : memref<10240x64xf32, #tpu.memory_space<vmem_shared>> -> memref<10240x64xf32, #tpu.memory_space<vmem_shared>>
        tpu.wait_indirect_dma semaphore(%run_scoped3A_122 : memref<!tpu.dma_semaphore, #tpu.memory_space<semaphore_mem>>) src(%arg8 : memref<256x64xf32, #tpu.memory_space<vmem>>) dst(%dma_wait3A_134 : memref<10240x64xf32, #tpu.memory_space<vmem_shared>>)
        tpu.yield
      }) : () -> ()
      %add3A_116 = arith.constant 2 : i32
      %add3A_117 = arith.addi %add3A_105, %add3A_116 : i32
      %lt3A_118 = arith.cmpi slt, %add3A_117, %select_n3A : i32
      %convert_element_type3A_119 = arith.extui %lt3A_118 : i1 to i32
      %cond3A_120 = arith.constant 0 : i32
      %cond3A_121 = arith.cmpi ne, %convert_element_type3A_119, %cond3A_120 : i32
      scf.if %cond3A_121 {
        %add3A_122 = arith.constant 2 : i32
        %add3A_123 = arith.addi %add3A_105, %add3A_122 : i32
        %dma_start3A_124 = arith.constant 0 : i32
        %dma_start3A_125 = tpu.memref_slice %arg5[%add3A_123, %dma_start3A_124] : memref<80x256xi32, #tpu.memory_space<vmem>> -> memref<1x256xi32, #tpu.memory_space<vmem>>
        %dma_start3A_126 = tpu.memref_squeeze %dma_start3A_125 : memref<1x256xi32, #tpu.memory_space<vmem>> -> memref<256xi32, #tpu.memory_space<vmem>>
        %dma_start3A_127 = arith.constant 0 : i32
        %dma_start3A_128 = arith.constant 0 : i32
        %dma_start3A_129 = tpu.memref_slice %arg2[%arg0, %dma_start3A_127, %dma_start3A_128] : memref<2x10240x64xf32, #tpu.memory_space<hbm>> -> memref<1x10240x64xf32, #tpu.memory_space<hbm>>
        %dma_start3A_130 = tpu.memref_squeeze %dma_start3A_129 : memref<1x10240x64xf32, #tpu.memory_space<hbm>> -> memref<10240x64xf32, #tpu.memory_space<hbm>>
        %dma_start3A_131 = arith.constant 0 : i32
        %dma_start3A_132 = arith.constant 0 : i32
        %dma_start3A_133 = tpu.memref_slice %dma_start3A_130[%dma_start3A_131, %dma_start3A_132] : memref<10240x64xf32, #tpu.memory_space<hbm>> -> memref<10240x64xf32, #tpu.memory_space<hbm>>
        tpu.enqueue_indirect_dma source(%dma_start3A_133 : memref<10240x64xf32, #tpu.memory_space<hbm>>) target(%arg8 : memref<256x64xf32, #tpu.memory_space<vmem>>) offsets(%dma_start3A_126 : memref<256xi32, #tpu.memory_space<vmem>>) semaphore(%arg10 : memref<!tpu.dma_semaphore, #tpu.memory_space<semaphore_mem>>)
      } else {
      }
    }
    %while3A_72 = arith.constant 1 : i32
    scf.for %while3A_84 = %while3A_70 to %while3A_66 step %while3A_72  : i32 {
      %mul3A_85 = arith.constant 2 : i32
      %mul3A_86 = arith.muli %while3A_84, %mul3A_85 : i32
      %add3A_87 = arith.constant 0 : i32
      %add3A_88 = arith.addi %mul3A_86, %add3A_87 : i32
      %dma_wait3A = arith.constant 0 : i32
      %dma_wait3A_89 = tpu.memref_slice %arg5[%add3A_88, %dma_wait3A] : memref<80x256xi32, #tpu.memory_space<vmem>> -> memref<1x256xi32, #tpu.memory_space<vmem>>
      %dma_wait3A_90 = tpu.memref_squeeze %dma_wait3A_89 : memref<1x256xi32, #tpu.memory_space<vmem>> -> memref<256xi32, #tpu.memory_space<vmem>>
      %dma_wait3A_91 = arith.constant 0 : i32
      %dma_wait3A_92 = arith.constant 0 : i32
      %dma_wait3A_93 = tpu.memref_slice %arg2[%arg0, %dma_wait3A_91, %dma_wait3A_92] : memref<2x10240x64xf32, #tpu.memory_space<hbm>> -> memref<1x10240x64xf32, #tpu.memory_space<hbm>>
      %dma_wait3A_94 = tpu.memref_squeeze %dma_wait3A_93 : memref<1x10240x64xf32, #tpu.memory_space<hbm>> -> memref<10240x64xf32, #tpu.memory_space<hbm>>
      %dma_wait3A_95 = arith.constant 0 : i32
      %dma_wait3A_96 = arith.constant 0 : i32
      %dma_wait3A_97 = tpu.memref_slice %dma_wait3A_94[%dma_wait3A_95, %dma_wait3A_96] : memref<10240x64xf32, #tpu.memory_space<hbm>> -> memref<10240x64xf32, #tpu.memory_space<hbm>>
      tpu.wait_indirect_dma semaphore(%arg9 : memref<!tpu.dma_semaphore, #tpu.memory_space<semaphore_mem>>) src(%dma_wait3A_97 : memref<10240x64xf32, #tpu.memory_space<hbm>>) dst(%arg7 : memref<256x64xf32, #tpu.memory_space<vmem>>)
      "tpu.region"() ({
        %run_scoped3A_122 = tpu.sem_alloc : memref<!tpu.dma_semaphore, #tpu.memory_space<semaphore_mem>>
        %dma_start3A_123 = arith.constant 0 : i32
        %dma_start3A_124 = tpu.memref_slice %arg6[%add3A_88, %dma_start3A_123] : memref<80x256xi32, #tpu.memory_space<vmem>> -> memref<1x256xi32, #tpu.memory_space<vmem>>
        %dma_start3A_125 = tpu.memref_squeeze %dma_start3A_124 : memref<1x256xi32, #tpu.memory_space<vmem>> -> memref<256xi32, #tpu.memory_space<vmem>>
        %dma_start3A_126 = arith.constant 0 : i32
        %dma_start3A_127 = arith.constant 0 : i32
        %dma_start3A_128 = tpu.memref_slice %arg11[%dma_start3A_126, %dma_start3A_127] : memref<10240x64xf32, #tpu.memory_space<vmem_shared>> -> memref<10240x64xf32, #tpu.memory_space<vmem_shared>>
        tpu.enqueue_indirect_dma source(%arg7 : memref<256x64xf32, #tpu.memory_space<vmem>>) target(%dma_start3A_128 : memref<10240x64xf32, #tpu.memory_space<vmem_shared>>) offsets(%dma_start3A_125 : memref<256xi32, #tpu.memory_space<vmem>>) semaphore(%run_scoped3A_122 : memref<!tpu.dma_semaphore, #tpu.memory_space<semaphore_mem>>) {add = true}
        %dma_wait3A_129 = arith.constant 0 : i32
        %dma_wait3A_130 = tpu.memref_slice %arg6[%add3A_88, %dma_wait3A_129] : memref<80x256xi32, #tpu.memory_space<vmem>> -> memref<1x256xi32, #tpu.memory_space<vmem>>
        %dma_wait3A_131 = tpu.memref_squeeze %dma_wait3A_130 : memref<1x256xi32, #tpu.memory_space<vmem>> -> memref<256xi32, #tpu.memory_space<vmem>>
        %dma_wait3A_132 = arith.constant 0 : i32
        %dma_wait3A_133 = arith.constant 0 : i32
        %dma_wait3A_134 = tpu.memref_slice %arg11[%dma_wait3A_132, %dma_wait3A_133] : memref<10240x64xf32, #tpu.memory_space<vmem_shared>> -> memref<10240x64xf32, #tpu.memory_space<vmem_shared>>
        tpu.wait_indirect_dma semaphore(%run_scoped3A_122 : memref<!tpu.dma_semaphore, #tpu.memory_space<semaphore_mem>>) src(%arg7 : memref<256x64xf32, #tpu.memory_space<vmem>>) dst(%dma_wait3A_134 : memref<10240x64xf32, #tpu.memory_space<vmem_shared>>)
        tpu.yield
      }) : () -> ()
      %add3A_98 = arith.constant 2 : i32
      %add3A_99 = arith.addi %add3A_88, %add3A_98 : i32
      %lt3A_100 = arith.cmpi slt, %add3A_99, %select_n3A : i32
      %convert_element_type3A_101 = arith.extui %lt3A_100 : i1 to i32
      %cond3A_102 = arith.constant 0 : i32
      %cond3A_103 = arith.cmpi ne, %convert_element_type3A_101, %cond3A_102 : i32
      scf.if %cond3A_103 {
        %add3A_122 = arith.constant 2 : i32
        %add3A_123 = arith.addi %add3A_88, %add3A_122 : i32
        %dma_start3A_124 = arith.constant 0 : i32
        %dma_start3A_125 = tpu.memref_slice %arg5[%add3A_123, %dma_start3A_124] : memref<80x256xi32, #tpu.memory_space<vmem>> -> memref<1x256xi32, #tpu.memory_space<vmem>>
        %dma_start3A_126 = tpu.memref_squeeze %dma_start3A_125 : memref<1x256xi32, #tpu.memory_space<vmem>> -> memref<256xi32, #tpu.memory_space<vmem>>
        %dma_start3A_127 = arith.constant 0 : i32
        %dma_start3A_128 = arith.constant 0 : i32
        %dma_start3A_129 = tpu.memref_slice %arg2[%arg0, %dma_start3A_127, %dma_start3A_128] : memref<2x10240x64xf32, #tpu.memory_space<hbm>> -> memref<1x10240x64xf32, #tpu.memory_space<hbm>>
        %dma_start3A_130 = tpu.memref_squeeze %dma_start3A_129 : memref<1x10240x64xf32, #tpu.memory_space<hbm>> -> memref<10240x64xf32, #tpu.memory_space<hbm>>
        %dma_start3A_131 = arith.constant 0 : i32
        %dma_start3A_132 = arith.constant 0 : i32
        %dma_start3A_133 = tpu.memref_slice %dma_start3A_130[%dma_start3A_131, %dma_start3A_132] : memref<10240x64xf32, #tpu.memory_space<hbm>> -> memref<10240x64xf32, #tpu.memory_space<hbm>>
        tpu.enqueue_indirect_dma source(%dma_start3A_133 : memref<10240x64xf32, #tpu.memory_space<hbm>>) target(%arg7 : memref<256x64xf32, #tpu.memory_space<vmem>>) offsets(%dma_start3A_126 : memref<256xi32, #tpu.memory_space<vmem>>) semaphore(%arg9 : memref<!tpu.dma_semaphore, #tpu.memory_space<semaphore_mem>>)
      } else {
      }
      %add3A_104 = arith.constant 1 : i32
      %add3A_105 = arith.addi %mul3A_86, %add3A_104 : i32
      %dma_wait3A_106 = arith.constant 0 : i32
      %dma_wait3A_107 = tpu.memref_slice %arg5[%add3A_105, %dma_wait3A_106] : memref<80x256xi32, #tpu.memory_space<vmem>> -> memref<1x256xi32, #tpu.memory_space<vmem>>
      %dma_wait3A_108 = tpu.memref_squeeze %dma_wait3A_107 : memref<1x256xi32, #tpu.memory_space<vmem>> -> memref<256xi32, #tpu.memory_space<vmem>>
      %dma_wait3A_109 = arith.constant 0 : i32
      %dma_wait3A_110 = arith.constant 0 : i32
      %dma_wait3A_111 = tpu.memref_slice %arg2[%arg0, %dma_wait3A_109, %dma_wait3A_110] : memref<2x10240x64xf32, #tpu.memory_space<hbm>> -> memref<1x10240x64xf32, #tpu.memory_space<hbm>>
      %dma_wait3A_112 = tpu.memref_squeeze %dma_wait3A_111 : memref<1x10240x64xf32, #tpu.memory_space<hbm>> -> memref<10240x64xf32, #tpu.memory_space<hbm>>
      %dma_wait3A_113 = arith.constant 0 : i32
      %dma_wait3A_114 = arith.constant 0 : i32
      %dma_wait3A_115 = tpu.memref_slice %dma_wait3A_112[%dma_wait3A_113, %dma_wait3A_114] : memref<10240x64xf32, #tpu.memory_space<hbm>> -> memref<10240x64xf32, #tpu.memory_space<hbm>>
      tpu.wait_indirect_dma semaphore(%arg10 : memref<!tpu.dma_semaphore, #tpu.memory_space<semaphore_mem>>) src(%dma_wait3A_115 : memref<10240x64xf32, #tpu.memory_space<hbm>>) dst(%arg8 : memref<256x64xf32, #tpu.memory_space<vmem>>)
      "tpu.region"() ({
        %run_scoped3A_122 = tpu.sem_alloc : memref<!tpu.dma_semaphore, #tpu.memory_space<semaphore_mem>>
        %dma_start3A_123 = arith.constant 0 : i32
        %dma_start3A_124 = tpu.memref_slice %arg6[%add3A_105, %dma_start3A_123] : memref<80x256xi32, #tpu.memory_space<vmem>> -> memref<1x256xi32, #tpu.memory_space<vmem>>
        %dma_start3A_125 = tpu.memref_squeeze %dma_start3A_124 : memref<1x256xi32, #tpu.memory_space<vmem>> -> memref<256xi32, #tpu.memory_space<vmem>>
        %dma_start3A_126 = arith.constant 0 : i32
        %dma_start3A_127 = arith.constant 0 : i32
        %dma_start3A_128 = tpu.memref_slice %arg11[%dma_start3A_126, %dma_start3A_127] : memref<10240x64xf32, #tpu.memory_space<vmem_shared>> -> memref<10240x64xf32, #tpu.memory_space<vmem_shared>>
        tpu.enqueue_indirect_dma source(%arg8 : memref<256x64xf32, #tpu.memory_space<vmem>>) target(%dma_start3A_128 : memref<10240x64xf32, #tpu.memory_space<vmem_shared>>) offsets(%dma_start3A_125 : memref<256xi32, #tpu.memory_space<vmem>>) semaphore(%run_scoped3A_122 : memref<!tpu.dma_semaphore, #tpu.memory_space<semaphore_mem>>) {add = true}
        %dma_wait3A_129 = arith.constant 0 : i32
        %dma_wait3A_130 = tpu.memref_slice %arg6[%add3A_105, %dma_wait3A_129] : memref<80x256xi32, #tpu.memory_space<vmem>> -> memref<1x256xi32, #tpu.memory_space<vmem>>
        %dma_wait3A_131 = tpu.memref_squeeze %dma_wait3A_130 : memref<1x256xi32, #tpu.memory_space<vmem>> -> memref<256xi32, #tpu.memory_space<vmem>>
        %dma_wait3A_132 = arith.constant 0 : i32
        %dma_wait3A_133 = arith.constant 0 : i32
        %dma_wait3A_134 = tpu.memref_slice %arg11[%dma_wait3A_132, %dma_wait3A_133] : memref<10240x64xf32, #tpu.memory_space<vmem_shared>> -> memref<10240x64xf32, #tpu.memory_space<vmem_shared>>
        tpu.wait_indirect_dma semaphore(%run_scoped3A_122 : memref<!tpu.dma_semaphore, #tpu.memory_space<semaphore_mem>>) src(%arg8 : memref<256x64xf32, #tpu.memory_space<vmem>>) dst(%dma_wait3A_134 : memref<10240x64xf32, #tpu.memory_space<vmem_shared>>)
        tpu.yield
      }) : () -> ()
      %add3A_116 = arith.constant 2 : i32
      %add3A_117 = arith.addi %add3A_105, %add3A_116 : i32
      %lt3A_118 = arith.cmpi slt, %add3A_117, %select_n3A : i32
      %convert_element_type3A_119 = arith.extui %lt3A_118 : i1 to i32
      %cond3A_120 = arith.constant 0 : i32
      %cond3A_121 = arith.cmpi ne, %convert_element_type3A_119, %cond3A_120 : i32
      scf.if %cond3A_121 {
        %add3A_122 = arith.constant 2 : i32
        %add3A_123 = arith.addi %add3A_105, %add3A_122 : i32
        %dma_start3A_124 = arith.constant 0 : i32
        %dma_start3A_125 = tpu.memref_slice %arg5[%add3A_123, %dma_start3A_124] : memref<80x256xi32, #tpu.memory_space<vmem>> -> memref<1x256xi32, #tpu.memory_space<vmem>>
        %dma_start3A_126 = tpu.memref_squeeze %dma_start3A_125 : memref<1x256xi32, #tpu.memory_space<vmem>> -> memref<256xi32, #tpu.memory_space<vmem>>
        %dma_start3A_127 = arith.constant 0 : i32
        %dma_start3A_128 = arith.constant 0 : i32
        %dma_start3A_129 = tpu.memref_slice %arg2[%arg0, %dma_start3A_127, %dma_start3A_128] : memref<2x10240x64xf32, #tpu.memory_space<hbm>> -> memref<1x10240x64xf32, #tpu.memory_space<hbm>>
        %dma_start3A_130 = tpu.memref_squeeze %dma_start3A_129 : memref<1x10240x64xf32, #tpu.memory_space<hbm>> -> memref<10240x64xf32, #tpu.memory_space<hbm>>
        %dma_start3A_131 = arith.constant 0 : i32
        %dma_start3A_132 = arith.constant 0 : i32
        %dma_start3A_133 = tpu.memref_slice %dma_start3A_130[%dma_start3A_131, %dma_start3A_132] : memref<10240x64xf32, #tpu.memory_space<hbm>> -> memref<10240x64xf32, #tpu.memory_space<hbm>>
        tpu.enqueue_indirect_dma source(%dma_start3A_133 : memref<10240x64xf32, #tpu.memory_space<hbm>>) target(%arg8 : memref<256x64xf32, #tpu.memory_space<vmem>>) offsets(%dma_start3A_126 : memref<256xi32, #tpu.memory_space<vmem>>) semaphore(%arg10 : memref<!tpu.dma_semaphore, #tpu.memory_space<semaphore_mem>>)
      } else {
      }
    }
    %barrier3A_73 = arith.constant 0 : index
    tpu.barrier barrier_id(%barrier3A_73)
    %add3A_74 = arith.constant 0 : i32
    %add3A_75 = arith.addi %mul3A_15, %add3A_74 : i32
    "tpu.region"() ({
      %run_scoped3A_84 = tpu.sem_alloc : memref<!tpu.dma_semaphore, #tpu.memory_space<semaphore_mem>>
      %dma_start3A_85 = arith.constant 0 : i32
      %dma_start3A_86 = arith.constant 0 : i32
      %dma_start3A_87 = tpu.memref_slice %arg7[%dma_start3A_85, %dma_start3A_86] : memref<256x64xf32, #tpu.memory_space<vmem>> -> memref<128x64xf32, #tpu.memory_space<vmem>>
      %dma_start3A_88 = arith.constant 0 : i32
      %dma_start3A_89 = tpu.memref_slice %arg11[%add3A_75, %dma_start3A_88] : memref<10240x64xf32, #tpu.memory_space<vmem_shared>> -> memref<128x64xf32, #tpu.memory_space<vmem_shared>>
      %dma_start3A_90 = arith.constant 0 : i32
      %dma_start3A_91 = arith.constant 0 : i32
      %dma_start3A_92 = tpu.memref_slice %arg7[%dma_start3A_90, %dma_start3A_91] : memref<256x64xf32, #tpu.memory_space<vmem>> -> memref<128x64xf32, #tpu.memory_space<vmem>>
      %dma_start3A_93 = arith.constant 0 : i32
      %dma_start3A_94 = tpu.memref_slice %arg11[%add3A_75, %dma_start3A_93] : memref<10240x64xf32, #tpu.memory_space<vmem_shared>> -> memref<128x64xf32, #tpu.memory_space<vmem_shared>>
      tpu.enqueue_dma source(%dma_start3A_94 : memref<128x64xf32, #tpu.memory_space<vmem_shared>>) target(%dma_start3A_92 : memref<128x64xf32, #tpu.memory_space<vmem>>) target_semaphore(%run_scoped3A_84 : memref<!tpu.dma_semaphore, #tpu.memory_space<semaphore_mem>>)
      %dma_wait3A = arith.constant 0 : i32
      %dma_wait3A_95 = arith.constant 0 : i32
      %dma_wait3A_96 = tpu.memref_slice %arg7[%dma_wait3A, %dma_wait3A_95] : memref<256x64xf32, #tpu.memory_space<vmem>> -> memref<128x64xf32, #tpu.memory_space<vmem>>
      %dma_wait3A_97 = arith.constant 0 : i32
      %dma_wait3A_98 = tpu.memref_slice %arg11[%add3A_75, %dma_wait3A_97] : memref<10240x64xf32, #tpu.memory_space<vmem_shared>> -> memref<128x64xf32, #tpu.memory_space<vmem_shared>>
      %dma_wait3A_99 = arith.constant 0 : i32
      %dma_wait3A_100 = arith.constant 0 : i32
      %dma_wait3A_101 = tpu.memref_slice %arg7[%dma_wait3A_99, %dma_wait3A_100] : memref<256x64xf32, #tpu.memory_space<vmem>> -> memref<128x64xf32, #tpu.memory_space<vmem>>
      %dma_wait3A_102 = arith.constant 0 : i32
      %dma_wait3A_103 = tpu.memref_slice %arg11[%add3A_75, %dma_wait3A_102] : memref<10240x64xf32, #tpu.memory_space<vmem_shared>> -> memref<128x64xf32, #tpu.memory_space<vmem_shared>>
      tpu.wait_dma2 semaphore(%run_scoped3A_84 : memref<!tpu.dma_semaphore, #tpu.memory_space<semaphore_mem>>) src(%dma_wait3A_103 : memref<128x64xf32, #tpu.memory_space<vmem_shared>>) dst(%dma_wait3A_101 : memref<128x64xf32, #tpu.memory_space<vmem>>)
      tpu.yield
    }) : () -> ()
    "tpu.region"() ({
      %run_scoped3A_84 = tpu.sem_alloc : memref<!tpu.dma_semaphore, #tpu.memory_space<semaphore_mem>>
      %dma_start3A_85 = arith.constant 0 : i32
      %dma_start3A_86 = arith.constant 0 : i32
      %dma_start3A_87 = tpu.memref_slice %arg7[%dma_start3A_85, %dma_start3A_86] : memref<256x64xf32, #tpu.memory_space<vmem>> -> memref<128x64xf32, #tpu.memory_space<vmem>>
      %dma_start3A_88 = arith.constant 0 : i32
      %dma_start3A_89 = arith.constant 0 : i32
      %dma_start3A_90 = tpu.memref_slice %arg4[%arg0, %dma_start3A_88, %dma_start3A_89] : memref<2x10240x64xf32, #tpu.memory_space<hbm>> -> memref<1x10240x64xf32, #tpu.memory_space<hbm>>
      %dma_start3A_91 = tpu.memref_squeeze %dma_start3A_90 : memref<1x10240x64xf32, #tpu.memory_space<hbm>> -> memref<10240x64xf32, #tpu.memory_space<hbm>>
      %dma_start3A_92 = arith.constant 0 : i32
      %dma_start3A_93 = tpu.memref_slice %dma_start3A_91[%add3A_75, %dma_start3A_92] : memref<10240x64xf32, #tpu.memory_space<hbm>> -> memref<128x64xf32, #tpu.memory_space<hbm>>
      %dma_start3A_94 = arith.constant 0 : i32
      %dma_start3A_95 = arith.constant 0 : i32
      %dma_start3A_96 = tpu.memref_slice %arg4[%arg0, %dma_start3A_94, %dma_start3A_95] : memref<2x10240x64xf32, #tpu.memory_space<hbm>> -> memref<1x10240x64xf32, #tpu.memory_space<hbm>>
      %dma_start3A_97 = tpu.memref_squeeze %dma_start3A_96 : memref<1x10240x64xf32, #tpu.memory_space<hbm>> -> memref<10240x64xf32, #tpu.memory_space<hbm>>
      %dma_start3A_98 = arith.constant 0 : i32
      %dma_start3A_99 = tpu.memref_slice %dma_start3A_97[%add3A_75, %dma_start3A_98] : memref<10240x64xf32, #tpu.memory_space<hbm>> -> memref<128x64xf32, #tpu.memory_space<hbm>>
      %dma_start3A_100 = arith.constant 0 : i32
      %dma_start3A_101 = arith.constant 0 : i32
      %dma_start3A_102 = tpu.memref_slice %arg7[%dma_start3A_100, %dma_start3A_101] : memref<256x64xf32, #tpu.memory_space<vmem>> -> memref<128x64xf32, #tpu.memory_space<vmem>>
      tpu.enqueue_dma source(%dma_start3A_102 : memref<128x64xf32, #tpu.memory_space<vmem>>) target(%dma_start3A_99 : memref<128x64xf32, #tpu.memory_space<hbm>>) target_semaphore(%run_scoped3A_84 : memref<!tpu.dma_semaphore, #tpu.memory_space<semaphore_mem>>)
      %dma_wait3A = arith.constant 0 : i32
      %dma_wait3A_103 = arith.constant 0 : i32
      %dma_wait3A_104 = tpu.memref_slice %arg7[%dma_wait3A, %dma_wait3A_103] : memref<256x64xf32, #tpu.memory_space<vmem>> -> memref<128x64xf32, #tpu.memory_space<vmem>>
      %dma_wait3A_105 = arith.constant 0 : i32
      %dma_wait3A_106 = arith.constant 0 : i32
      %dma_wait3A_107 = tpu.memref_slice %arg4[%arg0, %dma_wait3A_105, %dma_wait3A_106] : memref<2x10240x64xf32, #tpu.memory_space<hbm>> -> memref<1x10240x64xf32, #tpu.memory_space<hbm>>
      %dma_wait3A_108 = tpu.memref_squeeze %dma_wait3A_107 : memref<1x10240x64xf32, #tpu.memory_space<hbm>> -> memref<10240x64xf32, #tpu.memory_space<hbm>>
      %dma_wait3A_109 = arith.constant 0 : i32
      %dma_wait3A_110 = tpu.memref_slice %dma_wait3A_108[%add3A_75, %dma_wait3A_109] : memref<10240x64xf32, #tpu.memory_space<hbm>> -> memref<128x64xf32, #tpu.memory_space<hbm>>
      %dma_wait3A_111 = arith.constant 0 : i32
      %dma_wait3A_112 = arith.constant 0 : i32
      %dma_wait3A_113 = tpu.memref_slice %arg4[%arg0, %dma_wait3A_111, %dma_wait3A_112] : memref<2x10240x64xf32, #tpu.memory_space<hbm>> -> memref<1x10240x64xf32, #tpu.memory_space<hbm>>
      %dma_wait3A_114 = tpu.memref_squeeze %dma_wait3A_113 : memref<1x10240x64xf32, #tpu.memory_space<hbm>> -> memref<10240x64xf32, #tpu.memory_space<hbm>>
      %dma_wait3A_115 = arith.constant 0 : i32
      %dma_wait3A_116 = tpu.memref_slice %dma_wait3A_114[%add3A_75, %dma_wait3A_115] : memref<10240x64xf32, #tpu.memory_space<hbm>> -> memref<128x64xf32, #tpu.memory_space<hbm>>
      %dma_wait3A_117 = arith.constant 0 : i32
      %dma_wait3A_118 = arith.constant 0 : i32
      %dma_wait3A_119 = tpu.memref_slice %arg7[%dma_wait3A_117, %dma_wait3A_118] : memref<256x64xf32, #tpu.memory_space<vmem>> -> memref<128x64xf32, #tpu.memory_space<vmem>>
      tpu.wait_dma2 semaphore(%run_scoped3A_84 : memref<!tpu.dma_semaphore, #tpu.memory_space<semaphore_mem>>) src(%dma_wait3A_119 : memref<128x64xf32, #tpu.memory_space<vmem>>) dst(%dma_wait3A_116 : memref<128x64xf32, #tpu.memory_space<hbm>>)
      tpu.yield
    }) : () -> ()
    %add3A_76 = arith.constant 128 : i32
    %add3A_77 = arith.addi %mul3A_15, %add3A_76 : i32
    "tpu.region"() ({
      %run_scoped3A_84 = tpu.sem_alloc : memref<!tpu.dma_semaphore, #tpu.memory_space<semaphore_mem>>
      %dma_start3A_85 = arith.constant 0 : i32
      %dma_start3A_86 = arith.constant 0 : i32
      %dma_start3A_87 = tpu.memref_slice %arg7[%dma_start3A_85, %dma_start3A_86] : memref<256x64xf32, #tpu.memory_space<vmem>> -> memref<128x64xf32, #tpu.memory_space<vmem>>
      %dma_start3A_88 = arith.constant 0 : i32
      %dma_start3A_89 = tpu.memref_slice %arg11[%add3A_77, %dma_start3A_88] : memref<10240x64xf32, #tpu.memory_space<vmem_shared>> -> memref<128x64xf32, #tpu.memory_space<vmem_shared>>
      %dma_start3A_90 = arith.constant 0 : i32
      %dma_start3A_91 = arith.constant 0 : i32
      %dma_start3A_92 = tpu.memref_slice %arg7[%dma_start3A_90, %dma_start3A_91] : memref<256x64xf32, #tpu.memory_space<vmem>> -> memref<128x64xf32, #tpu.memory_space<vmem>>
      %dma_start3A_93 = arith.constant 0 : i32
      %dma_start3A_94 = tpu.memref_slice %arg11[%add3A_77, %dma_start3A_93] : memref<10240x64xf32, #tpu.memory_space<vmem_shared>> -> memref<128x64xf32, #tpu.memory_space<vmem_shared>>
      tpu.enqueue_dma source(%dma_start3A_94 : memref<128x64xf32, #tpu.memory_space<vmem_shared>>) target(%dma_start3A_92 : memref<128x64xf32, #tpu.memory_space<vmem>>) target_semaphore(%run_scoped3A_84 : memref<!tpu.dma_semaphore, #tpu.memory_space<semaphore_mem>>)
      %dma_wait3A = arith.constant 0 : i32
      %dma_wait3A_95 = arith.constant 0 : i32
      %dma_wait3A_96 = tpu.memref_slice %arg7[%dma_wait3A, %dma_wait3A_95] : memref<256x64xf32, #tpu.memory_space<vmem>> -> memref<128x64xf32, #tpu.memory_space<vmem>>
      %dma_wait3A_97 = arith.constant 0 : i32
      %dma_wait3A_98 = tpu.memref_slice %arg11[%add3A_77, %dma_wait3A_97] : memref<10240x64xf32, #tpu.memory_space<vmem_shared>> -> memref<128x64xf32, #tpu.memory_space<vmem_shared>>
      %dma_wait3A_99 = arith.constant 0 : i32
      %dma_wait3A_100 = arith.constant 0 : i32
      %dma_wait3A_101 = tpu.memref_slice %arg7[%dma_wait3A_99, %dma_wait3A_100] : memref<256x64xf32, #tpu.memory_space<vmem>> -> memref<128x64xf32, #tpu.memory_space<vmem>>
      %dma_wait3A_102 = arith.constant 0 : i32
      %dma_wait3A_103 = tpu.memref_slice %arg11[%add3A_77, %dma_wait3A_102] : memref<10240x64xf32, #tpu.memory_space<vmem_shared>> -> memref<128x64xf32, #tpu.memory_space<vmem_shared>>
      tpu.wait_dma2 semaphore(%run_scoped3A_84 : memref<!tpu.dma_semaphore, #tpu.memory_space<semaphore_mem>>) src(%dma_wait3A_103 : memref<128x64xf32, #tpu.memory_space<vmem_shared>>) dst(%dma_wait3A_101 : memref<128x64xf32, #tpu.memory_space<vmem>>)
      tpu.yield
    }) : () -> ()
    "tpu.region"() ({
      %run_scoped3A_84 = tpu.sem_alloc : memref<!tpu.dma_semaphore, #tpu.memory_space<semaphore_mem>>
      %dma_start3A_85 = arith.constant 0 : i32
      %dma_start3A_86 = arith.constant 0 : i32
      %dma_start3A_87 = tpu.memref_slice %arg7[%dma_start3A_85, %dma_start3A_86] : memref<256x64xf32, #tpu.memory_space<vmem>> -> memref<128x64xf32, #tpu.memory_space<vmem>>
      %dma_start3A_88 = arith.constant 0 : i32
      %dma_start3A_89 = arith.constant 0 : i32
      %dma_start3A_90 = tpu.memref_slice %arg4[%arg0, %dma_start3A_88, %dma_start3A_89] : memref<2x10240x64xf32, #tpu.memory_space<hbm>> -> memref<1x10240x64xf32, #tpu.memory_space<hbm>>
      %dma_start3A_91 = tpu.memref_squeeze %dma_start3A_90 : memref<1x10240x64xf32, #tpu.memory_space<hbm>> -> memref<10240x64xf32, #tpu.memory_space<hbm>>
      %dma_start3A_92 = arith.constant 0 : i32
      %dma_start3A_93 = tpu.memref_slice %dma_start3A_91[%add3A_77, %dma_start3A_92] : memref<10240x64xf32, #tpu.memory_space<hbm>> -> memref<128x64xf32, #tpu.memory_space<hbm>>
      %dma_start3A_94 = arith.constant 0 : i32
      %dma_start3A_95 = arith.constant 0 : i32
      %dma_start3A_96 = tpu.memref_slice %arg4[%arg0, %dma_start3A_94, %dma_start3A_95] : memref<2x10240x64xf32, #tpu.memory_space<hbm>> -> memref<1x10240x64xf32, #tpu.memory_space<hbm>>
      %dma_start3A_97 = tpu.memref_squeeze %dma_start3A_96 : memref<1x10240x64xf32, #tpu.memory_space<hbm>> -> memref<10240x64xf32, #tpu.memory_space<hbm>>
      %dma_start3A_98 = arith.constant 0 : i32
      %dma_start3A_99 = tpu.memref_slice %dma_start3A_97[%add3A_77, %dma_start3A_98] : memref<10240x64xf32, #tpu.memory_space<hbm>> -> memref<128x64xf32, #tpu.memory_space<hbm>>
      %dma_start3A_100 = arith.constant 0 : i32
      %dma_start3A_101 = arith.constant 0 : i32
      %dma_start3A_102 = tpu.memref_slice %arg7[%dma_start3A_100, %dma_start3A_101] : memref<256x64xf32, #tpu.memory_space<vmem>> -> memref<128x64xf32, #tpu.memory_space<vmem>>
      tpu.enqueue_dma source(%dma_start3A_102 : memref<128x64xf32, #tpu.memory_space<vmem>>) target(%dma_start3A_99 : memref<128x64xf32, #tpu.memory_space<hbm>>) target_semaphore(%run_scoped3A_84 : memref<!tpu.dma_semaphore, #tpu.memory_space<semaphore_mem>>)
      %dma_wait3A = arith.constant 0 : i32
      %dma_wait3A_103 = arith.constant 0 : i32
      %dma_wait3A_104 = tpu.memref_slice %arg7[%dma_wait3A, %dma_wait3A_103] : memref<256x64xf32, #tpu.memory_space<vmem>> -> memref<128x64xf32, #tpu.memory_space<vmem>>
      %dma_wait3A_105 = arith.constant 0 : i32
      %dma_wait3A_106 = arith.constant 0 : i32
      %dma_wait3A_107 = tpu.memref_slice %arg4[%arg0, %dma_wait3A_105, %dma_wait3A_106] : memref<2x10240x64xf32, #tpu.memory_space<hbm>> -> memref<1x10240x64xf32, #tpu.memory_space<hbm>>
      %dma_wait3A_108 = tpu.memref_squeeze %dma_wait3A_107 : memref<1x10240x64xf32, #tpu.memory_space<hbm>> -> memref<10240x64xf32, #tpu.memory_space<hbm>>
      %dma_wait3A_109 = arith.constant 0 : i32
      %dma_wait3A_110 = tpu.memref_slice %dma_wait3A_108[%add3A_77, %dma_wait3A_109] : memref<10240x64xf32, #tpu.memory_space<hbm>> -> memref<128x64xf32, #tpu.memory_space<hbm>>
      %dma_wait3A_111 = arith.constant 0 : i32
      %dma_wait3A_112 = arith.constant 0 : i32
      %dma_wait3A_113 = tpu.memref_slice %arg4[%arg0, %dma_wait3A_111, %dma_wait3A_112] : memref<2x10240x64xf32, #tpu.memory_space<hbm>> -> memref<1x10240x64xf32, #tpu.memory_space<hbm>>
      %dma_wait3A_114 = tpu.memref_squeeze %dma_wait3A_113 : memref<1x10240x64xf32, #tpu.memory_space<hbm>> -> memref<10240x64xf32, #tpu.memory_space<hbm>>
      %dma_wait3A_115 = arith.constant 0 : i32
      %dma_wait3A_116 = tpu.memref_slice %dma_wait3A_114[%add3A_77, %dma_wait3A_115] : memref<10240x64xf32, #tpu.memory_space<hbm>> -> memref<128x64xf32, #tpu.memory_space<hbm>>
      %dma_wait3A_117 = arith.constant 0 : i32
      %dma_wait3A_118 = arith.constant 0 : i32
      %dma_wait3A_119 = tpu.memref_slice %arg7[%dma_wait3A_117, %dma_wait3A_118] : memref<256x64xf32, #tpu.memory_space<vmem>> -> memref<128x64xf32, #tpu.memory_space<vmem>>
      tpu.wait_dma2 semaphore(%run_scoped3A_84 : memref<!tpu.dma_semaphore, #tpu.memory_space<semaphore_mem>>) src(%dma_wait3A_119 : memref<128x64xf32, #tpu.memory_space<vmem>>) dst(%dma_wait3A_116 : memref<128x64xf32, #tpu.memory_space<hbm>>)
      tpu.yield
    }) : () -> ()
    %add3A_78 = arith.constant 256 : i32
    %add3A_79 = arith.addi %mul3A_15, %add3A_78 : i32
    "tpu.region"() ({
      %run_scoped3A_84 = tpu.sem_alloc : memref<!tpu.dma_semaphore, #tpu.memory_space<semaphore_mem>>
      %dma_start3A_85 = arith.constant 0 : i32
      %dma_start3A_86 = arith.constant 0 : i32
      %dma_start3A_87 = tpu.memref_slice %arg7[%dma_start3A_85, %dma_start3A_86] : memref<256x64xf32, #tpu.memory_space<vmem>> -> memref<128x64xf32, #tpu.memory_space<vmem>>
      %dma_start3A_88 = arith.constant 0 : i32
      %dma_start3A_89 = tpu.memref_slice %arg11[%add3A_79, %dma_start3A_88] : memref<10240x64xf32, #tpu.memory_space<vmem_shared>> -> memref<128x64xf32, #tpu.memory_space<vmem_shared>>
      %dma_start3A_90 = arith.constant 0 : i32
      %dma_start3A_91 = arith.constant 0 : i32
      %dma_start3A_92 = tpu.memref_slice %arg7[%dma_start3A_90, %dma_start3A_91] : memref<256x64xf32, #tpu.memory_space<vmem>> -> memref<128x64xf32, #tpu.memory_space<vmem>>
      %dma_start3A_93 = arith.constant 0 : i32
      %dma_start3A_94 = tpu.memref_slice %arg11[%add3A_79, %dma_start3A_93] : memref<10240x64xf32, #tpu.memory_space<vmem_shared>> -> memref<128x64xf32, #tpu.memory_space<vmem_shared>>
      tpu.enqueue_dma source(%dma_start3A_94 : memref<128x64xf32, #tpu.memory_space<vmem_shared>>) target(%dma_start3A_92 : memref<128x64xf32, #tpu.memory_space<vmem>>) target_semaphore(%run_scoped3A_84 : memref<!tpu.dma_semaphore, #tpu.memory_space<semaphore_mem>>)
      %dma_wait3A = arith.constant 0 : i32
      %dma_wait3A_95 = arith.constant 0 : i32
      %dma_wait3A_96 = tpu.memref_slice %arg7[%dma_wait3A, %dma_wait3A_95] : memref<256x64xf32, #tpu.memory_space<vmem>> -> memref<128x64xf32, #tpu.memory_space<vmem>>
      %dma_wait3A_97 = arith.constant 0 : i32
      %dma_wait3A_98 = tpu.memref_slice %arg11[%add3A_79, %dma_wait3A_97] : memref<10240x64xf32, #tpu.memory_space<vmem_shared>> -> memref<128x64xf32, #tpu.memory_space<vmem_shared>>
      %dma_wait3A_99 = arith.constant 0 : i32
      %dma_wait3A_100 = arith.constant 0 : i32
      %dma_wait3A_101 = tpu.memref_slice %arg7[%dma_wait3A_99, %dma_wait3A_100] : memref<256x64xf32, #tpu.memory_space<vmem>> -> memref<128x64xf32, #tpu.memory_space<vmem>>
      %dma_wait3A_102 = arith.constant 0 : i32
      %dma_wait3A_103 = tpu.memref_slice %arg11[%add3A_79, %dma_wait3A_102] : memref<10240x64xf32, #tpu.memory_space<vmem_shared>> -> memref<128x64xf32, #tpu.memory_space<vmem_shared>>
      tpu.wait_dma2 semaphore(%run_scoped3A_84 : memref<!tpu.dma_semaphore, #tpu.memory_space<semaphore_mem>>) src(%dma_wait3A_103 : memref<128x64xf32, #tpu.memory_space<vmem_shared>>) dst(%dma_wait3A_101 : memref<128x64xf32, #tpu.memory_space<vmem>>)
      tpu.yield
    }) : () -> ()
    "tpu.region"() ({
      %run_scoped3A_84 = tpu.sem_alloc : memref<!tpu.dma_semaphore, #tpu.memory_space<semaphore_mem>>
      %dma_start3A_85 = arith.constant 0 : i32
      %dma_start3A_86 = arith.constant 0 : i32
      %dma_start3A_87 = tpu.memref_slice %arg7[%dma_start3A_85, %dma_start3A_86] : memref<256x64xf32, #tpu.memory_space<vmem>> -> memref<128x64xf32, #tpu.memory_space<vmem>>
      %dma_start3A_88 = arith.constant 0 : i32
      %dma_start3A_89 = arith.constant 0 : i32
      %dma_start3A_90 = tpu.memref_slice %arg4[%arg0, %dma_start3A_88, %dma_start3A_89] : memref<2x10240x64xf32, #tpu.memory_space<hbm>> -> memref<1x10240x64xf32, #tpu.memory_space<hbm>>
      %dma_start3A_91 = tpu.memref_squeeze %dma_start3A_90 : memref<1x10240x64xf32, #tpu.memory_space<hbm>> -> memref<10240x64xf32, #tpu.memory_space<hbm>>
      %dma_start3A_92 = arith.constant 0 : i32
      %dma_start3A_93 = tpu.memref_slice %dma_start3A_91[%add3A_79, %dma_start3A_92] : memref<10240x64xf32, #tpu.memory_space<hbm>> -> memref<128x64xf32, #tpu.memory_space<hbm>>
      %dma_start3A_94 = arith.constant 0 : i32
      %dma_start3A_95 = arith.constant 0 : i32
      %dma_start3A_96 = tpu.memref_slice %arg4[%arg0, %dma_start3A_94, %dma_start3A_95] : memref<2x10240x64xf32, #tpu.memory_space<hbm>> -> memref<1x10240x64xf32, #tpu.memory_space<hbm>>
      %dma_start3A_97 = tpu.memref_squeeze %dma_start3A_96 : memref<1x10240x64xf32, #tpu.memory_space<hbm>> -> memref<10240x64xf32, #tpu.memory_space<hbm>>
      %dma_start3A_98 = arith.constant 0 : i32
      %dma_start3A_99 = tpu.memref_slice %dma_start3A_97[%add3A_79, %dma_start3A_98] : memref<10240x64xf32, #tpu.memory_space<hbm>> -> memref<128x64xf32, #tpu.memory_space<hbm>>
      %dma_start3A_100 = arith.constant 0 : i32
      %dma_start3A_101 = arith.constant 0 : i32
      %dma_start3A_102 = tpu.memref_slice %arg7[%dma_start3A_100, %dma_start3A_101] : memref<256x64xf32, #tpu.memory_space<vmem>> -> memref<128x64xf32, #tpu.memory_space<vmem>>
      tpu.enqueue_dma source(%dma_start3A_102 : memref<128x64xf32, #tpu.memory_space<vmem>>) target(%dma_start3A_99 : memref<128x64xf32, #tpu.memory_space<hbm>>) target_semaphore(%run_scoped3A_84 : memref<!tpu.dma_semaphore, #tpu.memory_space<semaphore_mem>>)
      %dma_wait3A = arith.constant 0 : i32
      %dma_wait3A_103 = arith.constant 0 : i32
      %dma_wait3A_104 = tpu.memref_slice %arg7[%dma_wait3A, %dma_wait3A_103] : memref<256x64xf32, #tpu.memory_space<vmem>> -> memref<128x64xf32, #tpu.memory_space<vmem>>
      %dma_wait3A_105 = arith.constant 0 : i32
      %dma_wait3A_106 = arith.constant 0 : i32
      %dma_wait3A_107 = tpu.memref_slice %arg4[%arg0, %dma_wait3A_105, %dma_wait3A_106] : memref<2x10240x64xf32, #tpu.memory_space<hbm>> -> memref<1x10240x64xf32, #tpu.memory_space<hbm>>
      %dma_wait3A_108 = tpu.memref_squeeze %dma_wait3A_107 : memref<1x10240x64xf32, #tpu.memory_space<hbm>> -> memref<10240x64xf32, #tpu.memory_space<hbm>>
      %dma_wait3A_109 = arith.constant 0 : i32
      %dma_wait3A_110 = tpu.memref_slice %dma_wait3A_108[%add3A_79, %dma_wait3A_109] : memref<10240x64xf32, #tpu.memory_space<hbm>> -> memref<128x64xf32, #tpu.memory_space<hbm>>
      %dma_wait3A_111 = arith.constant 0 : i32
      %dma_wait3A_112 = arith.constant 0 : i32
      %dma_wait3A_113 = tpu.memref_slice %arg4[%arg0, %dma_wait3A_111, %dma_wait3A_112] : memref<2x10240x64xf32, #tpu.memory_space<hbm>> -> memref<1x10240x64xf32, #tpu.memory_space<hbm>>
      %dma_wait3A_114 = tpu.memref_squeeze %dma_wait3A_113 : memref<1x10240x64xf32, #tpu.memory_space<hbm>> -> memref<10240x64xf32, #tpu.memory_space<hbm>>
      %dma_wait3A_115 = arith.constant 0 : i32
      %dma_wait3A_116 = tpu.memref_slice %dma_wait3A_114[%add3A_79, %dma_wait3A_115] : memref<10240x64xf32, #tpu.memory_space<hbm>> -> memref<128x64xf32, #tpu.memory_space<hbm>>
      %dma_wait3A_117 = arith.constant 0 : i32
      %dma_wait3A_118 = arith.constant 0 : i32
      %dma_wait3A_119 = tpu.memref_slice %arg7[%dma_wait3A_117, %dma_wait3A_118] : memref<256x64xf32, #tpu.memory_space<vmem>> -> memref<128x64xf32, #tpu.memory_space<vmem>>
      tpu.wait_dma2 semaphore(%run_scoped3A_84 : memref<!tpu.dma_semaphore, #tpu.memory_space<semaphore_mem>>) src(%dma_wait3A_119 : memref<128x64xf32, #tpu.memory_space<vmem>>) dst(%dma_wait3A_116 : memref<128x64xf32, #tpu.memory_space<hbm>>)
      tpu.yield
    }) : () -> ()
    %add3A_80 = arith.constant 384 : i32
    %add3A_81 = arith.addi %mul3A_15, %add3A_80 : i32
    "tpu.region"() ({
      %run_scoped3A_84 = tpu.sem_alloc : memref<!tpu.dma_semaphore, #tpu.memory_space<semaphore_mem>>
      %dma_start3A_85 = arith.constant 0 : i32
      %dma_start3A_86 = arith.constant 0 : i32
      %dma_start3A_87 = tpu.memref_slice %arg7[%dma_start3A_85, %dma_start3A_86] : memref<256x64xf32, #tpu.memory_space<vmem>> -> memref<128x64xf32, #tpu.memory_space<vmem>>
      %dma_start3A_88 = arith.constant 0 : i32
      %dma_start3A_89 = tpu.memref_slice %arg11[%add3A_81, %dma_start3A_88] : memref<10240x64xf32, #tpu.memory_space<vmem_shared>> -> memref<128x64xf32, #tpu.memory_space<vmem_shared>>
      %dma_start3A_90 = arith.constant 0 : i32
      %dma_start3A_91 = arith.constant 0 : i32
      %dma_start3A_92 = tpu.memref_slice %arg7[%dma_start3A_90, %dma_start3A_91] : memref<256x64xf32, #tpu.memory_space<vmem>> -> memref<128x64xf32, #tpu.memory_space<vmem>>
      %dma_start3A_93 = arith.constant 0 : i32
      %dma_start3A_94 = tpu.memref_slice %arg11[%add3A_81, %dma_start3A_93] : memref<10240x64xf32, #tpu.memory_space<vmem_shared>> -> memref<128x64xf32, #tpu.memory_space<vmem_shared>>
      tpu.enqueue_dma source(%dma_start3A_94 : memref<128x64xf32, #tpu.memory_space<vmem_shared>>) target(%dma_start3A_92 : memref<128x64xf32, #tpu.memory_space<vmem>>) target_semaphore(%run_scoped3A_84 : memref<!tpu.dma_semaphore, #tpu.memory_space<semaphore_mem>>)
      %dma_wait3A = arith.constant 0 : i32
      %dma_wait3A_95 = arith.constant 0 : i32
      %dma_wait3A_96 = tpu.memref_slice %arg7[%dma_wait3A, %dma_wait3A_95] : memref<256x64xf32, #tpu.memory_space<vmem>> -> memref<128x64xf32, #tpu.memory_space<vmem>>
      %dma_wait3A_97 = arith.constant 0 : i32
      %dma_wait3A_98 = tpu.memref_slice %arg11[%add3A_81, %dma_wait3A_97] : memref<10240x64xf32, #tpu.memory_space<vmem_shared>> -> memref<128x64xf32, #tpu.memory_space<vmem_shared>>
      %dma_wait3A_99 = arith.constant 0 : i32
      %dma_wait3A_100 = arith.constant 0 : i32
      %dma_wait3A_101 = tpu.memref_slice %arg7[%dma_wait3A_99, %dma_wait3A_100] : memref<256x64xf32, #tpu.memory_space<vmem>> -> memref<128x64xf32, #tpu.memory_space<vmem>>
      %dma_wait3A_102 = arith.constant 0 : i32
      %dma_wait3A_103 = tpu.memref_slice %arg11[%add3A_81, %dma_wait3A_102] : memref<10240x64xf32, #tpu.memory_space<vmem_shared>> -> memref<128x64xf32, #tpu.memory_space<vmem_shared>>
      tpu.wait_dma2 semaphore(%run_scoped3A_84 : memref<!tpu.dma_semaphore, #tpu.memory_space<semaphore_mem>>) src(%dma_wait3A_103 : memref<128x64xf32, #tpu.memory_space<vmem_shared>>) dst(%dma_wait3A_101 : memref<128x64xf32, #tpu.memory_space<vmem>>)
      tpu.yield
    }) : () -> ()
    "tpu.region"() ({
      %run_scoped3A_84 = tpu.sem_alloc : memref<!tpu.dma_semaphore, #tpu.memory_space<semaphore_mem>>
      %dma_start3A_85 = arith.constant 0 : i32
      %dma_start3A_86 = arith.constant 0 : i32
      %dma_start3A_87 = tpu.memref_slice %arg7[%dma_start3A_85, %dma_start3A_86] : memref<256x64xf32, #tpu.memory_space<vmem>> -> memref<128x64xf32, #tpu.memory_space<vmem>>
      %dma_start3A_88 = arith.constant 0 : i32
      %dma_start3A_89 = arith.constant 0 : i32
      %dma_start3A_90 = tpu.memref_slice %arg4[%arg0, %dma_start3A_88, %dma_start3A_89] : memref<2x10240x64xf32, #tpu.memory_space<hbm>> -> memref<1x10240x64xf32, #tpu.memory_space<hbm>>
      %dma_start3A_91 = tpu.memref_squeeze %dma_start3A_90 : memref<1x10240x64xf32, #tpu.memory_space<hbm>> -> memref<10240x64xf32, #tpu.memory_space<hbm>>
      %dma_start3A_92 = arith.constant 0 : i32
      %dma_start3A_93 = tpu.memref_slice %dma_start3A_91[%add3A_81, %dma_start3A_92] : memref<10240x64xf32, #tpu.memory_space<hbm>> -> memref<128x64xf32, #tpu.memory_space<hbm>>
      %dma_start3A_94 = arith.constant 0 : i32
      %dma_start3A_95 = arith.constant 0 : i32
      %dma_start3A_96 = tpu.memref_slice %arg4[%arg0, %dma_start3A_94, %dma_start3A_95] : memref<2x10240x64xf32, #tpu.memory_space<hbm>> -> memref<1x10240x64xf32, #tpu.memory_space<hbm>>
      %dma_start3A_97 = tpu.memref_squeeze %dma_start3A_96 : memref<1x10240x64xf32, #tpu.memory_space<hbm>> -> memref<10240x64xf32, #tpu.memory_space<hbm>>
      %dma_start3A_98 = arith.constant 0 : i32
      %dma_start3A_99 = tpu.memref_slice %dma_start3A_97[%add3A_81, %dma_start3A_98] : memref<10240x64xf32, #tpu.memory_space<hbm>> -> memref<128x64xf32, #tpu.memory_space<hbm>>
      %dma_start3A_100 = arith.constant 0 : i32
      %dma_start3A_101 = arith.constant 0 : i32
      %dma_start3A_102 = tpu.memref_slice %arg7[%dma_start3A_100, %dma_start3A_101] : memref<256x64xf32, #tpu.memory_space<vmem>> -> memref<128x64xf32, #tpu.memory_space<vmem>>
      tpu.enqueue_dma source(%dma_start3A_102 : memref<128x64xf32, #tpu.memory_space<vmem>>) target(%dma_start3A_99 : memref<128x64xf32, #tpu.memory_space<hbm>>) target_semaphore(%run_scoped3A_84 : memref<!tpu.dma_semaphore, #tpu.memory_space<semaphore_mem>>)
      %dma_wait3A = arith.constant 0 : i32
      %dma_wait3A_103 = arith.constant 0 : i32
      %dma_wait3A_104 = tpu.memref_slice %arg7[%dma_wait3A, %dma_wait3A_103] : memref<256x64xf32, #tpu.memory_space<vmem>> -> memref<128x64xf32, #tpu.memory_space<vmem>>
      %dma_wait3A_105 = arith.constant 0 : i32
      %dma_wait3A_106 = arith.constant 0 : i32
      %dma_wait3A_107 = tpu.memref_slice %arg4[%arg0, %dma_wait3A_105, %dma_wait3A_106] : memref<2x10240x64xf32, #tpu.memory_space<hbm>> -> memref<1x10240x64xf32, #tpu.memory_space<hbm>>
      %dma_wait3A_108 = tpu.memref_squeeze %dma_wait3A_107 : memref<1x10240x64xf32, #tpu.memory_space<hbm>> -> memref<10240x64xf32, #tpu.memory_space<hbm>>
      %dma_wait3A_109 = arith.constant 0 : i32
      %dma_wait3A_110 = tpu.memref_slice %dma_wait3A_108[%add3A_81, %dma_wait3A_109] : memref<10240x64xf32, #tpu.memory_space<hbm>> -> memref<128x64xf32, #tpu.memory_space<hbm>>
      %dma_wait3A_111 = arith.constant 0 : i32
      %dma_wait3A_112 = arith.constant 0 : i32
      %dma_wait3A_113 = tpu.memref_slice %arg4[%arg0, %dma_wait3A_111, %dma_wait3A_112] : memref<2x10240x64xf32, #tpu.memory_space<hbm>> -> memref<1x10240x64xf32, #tpu.memory_space<hbm>>
      %dma_wait3A_114 = tpu.memref_squeeze %dma_wait3A_113 : memref<1x10240x64xf32, #tpu.memory_space<hbm>> -> memref<10240x64xf32, #tpu.memory_space<hbm>>
      %dma_wait3A_115 = arith.constant 0 : i32
      %dma_wait3A_116 = tpu.memref_slice %dma_wait3A_114[%add3A_81, %dma_wait3A_115] : memref<10240x64xf32, #tpu.memory_space<hbm>> -> memref<128x64xf32, #tpu.memory_space<hbm>>
      %dma_wait3A_117 = arith.constant 0 : i32
      %dma_wait3A_118 = arith.constant 0 : i32
      %dma_wait3A_119 = tpu.memref_slice %arg7[%dma_wait3A_117, %dma_wait3A_118] : memref<256x64xf32, #tpu.memory_space<vmem>> -> memref<128x64xf32, #tpu.memory_space<vmem>>
      tpu.wait_dma2 semaphore(%run_scoped3A_84 : memref<!tpu.dma_semaphore, #tpu.memory_space<semaphore_mem>>) src(%dma_wait3A_119 : memref<128x64xf32, #tpu.memory_space<vmem>>) dst(%dma_wait3A_116 : memref<128x64xf32, #tpu.memory_space<hbm>>)
      tpu.yield
    }) : () -> ()
    %add3A_82 = arith.constant 512 : i32
    %add3A_83 = arith.addi %mul3A_15, %add3A_82 : i32
    "tpu.region"() ({
      %run_scoped3A_84 = tpu.sem_alloc : memref<!tpu.dma_semaphore, #tpu.memory_space<semaphore_mem>>
      %dma_start3A_85 = arith.constant 0 : i32
      %dma_start3A_86 = arith.constant 0 : i32
      %dma_start3A_87 = tpu.memref_slice %arg7[%dma_start3A_85, %dma_start3A_86] : memref<256x64xf32, #tpu.memory_space<vmem>> -> memref<128x64xf32, #tpu.memory_space<vmem>>
      %dma_start3A_88 = arith.constant 0 : i32
      %dma_start3A_89 = tpu.memref_slice %arg11[%add3A_83, %dma_start3A_88] : memref<10240x64xf32, #tpu.memory_space<vmem_shared>> -> memref<128x64xf32, #tpu.memory_space<vmem_shared>>
      %dma_start3A_90 = arith.constant 0 : i32
      %dma_start3A_91 = arith.constant 0 : i32
      %dma_start3A_92 = tpu.memref_slice %arg7[%dma_start3A_90, %dma_start3A_91] : memref<256x64xf32, #tpu.memory_space<vmem>> -> memref<128x64xf32, #tpu.memory_space<vmem>>
      %dma_start3A_93 = arith.constant 0 : i32
      %dma_start3A_94 = tpu.memref_slice %arg11[%add3A_83, %dma_start3A_93] : memref<10240x64xf32, #tpu.memory_space<vmem_shared>> -> memref<128x64xf32, #tpu.memory_space<vmem_shared>>
      tpu.enqueue_dma source(%dma_start3A_94 : memref<128x64xf32, #tpu.memory_space<vmem_shared>>) target(%dma_start3A_92 : memref<128x64xf32, #tpu.memory_space<vmem>>) target_semaphore(%run_scoped3A_84 : memref<!tpu.dma_semaphore, #tpu.memory_space<semaphore_mem>>)
      %dma_wait3A = arith.constant 0 : i32
      %dma_wait3A_95 = arith.constant 0 : i32
      %dma_wait3A_96 = tpu.memref_slice %arg7[%dma_wait3A, %dma_wait3A_95] : memref<256x64xf32, #tpu.memory_space<vmem>> -> memref<128x64xf32, #tpu.memory_space<vmem>>
      %dma_wait3A_97 = arith.constant 0 : i32
      %dma_wait3A_98 = tpu.memref_slice %arg11[%add3A_83, %dma_wait3A_97] : memref<10240x64xf32, #tpu.memory_space<vmem_shared>> -> memref<128x64xf32, #tpu.memory_space<vmem_shared>>
      %dma_wait3A_99 = arith.constant 0 : i32
      %dma_wait3A_100 = arith.constant 0 : i32
      %dma_wait3A_101 = tpu.memref_slice %arg7[%dma_wait3A_99, %dma_wait3A_100] : memref<256x64xf32, #tpu.memory_space<vmem>> -> memref<128x64xf32, #tpu.memory_space<vmem>>
      %dma_wait3A_102 = arith.constant 0 : i32
      %dma_wait3A_103 = tpu.memref_slice %arg11[%add3A_83, %dma_wait3A_102] : memref<10240x64xf32, #tpu.memory_space<vmem_shared>> -> memref<128x64xf32, #tpu.memory_space<vmem_shared>>
      tpu.wait_dma2 semaphore(%run_scoped3A_84 : memref<!tpu.dma_semaphore, #tpu.memory_space<semaphore_mem>>) src(%dma_wait3A_103 : memref<128x64xf32, #tpu.memory_space<vmem_shared>>) dst(%dma_wait3A_101 : memref<128x64xf32, #tpu.memory_space<vmem>>)
      tpu.yield
    }) : () -> ()
    "tpu.region"() ({
      %run_scoped3A_84 = tpu.sem_alloc : memref<!tpu.dma_semaphore, #tpu.memory_space<semaphore_mem>>
      %dma_start3A_85 = arith.constant 0 : i32
      %dma_start3A_86 = arith.constant 0 : i32
      %dma_start3A_87 = tpu.memref_slice %arg7[%dma_start3A_85, %dma_start3A_86] : memref<256x64xf32, #tpu.memory_space<vmem>> -> memref<128x64xf32, #tpu.memory_space<vmem>>
      %dma_start3A_88 = arith.constant 0 : i32
      %dma_start3A_89 = arith.constant 0 : i32
      %dma_start3A_90 = tpu.memref_slice %arg4[%arg0, %dma_start3A_88, %dma_start3A_89] : memref<2x10240x64xf32, #tpu.memory_space<hbm>> -> memref<1x10240x64xf32, #tpu.memory_space<hbm>>
      %dma_start3A_91 = tpu.memref_squeeze %dma_start3A_90 : memref<1x10240x64xf32, #tpu.memory_space<hbm>> -> memref<10240x64xf32, #tpu.memory_space<hbm>>
      %dma_start3A_92 = arith.constant 0 : i32
      %dma_start3A_93 = tpu.memref_slice %dma_start3A_91[%add3A_83, %dma_start3A_92] : memref<10240x64xf32, #tpu.memory_space<hbm>> -> memref<128x64xf32, #tpu.memory_space<hbm>>
      %dma_start3A_94 = arith.constant 0 : i32
      %dma_start3A_95 = arith.constant 0 : i32
      %dma_start3A_96 = tpu.memref_slice %arg4[%arg0, %dma_start3A_94, %dma_start3A_95] : memref<2x10240x64xf32, #tpu.memory_space<hbm>> -> memref<1x10240x64xf32, #tpu.memory_space<hbm>>
      %dma_start3A_97 = tpu.memref_squeeze %dma_start3A_96 : memref<1x10240x64xf32, #tpu.memory_space<hbm>> -> memref<10240x64xf32, #tpu.memory_space<hbm>>
      %dma_start3A_98 = arith.constant 0 : i32
      %dma_start3A_99 = tpu.memref_slice %dma_start3A_97[%add3A_83, %dma_start3A_98] : memref<10240x64xf32, #tpu.memory_space<hbm>> -> memref<128x64xf32, #tpu.memory_space<hbm>>
      %dma_start3A_100 = arith.constant 0 : i32
      %dma_start3A_101 = arith.constant 0 : i32
      %dma_start3A_102 = tpu.memref_slice %arg7[%dma_start3A_100, %dma_start3A_101] : memref<256x64xf32, #tpu.memory_space<vmem>> -> memref<128x64xf32, #tpu.memory_space<vmem>>
      tpu.enqueue_dma source(%dma_start3A_102 : memref<128x64xf32, #tpu.memory_space<vmem>>) target(%dma_start3A_99 : memref<128x64xf32, #tpu.memory_space<hbm>>) target_semaphore(%run_scoped3A_84 : memref<!tpu.dma_semaphore, #tpu.memory_space<semaphore_mem>>)
      %dma_wait3A = arith.constant 0 : i32
      %dma_wait3A_103 = arith.constant 0 : i32
      %dma_wait3A_104 = tpu.memref_slice %arg7[%dma_wait3A, %dma_wait3A_103] : memref<256x64xf32, #tpu.memory_space<vmem>> -> memref<128x64xf32, #tpu.memory_space<vmem>>
      %dma_wait3A_105 = arith.constant 0 : i32
      %dma_wait3A_106 = arith.constant 0 : i32
      %dma_wait3A_107 = tpu.memref_slice %arg4[%arg0, %dma_wait3A_105, %dma_wait3A_106] : memref<2x10240x64xf32, #tpu.memory_space<hbm>> -> memref<1x10240x64xf32, #tpu.memory_space<hbm>>
      %dma_wait3A_108 = tpu.memref_squeeze %dma_wait3A_107 : memref<1x10240x64xf32, #tpu.memory_space<hbm>> -> memref<10240x64xf32, #tpu.memory_space<hbm>>
      %dma_wait3A_109 = arith.constant 0 : i32
      %dma_wait3A_110 = tpu.memref_slice %dma_wait3A_108[%add3A_83, %dma_wait3A_109] : memref<10240x64xf32, #tpu.memory_space<hbm>> -> memref<128x64xf32, #tpu.memory_space<hbm>>
      %dma_wait3A_111 = arith.constant 0 : i32
      %dma_wait3A_112 = arith.constant 0 : i32
      %dma_wait3A_113 = tpu.memref_slice %arg4[%arg0, %dma_wait3A_111, %dma_wait3A_112] : memref<2x10240x64xf32, #tpu.memory_space<hbm>> -> memref<1x10240x64xf32, #tpu.memory_space<hbm>>
      %dma_wait3A_114 = tpu.memref_squeeze %dma_wait3A_113 : memref<1x10240x64xf32, #tpu.memory_space<hbm>> -> memref<10240x64xf32, #tpu.memory_space<hbm>>
      %dma_wait3A_115 = arith.constant 0 : i32
      %dma_wait3A_116 = tpu.memref_slice %dma_wait3A_114[%add3A_83, %dma_wait3A_115] : memref<10240x64xf32, #tpu.memory_space<hbm>> -> memref<128x64xf32, #tpu.memory_space<hbm>>
      %dma_wait3A_117 = arith.constant 0 : i32
      %dma_wait3A_118 = arith.constant 0 : i32
      %dma_wait3A_119 = tpu.memref_slice %arg7[%dma_wait3A_117, %dma_wait3A_118] : memref<256x64xf32, #tpu.memory_space<vmem>> -> memref<128x64xf32, #tpu.memory_space<vmem>>
      tpu.wait_dma2 semaphore(%run_scoped3A_84 : memref<!tpu.dma_semaphore, #tpu.memory_space<semaphore_mem>>) src(%dma_wait3A_119 : memref<128x64xf32, #tpu.memory_space<vmem>>) dst(%dma_wait3A_116 : memref<128x64xf32, #tpu.memory_space<hbm>>)
      tpu.yield
    }) : () -> ()
    return
  }
}

#map = affine_map<(d0, d1) -> (0, 0, 0)>
#map1 = affine_map<(d0, d1) -> (0, 0)>
module attributes {stable_mosaic.version = 14 : i64} {
  func.func @_deg_body(%arg0: i32, %arg1: i32, %arg2: memref<2x20000x16xi32, #tpu.memory_space<hbm>>, %arg3: memref<32x10240xf32, #tpu.memory_space<hbm>>, %arg4: memref<625x16xi32, #tpu.memory_space<vmem>>, %arg5: memref<10240xf32, #tpu.memory_space<vmem>>) attributes {dimension_semantics = [#tpu.dimension_semantics<core_parallel>, #tpu.dimension_semantics<subcore_parallel>], iteration_bounds = array<i64: 2, 16>, scalar_prefetch = 0 : i64, scratch_operands = 2 : i64, tpu.core_type = #tpu.core_type<sc_vector_subcore>, window_params = [{transform_indices = #map}, {transform_indices = #map1}]} {
    %mul3A = arith.constant 16 : i32
    %mul3A_0 = arith.muli %arg0, %mul3A : i32
    %add3A = arith.addi %mul3A_0, %arg1 : i32
    %mul3A_1 = arith.constant 625 : i32
    %mul3A_2 = arith.muli %add3A, %mul3A_1 : i32
    %run_scoped3A = arith.constant 1 : i32
    "tpu.region"() ({
      %run_scoped3A_17 = tpu.sem_alloc : memref<!tpu.dma_semaphore, #tpu.memory_space<semaphore_mem>>
      %dma_start3A = arith.constant 0 : i32
      %dma_start3A_18 = arith.constant 0 : i32
      %dma_start3A_19 = tpu.memref_slice %arg2[%run_scoped3A, %dma_start3A, %dma_start3A_18] : memref<2x20000x16xi32, #tpu.memory_space<hbm>> -> memref<1x20000x16xi32, #tpu.memory_space<hbm>>
      %dma_start3A_20 = tpu.memref_squeeze %dma_start3A_19 : memref<1x20000x16xi32, #tpu.memory_space<hbm>> -> memref<20000x16xi32, #tpu.memory_space<hbm>>
      %dma_start3A_21 = arith.constant 0 : i32
      %dma_start3A_22 = tpu.memref_slice %dma_start3A_20[%mul3A_2, %dma_start3A_21] : memref<20000x16xi32, #tpu.memory_space<hbm>> -> memref<625x16xi32, #tpu.memory_space<hbm>>
      %dma_start3A_23 = arith.constant 0 : i32
      %dma_start3A_24 = arith.constant 0 : i32
      %dma_start3A_25 = tpu.memref_slice %arg2[%run_scoped3A, %dma_start3A_23, %dma_start3A_24] : memref<2x20000x16xi32, #tpu.memory_space<hbm>> -> memref<1x20000x16xi32, #tpu.memory_space<hbm>>
      %dma_start3A_26 = tpu.memref_squeeze %dma_start3A_25 : memref<1x20000x16xi32, #tpu.memory_space<hbm>> -> memref<20000x16xi32, #tpu.memory_space<hbm>>
      %dma_start3A_27 = arith.constant 0 : i32
      %dma_start3A_28 = tpu.memref_slice %dma_start3A_26[%mul3A_2, %dma_start3A_27] : memref<20000x16xi32, #tpu.memory_space<hbm>> -> memref<625x16xi32, #tpu.memory_space<hbm>>
      tpu.enqueue_dma source(%dma_start3A_28 : memref<625x16xi32, #tpu.memory_space<hbm>>) target(%arg4 : memref<625x16xi32, #tpu.memory_space<vmem>>) target_semaphore(%run_scoped3A_17 : memref<!tpu.dma_semaphore, #tpu.memory_space<semaphore_mem>>)
      %dma_wait3A = arith.constant 0 : i32
      %dma_wait3A_29 = arith.constant 0 : i32
      %dma_wait3A_30 = tpu.memref_slice %arg2[%run_scoped3A, %dma_wait3A, %dma_wait3A_29] : memref<2x20000x16xi32, #tpu.memory_space<hbm>> -> memref<1x20000x16xi32, #tpu.memory_space<hbm>>
      %dma_wait3A_31 = tpu.memref_squeeze %dma_wait3A_30 : memref<1x20000x16xi32, #tpu.memory_space<hbm>> -> memref<20000x16xi32, #tpu.memory_space<hbm>>
      %dma_wait3A_32 = arith.constant 0 : i32
      %dma_wait3A_33 = tpu.memref_slice %dma_wait3A_31[%mul3A_2, %dma_wait3A_32] : memref<20000x16xi32, #tpu.memory_space<hbm>> -> memref<625x16xi32, #tpu.memory_space<hbm>>
      %dma_wait3A_34 = arith.constant 0 : i32
      %dma_wait3A_35 = arith.constant 0 : i32
      %dma_wait3A_36 = tpu.memref_slice %arg2[%run_scoped3A, %dma_wait3A_34, %dma_wait3A_35] : memref<2x20000x16xi32, #tpu.memory_space<hbm>> -> memref<1x20000x16xi32, #tpu.memory_space<hbm>>
      %dma_wait3A_37 = tpu.memref_squeeze %dma_wait3A_36 : memref<1x20000x16xi32, #tpu.memory_space<hbm>> -> memref<20000x16xi32, #tpu.memory_space<hbm>>
      %dma_wait3A_38 = arith.constant 0 : i32
      %dma_wait3A_39 = tpu.memref_slice %dma_wait3A_37[%mul3A_2, %dma_wait3A_38] : memref<20000x16xi32, #tpu.memory_space<hbm>> -> memref<625x16xi32, #tpu.memory_space<hbm>>
      tpu.wait_dma2 semaphore(%run_scoped3A_17 : memref<!tpu.dma_semaphore, #tpu.memory_space<semaphore_mem>>) src(%dma_wait3A_39 : memref<625x16xi32, #tpu.memory_space<hbm>>) dst(%arg4 : memref<625x16xi32, #tpu.memory_space<vmem>>)
      tpu.yield
    }) : () -> ()
    %broadcast_in_dim3A = arith.constant 0.000000e+00 : f32
    %broadcast_in_dim3A_3 = vector.broadcast %broadcast_in_dim3A : f32 to vector<16xf32>
    %scan3A = arith.constant 0 : i32
    %scan3A_4 = arith.constant 0 : i32
    %scan3A_5 = arith.constant 640 : i32
    %scan3A_6 = arith.addi %scan3A_4, %scan3A_5 : i32
    %scan3A_7 = arith.constant 1 : i32
    scf.for %scan3A_17 = %scan3A_4 to %scan3A_6 step %scan3A_7  : i32 {
      %mul3A_18 = arith.constant 16 : i32
      %mul3A_19 = arith.muli %scan3A_17, %mul3A_18 : i32
      %swap3A = arith.index_cast %mul3A_19 : i32 to index
      %swap3A_20 = tpu.vector_load %arg5[%swap3A] {strides = array<i32>} : memref<10240xf32, #tpu.memory_space<vmem>>, vector<16xf32>,
      tpu.vector_store %arg5[%swap3A], %broadcast_in_dim3A_3 {strides = array<i32>} : memref<10240xf32, #tpu.memory_space<vmem>>, vector<16xf32>,
    }
    %scan3A_8 = arith.constant 640 : i32
    %broadcast_in_dim3A_9 = arith.constant 1.000000e+00 : f32
    %broadcast_in_dim3A_10 = vector.broadcast %broadcast_in_dim3A_9 : f32 to vector<16xf32>
    %scan3A_11 = arith.constant 0 : i32
    %scan3A_12 = arith.constant 0 : i32
    %scan3A_13 = arith.constant 625 : i32
    %scan3A_14 = arith.addi %scan3A_12, %scan3A_13 : i32
    %scan3A_15 = arith.constant 1 : i32
    scf.for %scan3A_17 = %scan3A_12 to %scan3A_14 step %scan3A_15  : i32 {
      %get3A = arith.index_cast %scan3A_17 : i32 to index
      %get3A_18 = arith.constant 0 : index
      %get3A_19 = tpu.vector_load %arg4[%get3A, %get3A_18] {strides = array<i32>} : memref<625x16xi32, #tpu.memory_space<vmem>>, vector<16xi32>,
      tpu.vector_store_idx %arg5[%get3A_19], %broadcast_in_dim3A_10 {add = true} : memref<10240xf32, #tpu.memory_space<vmem>>[vector<16xi32>], vector<16xf32>,
    }
    %scan3A_16 = arith.constant 625 : i32
    "tpu.region"() ({
      %run_scoped3A_17 = tpu.sem_alloc : memref<!tpu.dma_semaphore, #tpu.memory_space<semaphore_mem>>
      %dma_start3A = arith.constant 0 : i32
      %dma_start3A_18 = tpu.memref_slice %arg3[%add3A, %dma_start3A] : memref<32x10240xf32, #tpu.memory_space<hbm>> -> memref<1x10240xf32, #tpu.memory_space<hbm>>
      %dma_start3A_19 = tpu.memref_squeeze %dma_start3A_18 : memref<1x10240xf32, #tpu.memory_space<hbm>> -> memref<10240xf32, #tpu.memory_space<hbm>>
      %dma_start3A_20 = arith.constant 0 : i32
      %dma_start3A_21 = tpu.memref_slice %arg3[%add3A, %dma_start3A_20] : memref<32x10240xf32, #tpu.memory_space<hbm>> -> memref<1x10240xf32, #tpu.memory_space<hbm>>
      %dma_start3A_22 = tpu.memref_squeeze %dma_start3A_21 : memref<1x10240xf32, #tpu.memory_space<hbm>> -> memref<10240xf32, #tpu.memory_space<hbm>>
      tpu.enqueue_dma source(%arg5 : memref<10240xf32, #tpu.memory_space<vmem>>) target(%dma_start3A_22 : memref<10240xf32, #tpu.memory_space<hbm>>) target_semaphore(%run_scoped3A_17 : memref<!tpu.dma_semaphore, #tpu.memory_space<semaphore_mem>>)
      %dma_wait3A = arith.constant 0 : i32
      %dma_wait3A_23 = tpu.memref_slice %arg3[%add3A, %dma_wait3A] : memref<32x10240xf32, #tpu.memory_space<hbm>> -> memref<1x10240xf32, #tpu.memory_space<hbm>>
      %dma_wait3A_24 = tpu.memref_squeeze %dma_wait3A_23 : memref<1x10240xf32, #tpu.memory_space<hbm>> -> memref<10240xf32, #tpu.memory_space<hbm>>
      %dma_wait3A_25 = arith.constant 0 : i32
      %dma_wait3A_26 = tpu.memref_slice %arg3[%add3A, %dma_wait3A_25] : memref<32x10240xf32, #tpu.memory_space<hbm>> -> memref<1x10240xf32, #tpu.memory_space<hbm>>
      %dma_wait3A_27 = tpu.memref_squeeze %dma_wait3A_26 : memref<1x10240xf32, #tpu.memory_space<hbm>> -> memref<10240xf32, #tpu.memory_space<hbm>>
      tpu.wait_dma2 semaphore(%run_scoped3A_17 : memref<!tpu.dma_semaphore, #tpu.memory_space<semaphore_mem>>) src(%arg5 : memref<10240xf32, #tpu.memory_space<vmem>>) dst(%dma_wait3A_27 : memref<10240xf32, #tpu.memory_space<hbm>>)
      tpu.yield
    }) : () -> ()
    return
  }
}

#map = affine_map<(d0, d1) -> (0, 0, 0)>
module attributes {stable_mosaic.version = 14 : i64} {
  func.func @body(%arg0: i32, %arg1: i32, %arg2: memref<2x10240x32xf32, #tpu.memory_space<hbm>>, %arg3: memref<2x1250x256xi32, #tpu.memory_space<hbm>>, %arg4: memref<2x10240x32xf32, #tpu.memory_space<hbm>>, %arg5: memref<80x256xi32, #tpu.memory_space<vmem>>, %arg6: memref<80x256xi32, #tpu.memory_space<vmem>>, %arg7: memref<256x32xf32, #tpu.memory_space<vmem>>, %arg8: memref<256x32xf32, #tpu.memory_space<vmem>>, %arg9: memref<!tpu.dma_semaphore, #tpu.memory_space<semaphore_mem>>, %arg10: memref<!tpu.dma_semaphore, #tpu.memory_space<semaphore_mem>>, %arg11: memref<10240x32xf32, #tpu.memory_space<vmem_shared>>) attributes {dimension_semantics = [#tpu.dimension_semantics<core_parallel>, #tpu.dimension_semantics<subcore_parallel>], iteration_bounds = array<i64: 2, 16>, scalar_prefetch = 0 : i64, scratch_operands = 7 : i64, tpu.core_type = #tpu.core_type<sc_vector_subcore>, window_params = [{transform_indices = #map}, {transform_indices = #map}, {transform_indices = #map}]} {
    %eq3A = arith.constant 15 : i32
    %eq3A_0 = arith.cmpi eq, %arg1, %eq3A : i32
    %jit3A = arith.constant 50 : i32
    %jit3A_1 = arith.constant 80 : i32
    %select_n3A = arith.select %eq3A_0, %jit3A, %jit3A_1 : i32
    %mul3A = arith.constant 80 : i32
    %mul3A_2 = arith.muli %arg1, %mul3A : i32
    %run_scoped3A = arith.constant 0 : i32
    "tpu.region"() ({
      %run_scoped3A_84 = tpu.sem_alloc : memref<!tpu.dma_semaphore, #tpu.memory_space<semaphore_mem>>
      %dma_start3A_85 = arith.constant 0 : i32
      %dma_start3A_86 = arith.constant 0 : i32
      %dma_start3A_87 = tpu.memref_slice %arg5[%dma_start3A_85, %dma_start3A_86] : memref<80x256xi32, #tpu.memory_space<vmem>> -> memref<50x256xi32, #tpu.memory_space<vmem>>
      %dma_start3A_88 = arith.constant 0 : i32
      %dma_start3A_89 = arith.constant 0 : i32
      %dma_start3A_90 = tpu.memref_slice %arg3[%run_scoped3A, %dma_start3A_88, %dma_start3A_89] : memref<2x1250x256xi32, #tpu.memory_space<hbm>> -> memref<1x1250x256xi32, #tpu.memory_space<hbm>>
      %dma_start3A_91 = tpu.memref_squeeze %dma_start3A_90 : memref<1x1250x256xi32, #tpu.memory_space<hbm>> -> memref<1250x256xi32, #tpu.memory_space<hbm>>
      %dma_start3A_92 = arith.constant 0 : i32
      %dma_start3A_93 = tpu.memref_slice %dma_start3A_91[%mul3A_2, %dma_start3A_92] : memref<1250x256xi32, #tpu.memory_space<hbm>> -> memref<50x256xi32, #tpu.memory_space<hbm>>
      %dma_start3A_94 = arith.constant 0 : i32
      %dma_start3A_95 = arith.constant 0 : i32
      %dma_start3A_96 = tpu.memref_slice %arg5[%dma_start3A_94, %dma_start3A_95] : memref<80x256xi32, #tpu.memory_space<vmem>> -> memref<50x256xi32, #tpu.memory_space<vmem>>
      %dma_start3A_97 = arith.constant 0 : i32
      %dma_start3A_98 = arith.constant 0 : i32
      %dma_start3A_99 = tpu.memref_slice %arg3[%run_scoped3A, %dma_start3A_97, %dma_start3A_98] : memref<2x1250x256xi32, #tpu.memory_space<hbm>> -> memref<1x1250x256xi32, #tpu.memory_space<hbm>>
      %dma_start3A_100 = tpu.memref_squeeze %dma_start3A_99 : memref<1x1250x256xi32, #tpu.memory_space<hbm>> -> memref<1250x256xi32, #tpu.memory_space<hbm>>
      %dma_start3A_101 = arith.constant 0 : i32
      %dma_start3A_102 = tpu.memref_slice %dma_start3A_100[%mul3A_2, %dma_start3A_101] : memref<1250x256xi32, #tpu.memory_space<hbm>> -> memref<50x256xi32, #tpu.memory_space<hbm>>
      tpu.enqueue_dma source(%dma_start3A_102 : memref<50x256xi32, #tpu.memory_space<hbm>>) target(%dma_start3A_96 : memref<50x256xi32, #tpu.memory_space<vmem>>) target_semaphore(%run_scoped3A_84 : memref<!tpu.dma_semaphore, #tpu.memory_space<semaphore_mem>>)
      %dma_wait3A = arith.constant 0 : i32
      %dma_wait3A_103 = arith.constant 0 : i32
      %dma_wait3A_104 = tpu.memref_slice %arg5[%dma_wait3A, %dma_wait3A_103] : memref<80x256xi32, #tpu.memory_space<vmem>> -> memref<50x256xi32, #tpu.memory_space<vmem>>
      %dma_wait3A_105 = arith.constant 0 : i32
      %dma_wait3A_106 = arith.constant 0 : i32
      %dma_wait3A_107 = tpu.memref_slice %arg3[%run_scoped3A, %dma_wait3A_105, %dma_wait3A_106] : memref<2x1250x256xi32, #tpu.memory_space<hbm>> -> memref<1x1250x256xi32, #tpu.memory_space<hbm>>
      %dma_wait3A_108 = tpu.memref_squeeze %dma_wait3A_107 : memref<1x1250x256xi32, #tpu.memory_space<hbm>> -> memref<1250x256xi32, #tpu.memory_space<hbm>>
      %dma_wait3A_109 = arith.constant 0 : i32
      %dma_wait3A_110 = tpu.memref_slice %dma_wait3A_108[%mul3A_2, %dma_wait3A_109] : memref<1250x256xi32, #tpu.memory_space<hbm>> -> memref<50x256xi32, #tpu.memory_space<hbm>>
      %dma_wait3A_111 = arith.constant 0 : i32
      %dma_wait3A_112 = arith.constant 0 : i32
      %dma_wait3A_113 = tpu.memref_slice %arg5[%dma_wait3A_111, %dma_wait3A_112] : memref<80x256xi32, #tpu.memory_space<vmem>> -> memref<50x256xi32, #tpu.memory_space<vmem>>
      %dma_wait3A_114 = arith.constant 0 : i32
      %dma_wait3A_115 = arith.constant 0 : i32
      %dma_wait3A_116 = tpu.memref_slice %arg3[%run_scoped3A, %dma_wait3A_114, %dma_wait3A_115] : memref<2x1250x256xi32, #tpu.memory_space<hbm>> -> memref<1x1250x256xi32, #tpu.memory_space<hbm>>
      %dma_wait3A_117 = tpu.memref_squeeze %dma_wait3A_116 : memref<1x1250x256xi32, #tpu.memory_space<hbm>> -> memref<1250x256xi32, #tpu.memory_space<hbm>>
      %dma_wait3A_118 = arith.constant 0 : i32
      %dma_wait3A_119 = tpu.memref_slice %dma_wait3A_117[%mul3A_2, %dma_wait3A_118] : memref<1250x256xi32, #tpu.memory_space<hbm>> -> memref<50x256xi32, #tpu.memory_space<hbm>>
      tpu.wait_dma2 semaphore(%run_scoped3A_84 : memref<!tpu.dma_semaphore, #tpu.memory_space<semaphore_mem>>) src(%dma_wait3A_119 : memref<50x256xi32, #tpu.memory_space<hbm>>) dst(%dma_wait3A_113 : memref<50x256xi32, #tpu.memory_space<vmem>>)
      tpu.yield
    }) : () -> ()
    %mul3A_3 = arith.constant 80 : i32
    %mul3A_4 = arith.muli %arg1, %mul3A_3 : i32
    %run_scoped3A_5 = arith.constant 1 : i32
    "tpu.region"() ({
      %run_scoped3A_84 = tpu.sem_alloc : memref<!tpu.dma_semaphore, #tpu.memory_space<semaphore_mem>>
      %dma_start3A_85 = arith.constant 0 : i32
      %dma_start3A_86 = arith.constant 0 : i32
      %dma_start3A_87 = tpu.memref_slice %arg6[%dma_start3A_85, %dma_start3A_86] : memref<80x256xi32, #tpu.memory_space<vmem>> -> memref<50x256xi32, #tpu.memory_space<vmem>>
      %dma_start3A_88 = arith.constant 0 : i32
      %dma_start3A_89 = arith.constant 0 : i32
      %dma_start3A_90 = tpu.memref_slice %arg3[%run_scoped3A_5, %dma_start3A_88, %dma_start3A_89] : memref<2x1250x256xi32, #tpu.memory_space<hbm>> -> memref<1x1250x256xi32, #tpu.memory_space<hbm>>
      %dma_start3A_91 = tpu.memref_squeeze %dma_start3A_90 : memref<1x1250x256xi32, #tpu.memory_space<hbm>> -> memref<1250x256xi32, #tpu.memory_space<hbm>>
      %dma_start3A_92 = arith.constant 0 : i32
      %dma_start3A_93 = tpu.memref_slice %dma_start3A_91[%mul3A_4, %dma_start3A_92] : memref<1250x256xi32, #tpu.memory_space<hbm>> -> memref<50x256xi32, #tpu.memory_space<hbm>>
      %dma_start3A_94 = arith.constant 0 : i32
      %dma_start3A_95 = arith.constant 0 : i32
      %dma_start3A_96 = tpu.memref_slice %arg6[%dma_start3A_94, %dma_start3A_95] : memref<80x256xi32, #tpu.memory_space<vmem>> -> memref<50x256xi32, #tpu.memory_space<vmem>>
      %dma_start3A_97 = arith.constant 0 : i32
      %dma_start3A_98 = arith.constant 0 : i32
      %dma_start3A_99 = tpu.memref_slice %arg3[%run_scoped3A_5, %dma_start3A_97, %dma_start3A_98] : memref<2x1250x256xi32, #tpu.memory_space<hbm>> -> memref<1x1250x256xi32, #tpu.memory_space<hbm>>
      %dma_start3A_100 = tpu.memref_squeeze %dma_start3A_99 : memref<1x1250x256xi32, #tpu.memory_space<hbm>> -> memref<1250x256xi32, #tpu.memory_space<hbm>>
      %dma_start3A_101 = arith.constant 0 : i32
      %dma_start3A_102 = tpu.memref_slice %dma_start3A_100[%mul3A_4, %dma_start3A_101] : memref<1250x256xi32, #tpu.memory_space<hbm>> -> memref<50x256xi32, #tpu.memory_space<hbm>>
      tpu.enqueue_dma source(%dma_start3A_102 : memref<50x256xi32, #tpu.memory_space<hbm>>) target(%dma_start3A_96 : memref<50x256xi32, #tpu.memory_space<vmem>>) target_semaphore(%run_scoped3A_84 : memref<!tpu.dma_semaphore, #tpu.memory_space<semaphore_mem>>)
      %dma_wait3A = arith.constant 0 : i32
      %dma_wait3A_103 = arith.constant 0 : i32
      %dma_wait3A_104 = tpu.memref_slice %arg6[%dma_wait3A, %dma_wait3A_103] : memref<80x256xi32, #tpu.memory_space<vmem>> -> memref<50x256xi32, #tpu.memory_space<vmem>>
      %dma_wait3A_105 = arith.constant 0 : i32
      %dma_wait3A_106 = arith.constant 0 : i32
      %dma_wait3A_107 = tpu.memref_slice %arg3[%run_scoped3A_5, %dma_wait3A_105, %dma_wait3A_106] : memref<2x1250x256xi32, #tpu.memory_space<hbm>> -> memref<1x1250x256xi32, #tpu.memory_space<hbm>>
      %dma_wait3A_108 = tpu.memref_squeeze %dma_wait3A_107 : memref<1x1250x256xi32, #tpu.memory_space<hbm>> -> memref<1250x256xi32, #tpu.memory_space<hbm>>
      %dma_wait3A_109 = arith.constant 0 : i32
      %dma_wait3A_110 = tpu.memref_slice %dma_wait3A_108[%mul3A_4, %dma_wait3A_109] : memref<1250x256xi32, #tpu.memory_space<hbm>> -> memref<50x256xi32, #tpu.memory_space<hbm>>
      %dma_wait3A_111 = arith.constant 0 : i32
      %dma_wait3A_112 = arith.constant 0 : i32
      %dma_wait3A_113 = tpu.memref_slice %arg6[%dma_wait3A_111, %dma_wait3A_112] : memref<80x256xi32, #tpu.memory_space<vmem>> -> memref<50x256xi32, #tpu.memory_space<vmem>>
      %dma_wait3A_114 = arith.constant 0 : i32
      %dma_wait3A_115 = arith.constant 0 : i32
      %dma_wait3A_116 = tpu.memref_slice %arg3[%run_scoped3A_5, %dma_wait3A_114, %dma_wait3A_115] : memref<2x1250x256xi32, #tpu.memory_space<hbm>> -> memref<1x1250x256xi32, #tpu.memory_space<hbm>>
      %dma_wait3A_117 = tpu.memref_squeeze %dma_wait3A_116 : memref<1x1250x256xi32, #tpu.memory_space<hbm>> -> memref<1250x256xi32, #tpu.memory_space<hbm>>
      %dma_wait3A_118 = arith.constant 0 : i32
      %dma_wait3A_119 = tpu.memref_slice %dma_wait3A_117[%mul3A_4, %dma_wait3A_118] : memref<1250x256xi32, #tpu.memory_space<hbm>> -> memref<50x256xi32, #tpu.memory_space<hbm>>
      tpu.wait_dma2 semaphore(%run_scoped3A_84 : memref<!tpu.dma_semaphore, #tpu.memory_space<semaphore_mem>>) src(%dma_wait3A_119 : memref<50x256xi32, #tpu.memory_space<hbm>>) dst(%dma_wait3A_113 : memref<50x256xi32, #tpu.memory_space<vmem>>)
      tpu.yield
    }) : () -> ()
    %lt3A = arith.constant 15 : i32
    %lt3A_6 = arith.cmpi slt, %arg1, %lt3A : i32
    %convert_element_type3A = arith.extui %lt3A_6 : i1 to i32
    %cond3A = arith.constant 0 : i32
    %cond3A_7 = arith.cmpi ne, %convert_element_type3A, %cond3A : i32
    scf.if %cond3A_7 {
      %mul3A_84 = arith.constant 80 : i32
      %mul3A_85 = arith.muli %arg1, %mul3A_84 : i32
      %add3A_86 = arith.constant 50 : i32
      %add3A_87 = arith.addi %mul3A_85, %add3A_86 : i32
      %run_scoped3A_88 = arith.constant 0 : i32
      "tpu.region"() ({
        %run_scoped3A_94 = tpu.sem_alloc : memref<!tpu.dma_semaphore, #tpu.memory_space<semaphore_mem>>
        %dma_start3A_95 = arith.constant 50 : i32
        %dma_start3A_96 = arith.constant 0 : i32
        %dma_start3A_97 = tpu.memref_slice %arg5[%dma_start3A_95, %dma_start3A_96] : memref<80x256xi32, #tpu.memory_space<vmem>> -> memref<30x256xi32, #tpu.memory_space<vmem>>
        %dma_start3A_98 = arith.constant 0 : i32
        %dma_start3A_99 = arith.constant 0 : i32
        %dma_start3A_100 = tpu.memref_slice %arg3[%run_scoped3A_88, %dma_start3A_98, %dma_start3A_99] : memref<2x1250x256xi32, #tpu.memory_space<hbm>> -> memref<1x1250x256xi32, #tpu.memory_space<hbm>>
        %dma_start3A_101 = tpu.memref_squeeze %dma_start3A_100 : memref<1x1250x256xi32, #tpu.memory_space<hbm>> -> memref<1250x256xi32, #tpu.memory_space<hbm>>
        %dma_start3A_102 = arith.constant 0 : i32
        %dma_start3A_103 = tpu.memref_slice %dma_start3A_101[%add3A_87, %dma_start3A_102] : memref<1250x256xi32, #tpu.memory_space<hbm>> -> memref<30x256xi32, #tpu.memory_space<hbm>>
        %dma_start3A_104 = arith.constant 50 : i32
        %dma_start3A_105 = arith.constant 0 : i32
        %dma_start3A_106 = tpu.memref_slice %arg5[%dma_start3A_104, %dma_start3A_105] : memref<80x256xi32, #tpu.memory_space<vmem>> -> memref<30x256xi32, #tpu.memory_space<vmem>>
        %dma_start3A_107 = arith.constant 0 : i32
        %dma_start3A_108 = arith.constant 0 : i32
        %dma_start3A_109 = tpu.memref_slice %arg3[%run_scoped3A_88, %dma_start3A_107, %dma_start3A_108] : memref<2x1250x256xi32, #tpu.memory_space<hbm>> -> memref<1x1250x256xi32, #tpu.memory_space<hbm>>
        %dma_start3A_110 = tpu.memref_squeeze %dma_start3A_109 : memref<1x1250x256xi32, #tpu.memory_space<hbm>> -> memref<1250x256xi32, #tpu.memory_space<hbm>>
        %dma_start3A_111 = arith.constant 0 : i32
        %dma_start3A_112 = tpu.memref_slice %dma_start3A_110[%add3A_87, %dma_start3A_111] : memref<1250x256xi32, #tpu.memory_space<hbm>> -> memref<30x256xi32, #tpu.memory_space<hbm>>
        tpu.enqueue_dma source(%dma_start3A_112 : memref<30x256xi32, #tpu.memory_space<hbm>>) target(%dma_start3A_106 : memref<30x256xi32, #tpu.memory_space<vmem>>) target_semaphore(%run_scoped3A_94 : memref<!tpu.dma_semaphore, #tpu.memory_space<semaphore_mem>>)
        %dma_wait3A = arith.constant 50 : i32
        %dma_wait3A_113 = arith.constant 0 : i32
        %dma_wait3A_114 = tpu.memref_slice %arg5[%dma_wait3A, %dma_wait3A_113] : memref<80x256xi32, #tpu.memory_space<vmem>> -> memref<30x256xi32, #tpu.memory_space<vmem>>
        %dma_wait3A_115 = arith.constant 0 : i32
        %dma_wait3A_116 = arith.constant 0 : i32
        %dma_wait3A_117 = tpu.memref_slice %arg3[%run_scoped3A_88, %dma_wait3A_115, %dma_wait3A_116] : memref<2x1250x256xi32, #tpu.memory_space<hbm>> -> memref<1x1250x256xi32, #tpu.memory_space<hbm>>
        %dma_wait3A_118 = tpu.memref_squeeze %dma_wait3A_117 : memref<1x1250x256xi32, #tpu.memory_space<hbm>> -> memref<1250x256xi32, #tpu.memory_space<hbm>>
        %dma_wait3A_119 = arith.constant 0 : i32
        %dma_wait3A_120 = tpu.memref_slice %dma_wait3A_118[%add3A_87, %dma_wait3A_119] : memref<1250x256xi32, #tpu.memory_space<hbm>> -> memref<30x256xi32, #tpu.memory_space<hbm>>
        %dma_wait3A_121 = arith.constant 50 : i32
        %dma_wait3A_122 = arith.constant 0 : i32
        %dma_wait3A_123 = tpu.memref_slice %arg5[%dma_wait3A_121, %dma_wait3A_122] : memref<80x256xi32, #tpu.memory_space<vmem>> -> memref<30x256xi32, #tpu.memory_space<vmem>>
        %dma_wait3A_124 = arith.constant 0 : i32
        %dma_wait3A_125 = arith.constant 0 : i32
        %dma_wait3A_126 = tpu.memref_slice %arg3[%run_scoped3A_88, %dma_wait3A_124, %dma_wait3A_125] : memref<2x1250x256xi32, #tpu.memory_space<hbm>> -> memref<1x1250x256xi32, #tpu.memory_space<hbm>>
        %dma_wait3A_127 = tpu.memref_squeeze %dma_wait3A_126 : memref<1x1250x256xi32, #tpu.memory_space<hbm>> -> memref<1250x256xi32, #tpu.memory_space<hbm>>
        %dma_wait3A_128 = arith.constant 0 : i32
        %dma_wait3A_129 = tpu.memref_slice %dma_wait3A_127[%add3A_87, %dma_wait3A_128] : memref<1250x256xi32, #tpu.memory_space<hbm>> -> memref<30x256xi32, #tpu.memory_space<hbm>>
        tpu.wait_dma2 semaphore(%run_scoped3A_94 : memref<!tpu.dma_semaphore, #tpu.memory_space<semaphore_mem>>) src(%dma_wait3A_129 : memref<30x256xi32, #tpu.memory_space<hbm>>) dst(%dma_wait3A_123 : memref<30x256xi32, #tpu.memory_space<vmem>>)
        tpu.yield
      }) : () -> ()
      %mul3A_89 = arith.constant 80 : i32
      %mul3A_90 = arith.muli %arg1, %mul3A_89 : i32
      %add3A_91 = arith.constant 50 : i32
      %add3A_92 = arith.addi %mul3A_90, %add3A_91 : i32
      %run_scoped3A_93 = arith.constant 1 : i32
      "tpu.region"() ({
        %run_scoped3A_94 = tpu.sem_alloc : memref<!tpu.dma_semaphore, #tpu.memory_space<semaphore_mem>>
        %dma_start3A_95 = arith.constant 50 : i32
        %dma_start3A_96 = arith.constant 0 : i32
        %dma_start3A_97 = tpu.memref_slice %arg6[%dma_start3A_95, %dma_start3A_96] : memref<80x256xi32, #tpu.memory_space<vmem>> -> memref<30x256xi32, #tpu.memory_space<vmem>>
        %dma_start3A_98 = arith.constant 0 : i32
        %dma_start3A_99 = arith.constant 0 : i32
        %dma_start3A_100 = tpu.memref_slice %arg3[%run_scoped3A_93, %dma_start3A_98, %dma_start3A_99] : memref<2x1250x256xi32, #tpu.memory_space<hbm>> -> memref<1x1250x256xi32, #tpu.memory_space<hbm>>
        %dma_start3A_101 = tpu.memref_squeeze %dma_start3A_100 : memref<1x1250x256xi32, #tpu.memory_space<hbm>> -> memref<1250x256xi32, #tpu.memory_space<hbm>>
        %dma_start3A_102 = arith.constant 0 : i32
        %dma_start3A_103 = tpu.memref_slice %dma_start3A_101[%add3A_92, %dma_start3A_102] : memref<1250x256xi32, #tpu.memory_space<hbm>> -> memref<30x256xi32, #tpu.memory_space<hbm>>
        %dma_start3A_104 = arith.constant 50 : i32
        %dma_start3A_105 = arith.constant 0 : i32
        %dma_start3A_106 = tpu.memref_slice %arg6[%dma_start3A_104, %dma_start3A_105] : memref<80x256xi32, #tpu.memory_space<vmem>> -> memref<30x256xi32, #tpu.memory_space<vmem>>
        %dma_start3A_107 = arith.constant 0 : i32
        %dma_start3A_108 = arith.constant 0 : i32
        %dma_start3A_109 = tpu.memref_slice %arg3[%run_scoped3A_93, %dma_start3A_107, %dma_start3A_108] : memref<2x1250x256xi32, #tpu.memory_space<hbm>> -> memref<1x1250x256xi32, #tpu.memory_space<hbm>>
        %dma_start3A_110 = tpu.memref_squeeze %dma_start3A_109 : memref<1x1250x256xi32, #tpu.memory_space<hbm>> -> memref<1250x256xi32, #tpu.memory_space<hbm>>
        %dma_start3A_111 = arith.constant 0 : i32
        %dma_start3A_112 = tpu.memref_slice %dma_start3A_110[%add3A_92, %dma_start3A_111] : memref<1250x256xi32, #tpu.memory_space<hbm>> -> memref<30x256xi32, #tpu.memory_space<hbm>>
        tpu.enqueue_dma source(%dma_start3A_112 : memref<30x256xi32, #tpu.memory_space<hbm>>) target(%dma_start3A_106 : memref<30x256xi32, #tpu.memory_space<vmem>>) target_semaphore(%run_scoped3A_94 : memref<!tpu.dma_semaphore, #tpu.memory_space<semaphore_mem>>)
        %dma_wait3A = arith.constant 50 : i32
        %dma_wait3A_113 = arith.constant 0 : i32
        %dma_wait3A_114 = tpu.memref_slice %arg6[%dma_wait3A, %dma_wait3A_113] : memref<80x256xi32, #tpu.memory_space<vmem>> -> memref<30x256xi32, #tpu.memory_space<vmem>>
        %dma_wait3A_115 = arith.constant 0 : i32
        %dma_wait3A_116 = arith.constant 0 : i32
        %dma_wait3A_117 = tpu.memref_slice %arg3[%run_scoped3A_93, %dma_wait3A_115, %dma_wait3A_116] : memref<2x1250x256xi32, #tpu.memory_space<hbm>> -> memref<1x1250x256xi32, #tpu.memory_space<hbm>>
        %dma_wait3A_118 = tpu.memref_squeeze %dma_wait3A_117 : memref<1x1250x256xi32, #tpu.memory_space<hbm>> -> memref<1250x256xi32, #tpu.memory_space<hbm>>
        %dma_wait3A_119 = arith.constant 0 : i32
        %dma_wait3A_120 = tpu.memref_slice %dma_wait3A_118[%add3A_92, %dma_wait3A_119] : memref<1250x256xi32, #tpu.memory_space<hbm>> -> memref<30x256xi32, #tpu.memory_space<hbm>>
        %dma_wait3A_121 = arith.constant 50 : i32
        %dma_wait3A_122 = arith.constant 0 : i32
        %dma_wait3A_123 = tpu.memref_slice %arg6[%dma_wait3A_121, %dma_wait3A_122] : memref<80x256xi32, #tpu.memory_space<vmem>> -> memref<30x256xi32, #tpu.memory_space<vmem>>
        %dma_wait3A_124 = arith.constant 0 : i32
        %dma_wait3A_125 = arith.constant 0 : i32
        %dma_wait3A_126 = tpu.memref_slice %arg3[%run_scoped3A_93, %dma_wait3A_124, %dma_wait3A_125] : memref<2x1250x256xi32, #tpu.memory_space<hbm>> -> memref<1x1250x256xi32, #tpu.memory_space<hbm>>
        %dma_wait3A_127 = tpu.memref_squeeze %dma_wait3A_126 : memref<1x1250x256xi32, #tpu.memory_space<hbm>> -> memref<1250x256xi32, #tpu.memory_space<hbm>>
        %dma_wait3A_128 = arith.constant 0 : i32
        %dma_wait3A_129 = tpu.memref_slice %dma_wait3A_127[%add3A_92, %dma_wait3A_128] : memref<1250x256xi32, #tpu.memory_space<hbm>> -> memref<30x256xi32, #tpu.memory_space<hbm>>
        tpu.wait_dma2 semaphore(%run_scoped3A_94 : memref<!tpu.dma_semaphore, #tpu.memory_space<semaphore_mem>>) src(%dma_wait3A_129 : memref<30x256xi32, #tpu.memory_space<hbm>>) dst(%dma_wait3A_123 : memref<30x256xi32, #tpu.memory_space<vmem>>)
        tpu.yield
      }) : () -> ()
    } else {
    }
    %broadcast_in_dim3A = arith.constant 0.000000e+00 : f32
    %broadcast_in_dim3A_8 = vector.broadcast %broadcast_in_dim3A : f32 to vector<16xf32>
    %scan3A = arith.constant 0 : i32
    %scan3A_9 = arith.constant 0 : i32
    %scan3A_10 = arith.constant 256 : i32
    %scan3A_11 = arith.addi %scan3A_9, %scan3A_10 : i32
    %scan3A_12 = arith.constant 1 : i32
    scf.for %scan3A_84 = %scan3A_9 to %scan3A_11 step %scan3A_12  : i32 {
      %jit3A_85 = arith.constant 2 : i32
      %div3A_86 = arith.divsi %scan3A_84, %jit3A_85 : i32
      %sign3A_87 = arith.constant 0 : i32
      %sign3A_88 = arith.cmpi sgt, %scan3A_84, %sign3A_87 : i32
      %sign3A_89 = arith.extui %sign3A_88 : i1 to i32
      %sign3A_90 = arith.constant 0 : i32
      %sign3A_91 = arith.cmpi slt, %scan3A_84, %sign3A_90 : i32
      %sign3A_92 = arith.extui %sign3A_91 : i1 to i32
      %sign3A_93 = arith.subi %sign3A_89, %sign3A_92 : i32
      %sign3A_94 = arith.constant 0 : i32
      %sign3A_95 = arith.cmpi sgt, %jit3A_85, %sign3A_94 : i32
      %sign3A_96 = arith.extui %sign3A_95 : i1 to i32
      %sign3A_97 = arith.constant 0 : i32
      %sign3A_98 = arith.cmpi slt, %jit3A_85, %sign3A_97 : i32
      %sign3A_99 = arith.extui %sign3A_98 : i1 to i32
      %sign3A_100 = arith.subi %sign3A_96, %sign3A_99 : i32
      %ne3A_101 = arith.cmpi ne, %sign3A_93, %sign3A_100 : i32
      %rem3A_102 = arith.remsi %scan3A_84, %jit3A_85 : i32
      %ne3A_103 = arith.constant 0 : i32
      %ne3A_104 = arith.cmpi ne, %rem3A_102, %ne3A_103 : i32
      %and3A_105 = arith.andi %ne3A_101, %ne3A_104 : i1
      %sub3A_106 = arith.constant 1 : i32
      %sub3A_107 = arith.subi %div3A_86, %sub3A_106 : i32
      %select_n3A_108 = arith.select %and3A_105, %sub3A_107, %div3A_86 : i32
      %jit3A_109 = arith.constant 2 : i32
      %eq3A_110 = arith.constant 0 : i32
      %eq3A_111 = arith.cmpi eq, %jit3A_109, %eq3A_110 : i32
      %jit3A_112 = arith.constant 1 : i32
      %select_n3A_113 = arith.select %eq3A_111, %jit3A_112, %jit3A_109 : i32
      %rem3A_114 = arith.remsi %scan3A_84, %select_n3A_113 : i32
      %ne3A_115 = arith.constant 0 : i32
      %ne3A_116 = arith.cmpi ne, %rem3A_114, %ne3A_115 : i32
      %lt3A_117 = arith.constant 0 : i32
      %lt3A_118 = arith.cmpi slt, %rem3A_114, %lt3A_117 : i32
      %lt3A_119 = arith.constant 0 : i32
      %lt3A_120 = arith.cmpi slt, %select_n3A_113, %lt3A_119 : i32
      %ne3A_121 = arith.xori %lt3A_118, %lt3A_120 : i1
      %and3A_122 = arith.andi %ne3A_121, %ne3A_116 : i1
      %add3A_123 = arith.addi %rem3A_114, %select_n3A_113 : i32
      %select_n3A_124 = arith.select %and3A_122, %add3A_123, %rem3A_114 : i32
      %mul3A_125 = arith.constant 16 : i32
      %mul3A_126 = arith.muli %select_n3A_124, %mul3A_125 : i32
      %swap3A = arith.index_cast %select_n3A_108 : i32 to index
      %swap3A_127 = arith.index_cast %mul3A_126 : i32 to index
      %swap3A_128 = tpu.vector_load %arg7[%swap3A, %swap3A_127] {strides = array<i32>} : memref<256x32xf32, #tpu.memory_space<vmem>>, vector<16xf32>,
      tpu.vector_store %arg7[%swap3A, %swap3A_127], %broadcast_in_dim3A_8 {strides = array<i32>} : memref<256x32xf32, #tpu.memory_space<vmem>>, vector<16xf32>,
    }
    %scan3A_13 = arith.constant 256 : i32
    %mul3A_14 = arith.constant 640 : i32
    %mul3A_15 = arith.muli %arg1, %mul3A_14 : i32
    %add3A = arith.constant 0 : i32
    %add3A_16 = arith.addi %mul3A_15, %add3A : i32
    "tpu.region"() ({
      %run_scoped3A_84 = tpu.sem_alloc : memref<!tpu.dma_semaphore, #tpu.memory_space<semaphore_mem>>
      %dma_start3A_85 = arith.constant 0 : i32
      %dma_start3A_86 = arith.constant 0 : i32
      %dma_start3A_87 = tpu.memref_slice %arg7[%dma_start3A_85, %dma_start3A_86] : memref<256x32xf32, #tpu.memory_space<vmem>> -> memref<128x32xf32, #tpu.memory_space<vmem>>
      %dma_start3A_88 = arith.constant 0 : i32
      %dma_start3A_89 = tpu.memref_slice %arg11[%add3A_16, %dma_start3A_88] : memref<10240x32xf32, #tpu.memory_space<vmem_shared>> -> memref<128x32xf32, #tpu.memory_space<vmem_shared>>
      %dma_start3A_90 = arith.constant 0 : i32
      %dma_start3A_91 = tpu.memref_slice %arg11[%add3A_16, %dma_start3A_90] : memref<10240x32xf32, #tpu.memory_space<vmem_shared>> -> memref<128x32xf32, #tpu.memory_space<vmem_shared>>
      %dma_start3A_92 = arith.constant 0 : i32
      %dma_start3A_93 = arith.constant 0 : i32
      %dma_start3A_94 = tpu.memref_slice %arg7[%dma_start3A_92, %dma_start3A_93] : memref<256x32xf32, #tpu.memory_space<vmem>> -> memref<128x32xf32, #tpu.memory_space<vmem>>
      tpu.enqueue_dma source(%dma_start3A_94 : memref<128x32xf32, #tpu.memory_space<vmem>>) target(%dma_start3A_91 : memref<128x32xf32, #tpu.memory_space<vmem_shared>>) target_semaphore(%run_scoped3A_84 : memref<!tpu.dma_semaphore, #tpu.memory_space<semaphore_mem>>)
      %dma_wait3A = arith.constant 0 : i32
      %dma_wait3A_95 = arith.constant 0 : i32
      %dma_wait3A_96 = tpu.memref_slice %arg7[%dma_wait3A, %dma_wait3A_95] : memref<256x32xf32, #tpu.memory_space<vmem>> -> memref<128x32xf32, #tpu.memory_space<vmem>>
      %dma_wait3A_97 = arith.constant 0 : i32
      %dma_wait3A_98 = tpu.memref_slice %arg11[%add3A_16, %dma_wait3A_97] : memref<10240x32xf32, #tpu.memory_space<vmem_shared>> -> memref<128x32xf32, #tpu.memory_space<vmem_shared>>
      %dma_wait3A_99 = arith.constant 0 : i32
      %dma_wait3A_100 = tpu.memref_slice %arg11[%add3A_16, %dma_wait3A_99] : memref<10240x32xf32, #tpu.memory_space<vmem_shared>> -> memref<128x32xf32, #tpu.memory_space<vmem_shared>>
      %dma_wait3A_101 = arith.constant 0 : i32
      %dma_wait3A_102 = arith.constant 0 : i32
      %dma_wait3A_103 = tpu.memref_slice %arg7[%dma_wait3A_101, %dma_wait3A_102] : memref<256x32xf32, #tpu.memory_space<vmem>> -> memref<128x32xf32, #tpu.memory_space<vmem>>
      tpu.wait_dma2 semaphore(%run_scoped3A_84 : memref<!tpu.dma_semaphore, #tpu.memory_space<semaphore_mem>>) src(%dma_wait3A_103 : memref<128x32xf32, #tpu.memory_space<vmem>>) dst(%dma_wait3A_100 : memref<128x32xf32, #tpu.memory_space<vmem_shared>>)
      tpu.yield
    }) : () -> ()
    %add3A_17 = arith.constant 128 : i32
    %add3A_18 = arith.addi %mul3A_15, %add3A_17 : i32
    "tpu.region"() ({
      %run_scoped3A_84 = tpu.sem_alloc : memref<!tpu.dma_semaphore, #tpu.memory_space<semaphore_mem>>
      %dma_start3A_85 = arith.constant 0 : i32
      %dma_start3A_86 = arith.constant 0 : i32
      %dma_start3A_87 = tpu.memref_slice %arg7[%dma_start3A_85, %dma_start3A_86] : memref<256x32xf32, #tpu.memory_space<vmem>> -> memref<128x32xf32, #tpu.memory_space<vmem>>
      %dma_start3A_88 = arith.constant 0 : i32
      %dma_start3A_89 = tpu.memref_slice %arg11[%add3A_18, %dma_start3A_88] : memref<10240x32xf32, #tpu.memory_space<vmem_shared>> -> memref<128x32xf32, #tpu.memory_space<vmem_shared>>
      %dma_start3A_90 = arith.constant 0 : i32
      %dma_start3A_91 = tpu.memref_slice %arg11[%add3A_18, %dma_start3A_90] : memref<10240x32xf32, #tpu.memory_space<vmem_shared>> -> memref<128x32xf32, #tpu.memory_space<vmem_shared>>
      %dma_start3A_92 = arith.constant 0 : i32
      %dma_start3A_93 = arith.constant 0 : i32
      %dma_start3A_94 = tpu.memref_slice %arg7[%dma_start3A_92, %dma_start3A_93] : memref<256x32xf32, #tpu.memory_space<vmem>> -> memref<128x32xf32, #tpu.memory_space<vmem>>
      tpu.enqueue_dma source(%dma_start3A_94 : memref<128x32xf32, #tpu.memory_space<vmem>>) target(%dma_start3A_91 : memref<128x32xf32, #tpu.memory_space<vmem_shared>>) target_semaphore(%run_scoped3A_84 : memref<!tpu.dma_semaphore, #tpu.memory_space<semaphore_mem>>)
      %dma_wait3A = arith.constant 0 : i32
      %dma_wait3A_95 = arith.constant 0 : i32
      %dma_wait3A_96 = tpu.memref_slice %arg7[%dma_wait3A, %dma_wait3A_95] : memref<256x32xf32, #tpu.memory_space<vmem>> -> memref<128x32xf32, #tpu.memory_space<vmem>>
      %dma_wait3A_97 = arith.constant 0 : i32
      %dma_wait3A_98 = tpu.memref_slice %arg11[%add3A_18, %dma_wait3A_97] : memref<10240x32xf32, #tpu.memory_space<vmem_shared>> -> memref<128x32xf32, #tpu.memory_space<vmem_shared>>
      %dma_wait3A_99 = arith.constant 0 : i32
      %dma_wait3A_100 = tpu.memref_slice %arg11[%add3A_18, %dma_wait3A_99] : memref<10240x32xf32, #tpu.memory_space<vmem_shared>> -> memref<128x32xf32, #tpu.memory_space<vmem_shared>>
      %dma_wait3A_101 = arith.constant 0 : i32
      %dma_wait3A_102 = arith.constant 0 : i32
      %dma_wait3A_103 = tpu.memref_slice %arg7[%dma_wait3A_101, %dma_wait3A_102] : memref<256x32xf32, #tpu.memory_space<vmem>> -> memref<128x32xf32, #tpu.memory_space<vmem>>
      tpu.wait_dma2 semaphore(%run_scoped3A_84 : memref<!tpu.dma_semaphore, #tpu.memory_space<semaphore_mem>>) src(%dma_wait3A_103 : memref<128x32xf32, #tpu.memory_space<vmem>>) dst(%dma_wait3A_100 : memref<128x32xf32, #tpu.memory_space<vmem_shared>>)
      tpu.yield
    }) : () -> ()
    %add3A_19 = arith.constant 256 : i32
    %add3A_20 = arith.addi %mul3A_15, %add3A_19 : i32
    "tpu.region"() ({
      %run_scoped3A_84 = tpu.sem_alloc : memref<!tpu.dma_semaphore, #tpu.memory_space<semaphore_mem>>
      %dma_start3A_85 = arith.constant 0 : i32
      %dma_start3A_86 = arith.constant 0 : i32
      %dma_start3A_87 = tpu.memref_slice %arg7[%dma_start3A_85, %dma_start3A_86] : memref<256x32xf32, #tpu.memory_space<vmem>> -> memref<128x32xf32, #tpu.memory_space<vmem>>
      %dma_start3A_88 = arith.constant 0 : i32
      %dma_start3A_89 = tpu.memref_slice %arg11[%add3A_20, %dma_start3A_88] : memref<10240x32xf32, #tpu.memory_space<vmem_shared>> -> memref<128x32xf32, #tpu.memory_space<vmem_shared>>
      %dma_start3A_90 = arith.constant 0 : i32
      %dma_start3A_91 = tpu.memref_slice %arg11[%add3A_20, %dma_start3A_90] : memref<10240x32xf32, #tpu.memory_space<vmem_shared>> -> memref<128x32xf32, #tpu.memory_space<vmem_shared>>
      %dma_start3A_92 = arith.constant 0 : i32
      %dma_start3A_93 = arith.constant 0 : i32
      %dma_start3A_94 = tpu.memref_slice %arg7[%dma_start3A_92, %dma_start3A_93] : memref<256x32xf32, #tpu.memory_space<vmem>> -> memref<128x32xf32, #tpu.memory_space<vmem>>
      tpu.enqueue_dma source(%dma_start3A_94 : memref<128x32xf32, #tpu.memory_space<vmem>>) target(%dma_start3A_91 : memref<128x32xf32, #tpu.memory_space<vmem_shared>>) target_semaphore(%run_scoped3A_84 : memref<!tpu.dma_semaphore, #tpu.memory_space<semaphore_mem>>)
      %dma_wait3A = arith.constant 0 : i32
      %dma_wait3A_95 = arith.constant 0 : i32
      %dma_wait3A_96 = tpu.memref_slice %arg7[%dma_wait3A, %dma_wait3A_95] : memref<256x32xf32, #tpu.memory_space<vmem>> -> memref<128x32xf32, #tpu.memory_space<vmem>>
      %dma_wait3A_97 = arith.constant 0 : i32
      %dma_wait3A_98 = tpu.memref_slice %arg11[%add3A_20, %dma_wait3A_97] : memref<10240x32xf32, #tpu.memory_space<vmem_shared>> -> memref<128x32xf32, #tpu.memory_space<vmem_shared>>
      %dma_wait3A_99 = arith.constant 0 : i32
      %dma_wait3A_100 = tpu.memref_slice %arg11[%add3A_20, %dma_wait3A_99] : memref<10240x32xf32, #tpu.memory_space<vmem_shared>> -> memref<128x32xf32, #tpu.memory_space<vmem_shared>>
      %dma_wait3A_101 = arith.constant 0 : i32
      %dma_wait3A_102 = arith.constant 0 : i32
      %dma_wait3A_103 = tpu.memref_slice %arg7[%dma_wait3A_101, %dma_wait3A_102] : memref<256x32xf32, #tpu.memory_space<vmem>> -> memref<128x32xf32, #tpu.memory_space<vmem>>
      tpu.wait_dma2 semaphore(%run_scoped3A_84 : memref<!tpu.dma_semaphore, #tpu.memory_space<semaphore_mem>>) src(%dma_wait3A_103 : memref<128x32xf32, #tpu.memory_space<vmem>>) dst(%dma_wait3A_100 : memref<128x32xf32, #tpu.memory_space<vmem_shared>>)
      tpu.yield
    }) : () -> ()
    %add3A_21 = arith.constant 384 : i32
    %add3A_22 = arith.addi %mul3A_15, %add3A_21 : i32
    "tpu.region"() ({
      %run_scoped3A_84 = tpu.sem_alloc : memref<!tpu.dma_semaphore, #tpu.memory_space<semaphore_mem>>
      %dma_start3A_85 = arith.constant 0 : i32
      %dma_start3A_86 = arith.constant 0 : i32
      %dma_start3A_87 = tpu.memref_slice %arg7[%dma_start3A_85, %dma_start3A_86] : memref<256x32xf32, #tpu.memory_space<vmem>> -> memref<128x32xf32, #tpu.memory_space<vmem>>
      %dma_start3A_88 = arith.constant 0 : i32
      %dma_start3A_89 = tpu.memref_slice %arg11[%add3A_22, %dma_start3A_88] : memref<10240x32xf32, #tpu.memory_space<vmem_shared>> -> memref<128x32xf32, #tpu.memory_space<vmem_shared>>
      %dma_start3A_90 = arith.constant 0 : i32
      %dma_start3A_91 = tpu.memref_slice %arg11[%add3A_22, %dma_start3A_90] : memref<10240x32xf32, #tpu.memory_space<vmem_shared>> -> memref<128x32xf32, #tpu.memory_space<vmem_shared>>
      %dma_start3A_92 = arith.constant 0 : i32
      %dma_start3A_93 = arith.constant 0 : i32
      %dma_start3A_94 = tpu.memref_slice %arg7[%dma_start3A_92, %dma_start3A_93] : memref<256x32xf32, #tpu.memory_space<vmem>> -> memref<128x32xf32, #tpu.memory_space<vmem>>
      tpu.enqueue_dma source(%dma_start3A_94 : memref<128x32xf32, #tpu.memory_space<vmem>>) target(%dma_start3A_91 : memref<128x32xf32, #tpu.memory_space<vmem_shared>>) target_semaphore(%run_scoped3A_84 : memref<!tpu.dma_semaphore, #tpu.memory_space<semaphore_mem>>)
      %dma_wait3A = arith.constant 0 : i32
      %dma_wait3A_95 = arith.constant 0 : i32
      %dma_wait3A_96 = tpu.memref_slice %arg7[%dma_wait3A, %dma_wait3A_95] : memref<256x32xf32, #tpu.memory_space<vmem>> -> memref<128x32xf32, #tpu.memory_space<vmem>>
      %dma_wait3A_97 = arith.constant 0 : i32
      %dma_wait3A_98 = tpu.memref_slice %arg11[%add3A_22, %dma_wait3A_97] : memref<10240x32xf32, #tpu.memory_space<vmem_shared>> -> memref<128x32xf32, #tpu.memory_space<vmem_shared>>
      %dma_wait3A_99 = arith.constant 0 : i32
      %dma_wait3A_100 = tpu.memref_slice %arg11[%add3A_22, %dma_wait3A_99] : memref<10240x32xf32, #tpu.memory_space<vmem_shared>> -> memref<128x32xf32, #tpu.memory_space<vmem_shared>>
      %dma_wait3A_101 = arith.constant 0 : i32
      %dma_wait3A_102 = arith.constant 0 : i32
      %dma_wait3A_103 = tpu.memref_slice %arg7[%dma_wait3A_101, %dma_wait3A_102] : memref<256x32xf32, #tpu.memory_space<vmem>> -> memref<128x32xf32, #tpu.memory_space<vmem>>
      tpu.wait_dma2 semaphore(%run_scoped3A_84 : memref<!tpu.dma_semaphore, #tpu.memory_space<semaphore_mem>>) src(%dma_wait3A_103 : memref<128x32xf32, #tpu.memory_space<vmem>>) dst(%dma_wait3A_100 : memref<128x32xf32, #tpu.memory_space<vmem_shared>>)
      tpu.yield
    }) : () -> ()
    %add3A_23 = arith.constant 512 : i32
    %add3A_24 = arith.addi %mul3A_15, %add3A_23 : i32
    "tpu.region"() ({
      %run_scoped3A_84 = tpu.sem_alloc : memref<!tpu.dma_semaphore, #tpu.memory_space<semaphore_mem>>
      %dma_start3A_85 = arith.constant 0 : i32
      %dma_start3A_86 = arith.constant 0 : i32
      %dma_start3A_87 = tpu.memref_slice %arg7[%dma_start3A_85, %dma_start3A_86] : memref<256x32xf32, #tpu.memory_space<vmem>> -> memref<128x32xf32, #tpu.memory_space<vmem>>
      %dma_start3A_88 = arith.constant 0 : i32
      %dma_start3A_89 = tpu.memref_slice %arg11[%add3A_24, %dma_start3A_88] : memref<10240x32xf32, #tpu.memory_space<vmem_shared>> -> memref<128x32xf32, #tpu.memory_space<vmem_shared>>
      %dma_start3A_90 = arith.constant 0 : i32
      %dma_start3A_91 = tpu.memref_slice %arg11[%add3A_24, %dma_start3A_90] : memref<10240x32xf32, #tpu.memory_space<vmem_shared>> -> memref<128x32xf32, #tpu.memory_space<vmem_shared>>
      %dma_start3A_92 = arith.constant 0 : i32
      %dma_start3A_93 = arith.constant 0 : i32
      %dma_start3A_94 = tpu.memref_slice %arg7[%dma_start3A_92, %dma_start3A_93] : memref<256x32xf32, #tpu.memory_space<vmem>> -> memref<128x32xf32, #tpu.memory_space<vmem>>
      tpu.enqueue_dma source(%dma_start3A_94 : memref<128x32xf32, #tpu.memory_space<vmem>>) target(%dma_start3A_91 : memref<128x32xf32, #tpu.memory_space<vmem_shared>>) target_semaphore(%run_scoped3A_84 : memref<!tpu.dma_semaphore, #tpu.memory_space<semaphore_mem>>)
      %dma_wait3A = arith.constant 0 : i32
      %dma_wait3A_95 = arith.constant 0 : i32
      %dma_wait3A_96 = tpu.memref_slice %arg7[%dma_wait3A, %dma_wait3A_95] : memref<256x32xf32, #tpu.memory_space<vmem>> -> memref<128x32xf32, #tpu.memory_space<vmem>>
      %dma_wait3A_97 = arith.constant 0 : i32
      %dma_wait3A_98 = tpu.memref_slice %arg11[%add3A_24, %dma_wait3A_97] : memref<10240x32xf32, #tpu.memory_space<vmem_shared>> -> memref<128x32xf32, #tpu.memory_space<vmem_shared>>
      %dma_wait3A_99 = arith.constant 0 : i32
      %dma_wait3A_100 = tpu.memref_slice %arg11[%add3A_24, %dma_wait3A_99] : memref<10240x32xf32, #tpu.memory_space<vmem_shared>> -> memref<128x32xf32, #tpu.memory_space<vmem_shared>>
      %dma_wait3A_101 = arith.constant 0 : i32
      %dma_wait3A_102 = arith.constant 0 : i32
      %dma_wait3A_103 = tpu.memref_slice %arg7[%dma_wait3A_101, %dma_wait3A_102] : memref<256x32xf32, #tpu.memory_space<vmem>> -> memref<128x32xf32, #tpu.memory_space<vmem>>
      tpu.wait_dma2 semaphore(%run_scoped3A_84 : memref<!tpu.dma_semaphore, #tpu.memory_space<semaphore_mem>>) src(%dma_wait3A_103 : memref<128x32xf32, #tpu.memory_space<vmem>>) dst(%dma_wait3A_100 : memref<128x32xf32, #tpu.memory_space<vmem_shared>>)
      tpu.yield
    }) : () -> ()
    %barrier3A = arith.constant 0 : index
    tpu.barrier barrier_id(%barrier3A)
    %dma_start3A = arith.constant 0 : i32
    %dma_start3A_25 = arith.constant 0 : i32
    %dma_start3A_26 = tpu.memref_slice %arg5[%dma_start3A, %dma_start3A_25] : memref<80x256xi32, #tpu.memory_space<vmem>> -> memref<1x256xi32, #tpu.memory_space<vmem>>
    %dma_start3A_27 = tpu.memref_squeeze %dma_start3A_26 : memref<1x256xi32, #tpu.memory_space<vmem>> -> memref<256xi32, #tpu.memory_space<vmem>>
    %dma_start3A_28 = arith.constant 0 : i32
    %dma_start3A_29 = arith.constant 0 : i32
    %dma_start3A_30 = tpu.memref_slice %arg2[%arg0, %dma_start3A_28, %dma_start3A_29] : memref<2x10240x32xf32, #tpu.memory_space<hbm>> -> memref<1x10240x32xf32, #tpu.memory_space<hbm>>
    %dma_start3A_31 = tpu.memref_squeeze %dma_start3A_30 : memref<1x10240x32xf32, #tpu.memory_space<hbm>> -> memref<10240x32xf32, #tpu.memory_space<hbm>>
    %dma_start3A_32 = arith.constant 0 : i32
    %dma_start3A_33 = arith.constant 0 : i32
    %dma_start3A_34 = tpu.memref_slice %dma_start3A_31[%dma_start3A_32, %dma_start3A_33] : memref<10240x32xf32, #tpu.memory_space<hbm>> -> memref<10240x32xf32, #tpu.memory_space<hbm>>
    tpu.enqueue_indirect_dma source(%dma_start3A_34 : memref<10240x32xf32, #tpu.memory_space<hbm>>) target(%arg7 : memref<256x32xf32, #tpu.memory_space<vmem>>) offsets(%dma_start3A_27 : memref<256xi32, #tpu.memory_space<vmem>>) semaphore(%arg9 : memref<!tpu.dma_semaphore, #tpu.memory_space<semaphore_mem>>)
    %dma_start3A_35 = arith.constant 1 : i32
    %dma_start3A_36 = arith.constant 0 : i32
    %dma_start3A_37 = tpu.memref_slice %arg5[%dma_start3A_35, %dma_start3A_36] : memref<80x256xi32, #tpu.memory_space<vmem>> -> memref<1x256xi32, #tpu.memory_space<vmem>>
    %dma_start3A_38 = tpu.memref_squeeze %dma_start3A_37 : memref<1x256xi32, #tpu.memory_space<vmem>> -> memref<256xi32, #tpu.memory_space<vmem>>
    %dma_start3A_39 = arith.constant 0 : i32
    %dma_start3A_40 = arith.constant 0 : i32
    %dma_start3A_41 = tpu.memref_slice %arg2[%arg0, %dma_start3A_39, %dma_start3A_40] : memref<2x10240x32xf32, #tpu.memory_space<hbm>> -> memref<1x10240x32xf32, #tpu.memory_space<hbm>>
    %dma_start3A_42 = tpu.memref_squeeze %dma_start3A_41 : memref<1x10240x32xf32, #tpu.memory_space<hbm>> -> memref<10240x32xf32, #tpu.memory_space<hbm>>
    %dma_start3A_43 = arith.constant 0 : i32
    %dma_start3A_44 = arith.constant 0 : i32
    %dma_start3A_45 = tpu.memref_slice %dma_start3A_42[%dma_start3A_43, %dma_start3A_44] : memref<10240x32xf32, #tpu.memory_space<hbm>> -> memref<10240x32xf32, #tpu.memory_space<hbm>>
    tpu.enqueue_indirect_dma source(%dma_start3A_45 : memref<10240x32xf32, #tpu.memory_space<hbm>>) target(%arg8 : memref<256x32xf32, #tpu.memory_space<vmem>>) offsets(%dma_start3A_38 : memref<256xi32, #tpu.memory_space<vmem>>) semaphore(%arg10 : memref<!tpu.dma_semaphore, #tpu.memory_space<semaphore_mem>>)
    %jit3A_46 = arith.constant 2 : i32
    %div3A = arith.divsi %select_n3A, %jit3A_46 : i32
    %sign3A = arith.constant 0 : i32
    %sign3A_47 = arith.cmpi sgt, %select_n3A, %sign3A : i32
    %sign3A_48 = arith.extui %sign3A_47 : i1 to i32
    %sign3A_49 = arith.constant 0 : i32
    %sign3A_50 = arith.cmpi slt, %select_n3A, %sign3A_49 : i32
    %sign3A_51 = arith.extui %sign3A_50 : i1 to i32
    %sign3A_52 = arith.subi %sign3A_48, %sign3A_51 : i32
    %sign3A_53 = arith.constant 0 : i32
    %sign3A_54 = arith.cmpi sgt, %jit3A_46, %sign3A_53 : i32
    %sign3A_55 = arith.extui %sign3A_54 : i1 to i32
    %sign3A_56 = arith.constant 0 : i32
    %sign3A_57 = arith.cmpi slt, %jit3A_46, %sign3A_56 : i32
    %sign3A_58 = arith.extui %sign3A_57 : i1 to i32
    %sign3A_59 = arith.subi %sign3A_55, %sign3A_58 : i32
    %ne3A = arith.cmpi ne, %sign3A_52, %sign3A_59 : i32
    %rem3A = arith.remsi %select_n3A, %jit3A_46 : i32
    %ne3A_60 = arith.constant 0 : i32
    %ne3A_61 = arith.cmpi ne, %rem3A, %ne3A_60 : i32
    %and3A = arith.andi %ne3A, %ne3A_61 : i1
    %sub3A = arith.constant 1 : i32
    %sub3A_62 = arith.subi %div3A, %sub3A : i32
    %select_n3A_63 = arith.select %and3A, %sub3A_62, %div3A : i32
    %while3A = arith.constant 0 : i32
    %while3A_64 = arith.constant 0 : i32
    %while3A_65 = arith.subi %select_n3A_63, %while3A_64 : i32
    %while3A_66 = arith.addi %while3A_64, %while3A_65 : i32
    %while3A_67 = arith.constant 1 : i32
    %while3A_68 = arith.divsi %while3A_65, %while3A_67 : i32
    %while3A_69 = arith.muli %while3A_68, %while3A_67 : i32
    %while3A_70 = arith.addi %while3A_64, %while3A_69 : i32
    %while3A_71 = arith.constant 1 : i32
    scf.for %while3A_84 = %while3A_64 to %while3A_70 step %while3A_71  : i32 {
      %mul3A_85 = arith.constant 2 : i32
      %mul3A_86 = arith.muli %while3A_84, %mul3A_85 : i32
      %add3A_87 = arith.constant 0 : i32
      %add3A_88 = arith.addi %mul3A_86, %add3A_87 : i32
      %dma_wait3A = arith.constant 0 : i32
      %dma_wait3A_89 = tpu.memref_slice %arg5[%add3A_88, %dma_wait3A] : memref<80x256xi32, #tpu.memory_space<vmem>> -> memref<1x256xi32, #tpu.memory_space<vmem>>
      %dma_wait3A_90 = tpu.memref_squeeze %dma_wait3A_89 : memref<1x256xi32, #tpu.memory_space<vmem>> -> memref<256xi32, #tpu.memory_space<vmem>>
      %dma_wait3A_91 = arith.constant 0 : i32
      %dma_wait3A_92 = arith.constant 0 : i32
      %dma_wait3A_93 = tpu.memref_slice %arg2[%arg0, %dma_wait3A_91, %dma_wait3A_92] : memref<2x10240x32xf32, #tpu.memory_space<hbm>> -> memref<1x10240x32xf32, #tpu.memory_space<hbm>>
      %dma_wait3A_94 = tpu.memref_squeeze %dma_wait3A_93 : memref<1x10240x32xf32, #tpu.memory_space<hbm>> -> memref<10240x32xf32, #tpu.memory_space<hbm>>
      %dma_wait3A_95 = arith.constant 0 : i32
      %dma_wait3A_96 = arith.constant 0 : i32
      %dma_wait3A_97 = tpu.memref_slice %dma_wait3A_94[%dma_wait3A_95, %dma_wait3A_96] : memref<10240x32xf32, #tpu.memory_space<hbm>> -> memref<10240x32xf32, #tpu.memory_space<hbm>>
      tpu.wait_indirect_dma semaphore(%arg9 : memref<!tpu.dma_semaphore, #tpu.memory_space<semaphore_mem>>) src(%dma_wait3A_97 : memref<10240x32xf32, #tpu.memory_space<hbm>>) dst(%arg7 : memref<256x32xf32, #tpu.memory_space<vmem>>)
      "tpu.region"() ({
        %run_scoped3A_122 = tpu.sem_alloc : memref<!tpu.dma_semaphore, #tpu.memory_space<semaphore_mem>>
        %dma_start3A_123 = arith.constant 0 : i32
        %dma_start3A_124 = tpu.memref_slice %arg6[%add3A_88, %dma_start3A_123] : memref<80x256xi32, #tpu.memory_space<vmem>> -> memref<1x256xi32, #tpu.memory_space<vmem>>
        %dma_start3A_125 = tpu.memref_squeeze %dma_start3A_124 : memref<1x256xi32, #tpu.memory_space<vmem>> -> memref<256xi32, #tpu.memory_space<vmem>>
        %dma_start3A_126 = arith.constant 0 : i32
        %dma_start3A_127 = arith.constant 0 : i32
        %dma_start3A_128 = tpu.memref_slice %arg11[%dma_start3A_126, %dma_start3A_127] : memref<10240x32xf32, #tpu.memory_space<vmem_shared>> -> memref<10240x32xf32, #tpu.memory_space<vmem_shared>>
        tpu.enqueue_indirect_dma source(%arg7 : memref<256x32xf32, #tpu.memory_space<vmem>>) target(%dma_start3A_128 : memref<10240x32xf32, #tpu.memory_space<vmem_shared>>) offsets(%dma_start3A_125 : memref<256xi32, #tpu.memory_space<vmem>>) semaphore(%run_scoped3A_122 : memref<!tpu.dma_semaphore, #tpu.memory_space<semaphore_mem>>) {add = true}
        %dma_wait3A_129 = arith.constant 0 : i32
        %dma_wait3A_130 = tpu.memref_slice %arg6[%add3A_88, %dma_wait3A_129] : memref<80x256xi32, #tpu.memory_space<vmem>> -> memref<1x256xi32, #tpu.memory_space<vmem>>
        %dma_wait3A_131 = tpu.memref_squeeze %dma_wait3A_130 : memref<1x256xi32, #tpu.memory_space<vmem>> -> memref<256xi32, #tpu.memory_space<vmem>>
        %dma_wait3A_132 = arith.constant 0 : i32
        %dma_wait3A_133 = arith.constant 0 : i32
        %dma_wait3A_134 = tpu.memref_slice %arg11[%dma_wait3A_132, %dma_wait3A_133] : memref<10240x32xf32, #tpu.memory_space<vmem_shared>> -> memref<10240x32xf32, #tpu.memory_space<vmem_shared>>
        tpu.wait_indirect_dma semaphore(%run_scoped3A_122 : memref<!tpu.dma_semaphore, #tpu.memory_space<semaphore_mem>>) src(%arg7 : memref<256x32xf32, #tpu.memory_space<vmem>>) dst(%dma_wait3A_134 : memref<10240x32xf32, #tpu.memory_space<vmem_shared>>)
        tpu.yield
      }) : () -> ()
      %add3A_98 = arith.constant 2 : i32
      %add3A_99 = arith.addi %add3A_88, %add3A_98 : i32
      %lt3A_100 = arith.cmpi slt, %add3A_99, %select_n3A : i32
      %convert_element_type3A_101 = arith.extui %lt3A_100 : i1 to i32
      %cond3A_102 = arith.constant 0 : i32
      %cond3A_103 = arith.cmpi ne, %convert_element_type3A_101, %cond3A_102 : i32
      scf.if %cond3A_103 {
        %add3A_122 = arith.constant 2 : i32
        %add3A_123 = arith.addi %add3A_88, %add3A_122 : i32
        %dma_start3A_124 = arith.constant 0 : i32
        %dma_start3A_125 = tpu.memref_slice %arg5[%add3A_123, %dma_start3A_124] : memref<80x256xi32, #tpu.memory_space<vmem>> -> memref<1x256xi32, #tpu.memory_space<vmem>>
        %dma_start3A_126 = tpu.memref_squeeze %dma_start3A_125 : memref<1x256xi32, #tpu.memory_space<vmem>> -> memref<256xi32, #tpu.memory_space<vmem>>
        %dma_start3A_127 = arith.constant 0 : i32
        %dma_start3A_128 = arith.constant 0 : i32
        %dma_start3A_129 = tpu.memref_slice %arg2[%arg0, %dma_start3A_127, %dma_start3A_128] : memref<2x10240x32xf32, #tpu.memory_space<hbm>> -> memref<1x10240x32xf32, #tpu.memory_space<hbm>>
        %dma_start3A_130 = tpu.memref_squeeze %dma_start3A_129 : memref<1x10240x32xf32, #tpu.memory_space<hbm>> -> memref<10240x32xf32, #tpu.memory_space<hbm>>
        %dma_start3A_131 = arith.constant 0 : i32
        %dma_start3A_132 = arith.constant 0 : i32
        %dma_start3A_133 = tpu.memref_slice %dma_start3A_130[%dma_start3A_131, %dma_start3A_132] : memref<10240x32xf32, #tpu.memory_space<hbm>> -> memref<10240x32xf32, #tpu.memory_space<hbm>>
        tpu.enqueue_indirect_dma source(%dma_start3A_133 : memref<10240x32xf32, #tpu.memory_space<hbm>>) target(%arg7 : memref<256x32xf32, #tpu.memory_space<vmem>>) offsets(%dma_start3A_126 : memref<256xi32, #tpu.memory_space<vmem>>) semaphore(%arg9 : memref<!tpu.dma_semaphore, #tpu.memory_space<semaphore_mem>>)
      } else {
      }
      %add3A_104 = arith.constant 1 : i32
      %add3A_105 = arith.addi %mul3A_86, %add3A_104 : i32
      %dma_wait3A_106 = arith.constant 0 : i32
      %dma_wait3A_107 = tpu.memref_slice %arg5[%add3A_105, %dma_wait3A_106] : memref<80x256xi32, #tpu.memory_space<vmem>> -> memref<1x256xi32, #tpu.memory_space<vmem>>
      %dma_wait3A_108 = tpu.memref_squeeze %dma_wait3A_107 : memref<1x256xi32, #tpu.memory_space<vmem>> -> memref<256xi32, #tpu.memory_space<vmem>>
      %dma_wait3A_109 = arith.constant 0 : i32
      %dma_wait3A_110 = arith.constant 0 : i32
      %dma_wait3A_111 = tpu.memref_slice %arg2[%arg0, %dma_wait3A_109, %dma_wait3A_110] : memref<2x10240x32xf32, #tpu.memory_space<hbm>> -> memref<1x10240x32xf32, #tpu.memory_space<hbm>>
      %dma_wait3A_112 = tpu.memref_squeeze %dma_wait3A_111 : memref<1x10240x32xf32, #tpu.memory_space<hbm>> -> memref<10240x32xf32, #tpu.memory_space<hbm>>
      %dma_wait3A_113 = arith.constant 0 : i32
      %dma_wait3A_114 = arith.constant 0 : i32
      %dma_wait3A_115 = tpu.memref_slice %dma_wait3A_112[%dma_wait3A_113, %dma_wait3A_114] : memref<10240x32xf32, #tpu.memory_space<hbm>> -> memref<10240x32xf32, #tpu.memory_space<hbm>>
      tpu.wait_indirect_dma semaphore(%arg10 : memref<!tpu.dma_semaphore, #tpu.memory_space<semaphore_mem>>) src(%dma_wait3A_115 : memref<10240x32xf32, #tpu.memory_space<hbm>>) dst(%arg8 : memref<256x32xf32, #tpu.memory_space<vmem>>)
      "tpu.region"() ({
        %run_scoped3A_122 = tpu.sem_alloc : memref<!tpu.dma_semaphore, #tpu.memory_space<semaphore_mem>>
        %dma_start3A_123 = arith.constant 0 : i32
        %dma_start3A_124 = tpu.memref_slice %arg6[%add3A_105, %dma_start3A_123] : memref<80x256xi32, #tpu.memory_space<vmem>> -> memref<1x256xi32, #tpu.memory_space<vmem>>
        %dma_start3A_125 = tpu.memref_squeeze %dma_start3A_124 : memref<1x256xi32, #tpu.memory_space<vmem>> -> memref<256xi32, #tpu.memory_space<vmem>>
        %dma_start3A_126 = arith.constant 0 : i32
        %dma_start3A_127 = arith.constant 0 : i32
        %dma_start3A_128 = tpu.memref_slice %arg11[%dma_start3A_126, %dma_start3A_127] : memref<10240x32xf32, #tpu.memory_space<vmem_shared>> -> memref<10240x32xf32, #tpu.memory_space<vmem_shared>>
        tpu.enqueue_indirect_dma source(%arg8 : memref<256x32xf32, #tpu.memory_space<vmem>>) target(%dma_start3A_128 : memref<10240x32xf32, #tpu.memory_space<vmem_shared>>) offsets(%dma_start3A_125 : memref<256xi32, #tpu.memory_space<vmem>>) semaphore(%run_scoped3A_122 : memref<!tpu.dma_semaphore, #tpu.memory_space<semaphore_mem>>) {add = true}
        %dma_wait3A_129 = arith.constant 0 : i32
        %dma_wait3A_130 = tpu.memref_slice %arg6[%add3A_105, %dma_wait3A_129] : memref<80x256xi32, #tpu.memory_space<vmem>> -> memref<1x256xi32, #tpu.memory_space<vmem>>
        %dma_wait3A_131 = tpu.memref_squeeze %dma_wait3A_130 : memref<1x256xi32, #tpu.memory_space<vmem>> -> memref<256xi32, #tpu.memory_space<vmem>>
        %dma_wait3A_132 = arith.constant 0 : i32
        %dma_wait3A_133 = arith.constant 0 : i32
        %dma_wait3A_134 = tpu.memref_slice %arg11[%dma_wait3A_132, %dma_wait3A_133] : memref<10240x32xf32, #tpu.memory_space<vmem_shared>> -> memref<10240x32xf32, #tpu.memory_space<vmem_shared>>
        tpu.wait_indirect_dma semaphore(%run_scoped3A_122 : memref<!tpu.dma_semaphore, #tpu.memory_space<semaphore_mem>>) src(%arg8 : memref<256x32xf32, #tpu.memory_space<vmem>>) dst(%dma_wait3A_134 : memref<10240x32xf32, #tpu.memory_space<vmem_shared>>)
        tpu.yield
      }) : () -> ()
      %add3A_116 = arith.constant 2 : i32
      %add3A_117 = arith.addi %add3A_105, %add3A_116 : i32
      %lt3A_118 = arith.cmpi slt, %add3A_117, %select_n3A : i32
      %convert_element_type3A_119 = arith.extui %lt3A_118 : i1 to i32
      %cond3A_120 = arith.constant 0 : i32
      %cond3A_121 = arith.cmpi ne, %convert_element_type3A_119, %cond3A_120 : i32
      scf.if %cond3A_121 {
        %add3A_122 = arith.constant 2 : i32
        %add3A_123 = arith.addi %add3A_105, %add3A_122 : i32
        %dma_start3A_124 = arith.constant 0 : i32
        %dma_start3A_125 = tpu.memref_slice %arg5[%add3A_123, %dma_start3A_124] : memref<80x256xi32, #tpu.memory_space<vmem>> -> memref<1x256xi32, #tpu.memory_space<vmem>>
        %dma_start3A_126 = tpu.memref_squeeze %dma_start3A_125 : memref<1x256xi32, #tpu.memory_space<vmem>> -> memref<256xi32, #tpu.memory_space<vmem>>
        %dma_start3A_127 = arith.constant 0 : i32
        %dma_start3A_128 = arith.constant 0 : i32
        %dma_start3A_129 = tpu.memref_slice %arg2[%arg0, %dma_start3A_127, %dma_start3A_128] : memref<2x10240x32xf32, #tpu.memory_space<hbm>> -> memref<1x10240x32xf32, #tpu.memory_space<hbm>>
        %dma_start3A_130 = tpu.memref_squeeze %dma_start3A_129 : memref<1x10240x32xf32, #tpu.memory_space<hbm>> -> memref<10240x32xf32, #tpu.memory_space<hbm>>
        %dma_start3A_131 = arith.constant 0 : i32
        %dma_start3A_132 = arith.constant 0 : i32
        %dma_start3A_133 = tpu.memref_slice %dma_start3A_130[%dma_start3A_131, %dma_start3A_132] : memref<10240x32xf32, #tpu.memory_space<hbm>> -> memref<10240x32xf32, #tpu.memory_space<hbm>>
        tpu.enqueue_indirect_dma source(%dma_start3A_133 : memref<10240x32xf32, #tpu.memory_space<hbm>>) target(%arg8 : memref<256x32xf32, #tpu.memory_space<vmem>>) offsets(%dma_start3A_126 : memref<256xi32, #tpu.memory_space<vmem>>) semaphore(%arg10 : memref<!tpu.dma_semaphore, #tpu.memory_space<semaphore_mem>>)
      } else {
      }
    }
    %while3A_72 = arith.constant 1 : i32
    scf.for %while3A_84 = %while3A_70 to %while3A_66 step %while3A_72  : i32 {
      %mul3A_85 = arith.constant 2 : i32
      %mul3A_86 = arith.muli %while3A_84, %mul3A_85 : i32
      %add3A_87 = arith.constant 0 : i32
      %add3A_88 = arith.addi %mul3A_86, %add3A_87 : i32
      %dma_wait3A = arith.constant 0 : i32
      %dma_wait3A_89 = tpu.memref_slice %arg5[%add3A_88, %dma_wait3A] : memref<80x256xi32, #tpu.memory_space<vmem>> -> memref<1x256xi32, #tpu.memory_space<vmem>>
      %dma_wait3A_90 = tpu.memref_squeeze %dma_wait3A_89 : memref<1x256xi32, #tpu.memory_space<vmem>> -> memref<256xi32, #tpu.memory_space<vmem>>
      %dma_wait3A_91 = arith.constant 0 : i32
      %dma_wait3A_92 = arith.constant 0 : i32
      %dma_wait3A_93 = tpu.memref_slice %arg2[%arg0, %dma_wait3A_91, %dma_wait3A_92] : memref<2x10240x32xf32, #tpu.memory_space<hbm>> -> memref<1x10240x32xf32, #tpu.memory_space<hbm>>
      %dma_wait3A_94 = tpu.memref_squeeze %dma_wait3A_93 : memref<1x10240x32xf32, #tpu.memory_space<hbm>> -> memref<10240x32xf32, #tpu.memory_space<hbm>>
      %dma_wait3A_95 = arith.constant 0 : i32
      %dma_wait3A_96 = arith.constant 0 : i32
      %dma_wait3A_97 = tpu.memref_slice %dma_wait3A_94[%dma_wait3A_95, %dma_wait3A_96] : memref<10240x32xf32, #tpu.memory_space<hbm>> -> memref<10240x32xf32, #tpu.memory_space<hbm>>
      tpu.wait_indirect_dma semaphore(%arg9 : memref<!tpu.dma_semaphore, #tpu.memory_space<semaphore_mem>>) src(%dma_wait3A_97 : memref<10240x32xf32, #tpu.memory_space<hbm>>) dst(%arg7 : memref<256x32xf32, #tpu.memory_space<vmem>>)
      "tpu.region"() ({
        %run_scoped3A_122 = tpu.sem_alloc : memref<!tpu.dma_semaphore, #tpu.memory_space<semaphore_mem>>
        %dma_start3A_123 = arith.constant 0 : i32
        %dma_start3A_124 = tpu.memref_slice %arg6[%add3A_88, %dma_start3A_123] : memref<80x256xi32, #tpu.memory_space<vmem>> -> memref<1x256xi32, #tpu.memory_space<vmem>>
        %dma_start3A_125 = tpu.memref_squeeze %dma_start3A_124 : memref<1x256xi32, #tpu.memory_space<vmem>> -> memref<256xi32, #tpu.memory_space<vmem>>
        %dma_start3A_126 = arith.constant 0 : i32
        %dma_start3A_127 = arith.constant 0 : i32
        %dma_start3A_128 = tpu.memref_slice %arg11[%dma_start3A_126, %dma_start3A_127] : memref<10240x32xf32, #tpu.memory_space<vmem_shared>> -> memref<10240x32xf32, #tpu.memory_space<vmem_shared>>
        tpu.enqueue_indirect_dma source(%arg7 : memref<256x32xf32, #tpu.memory_space<vmem>>) target(%dma_start3A_128 : memref<10240x32xf32, #tpu.memory_space<vmem_shared>>) offsets(%dma_start3A_125 : memref<256xi32, #tpu.memory_space<vmem>>) semaphore(%run_scoped3A_122 : memref<!tpu.dma_semaphore, #tpu.memory_space<semaphore_mem>>) {add = true}
        %dma_wait3A_129 = arith.constant 0 : i32
        %dma_wait3A_130 = tpu.memref_slice %arg6[%add3A_88, %dma_wait3A_129] : memref<80x256xi32, #tpu.memory_space<vmem>> -> memref<1x256xi32, #tpu.memory_space<vmem>>
        %dma_wait3A_131 = tpu.memref_squeeze %dma_wait3A_130 : memref<1x256xi32, #tpu.memory_space<vmem>> -> memref<256xi32, #tpu.memory_space<vmem>>
        %dma_wait3A_132 = arith.constant 0 : i32
        %dma_wait3A_133 = arith.constant 0 : i32
        %dma_wait3A_134 = tpu.memref_slice %arg11[%dma_wait3A_132, %dma_wait3A_133] : memref<10240x32xf32, #tpu.memory_space<vmem_shared>> -> memref<10240x32xf32, #tpu.memory_space<vmem_shared>>
        tpu.wait_indirect_dma semaphore(%run_scoped3A_122 : memref<!tpu.dma_semaphore, #tpu.memory_space<semaphore_mem>>) src(%arg7 : memref<256x32xf32, #tpu.memory_space<vmem>>) dst(%dma_wait3A_134 : memref<10240x32xf32, #tpu.memory_space<vmem_shared>>)
        tpu.yield
      }) : () -> ()
      %add3A_98 = arith.constant 2 : i32
      %add3A_99 = arith.addi %add3A_88, %add3A_98 : i32
      %lt3A_100 = arith.cmpi slt, %add3A_99, %select_n3A : i32
      %convert_element_type3A_101 = arith.extui %lt3A_100 : i1 to i32
      %cond3A_102 = arith.constant 0 : i32
      %cond3A_103 = arith.cmpi ne, %convert_element_type3A_101, %cond3A_102 : i32
      scf.if %cond3A_103 {
        %add3A_122 = arith.constant 2 : i32
        %add3A_123 = arith.addi %add3A_88, %add3A_122 : i32
        %dma_start3A_124 = arith.constant 0 : i32
        %dma_start3A_125 = tpu.memref_slice %arg5[%add3A_123, %dma_start3A_124] : memref<80x256xi32, #tpu.memory_space<vmem>> -> memref<1x256xi32, #tpu.memory_space<vmem>>
        %dma_start3A_126 = tpu.memref_squeeze %dma_start3A_125 : memref<1x256xi32, #tpu.memory_space<vmem>> -> memref<256xi32, #tpu.memory_space<vmem>>
        %dma_start3A_127 = arith.constant 0 : i32
        %dma_start3A_128 = arith.constant 0 : i32
        %dma_start3A_129 = tpu.memref_slice %arg2[%arg0, %dma_start3A_127, %dma_start3A_128] : memref<2x10240x32xf32, #tpu.memory_space<hbm>> -> memref<1x10240x32xf32, #tpu.memory_space<hbm>>
        %dma_start3A_130 = tpu.memref_squeeze %dma_start3A_129 : memref<1x10240x32xf32, #tpu.memory_space<hbm>> -> memref<10240x32xf32, #tpu.memory_space<hbm>>
        %dma_start3A_131 = arith.constant 0 : i32
        %dma_start3A_132 = arith.constant 0 : i32
        %dma_start3A_133 = tpu.memref_slice %dma_start3A_130[%dma_start3A_131, %dma_start3A_132] : memref<10240x32xf32, #tpu.memory_space<hbm>> -> memref<10240x32xf32, #tpu.memory_space<hbm>>
        tpu.enqueue_indirect_dma source(%dma_start3A_133 : memref<10240x32xf32, #tpu.memory_space<hbm>>) target(%arg7 : memref<256x32xf32, #tpu.memory_space<vmem>>) offsets(%dma_start3A_126 : memref<256xi32, #tpu.memory_space<vmem>>) semaphore(%arg9 : memref<!tpu.dma_semaphore, #tpu.memory_space<semaphore_mem>>)
      } else {
      }
      %add3A_104 = arith.constant 1 : i32
      %add3A_105 = arith.addi %mul3A_86, %add3A_104 : i32
      %dma_wait3A_106 = arith.constant 0 : i32
      %dma_wait3A_107 = tpu.memref_slice %arg5[%add3A_105, %dma_wait3A_106] : memref<80x256xi32, #tpu.memory_space<vmem>> -> memref<1x256xi32, #tpu.memory_space<vmem>>
      %dma_wait3A_108 = tpu.memref_squeeze %dma_wait3A_107 : memref<1x256xi32, #tpu.memory_space<vmem>> -> memref<256xi32, #tpu.memory_space<vmem>>
      %dma_wait3A_109 = arith.constant 0 : i32
      %dma_wait3A_110 = arith.constant 0 : i32
      %dma_wait3A_111 = tpu.memref_slice %arg2[%arg0, %dma_wait3A_109, %dma_wait3A_110] : memref<2x10240x32xf32, #tpu.memory_space<hbm>> -> memref<1x10240x32xf32, #tpu.memory_space<hbm>>
      %dma_wait3A_112 = tpu.memref_squeeze %dma_wait3A_111 : memref<1x10240x32xf32, #tpu.memory_space<hbm>> -> memref<10240x32xf32, #tpu.memory_space<hbm>>
      %dma_wait3A_113 = arith.constant 0 : i32
      %dma_wait3A_114 = arith.constant 0 : i32
      %dma_wait3A_115 = tpu.memref_slice %dma_wait3A_112[%dma_wait3A_113, %dma_wait3A_114] : memref<10240x32xf32, #tpu.memory_space<hbm>> -> memref<10240x32xf32, #tpu.memory_space<hbm>>
      tpu.wait_indirect_dma semaphore(%arg10 : memref<!tpu.dma_semaphore, #tpu.memory_space<semaphore_mem>>) src(%dma_wait3A_115 : memref<10240x32xf32, #tpu.memory_space<hbm>>) dst(%arg8 : memref<256x32xf32, #tpu.memory_space<vmem>>)
      "tpu.region"() ({
        %run_scoped3A_122 = tpu.sem_alloc : memref<!tpu.dma_semaphore, #tpu.memory_space<semaphore_mem>>
        %dma_start3A_123 = arith.constant 0 : i32
        %dma_start3A_124 = tpu.memref_slice %arg6[%add3A_105, %dma_start3A_123] : memref<80x256xi32, #tpu.memory_space<vmem>> -> memref<1x256xi32, #tpu.memory_space<vmem>>
        %dma_start3A_125 = tpu.memref_squeeze %dma_start3A_124 : memref<1x256xi32, #tpu.memory_space<vmem>> -> memref<256xi32, #tpu.memory_space<vmem>>
        %dma_start3A_126 = arith.constant 0 : i32
        %dma_start3A_127 = arith.constant 0 : i32
        %dma_start3A_128 = tpu.memref_slice %arg11[%dma_start3A_126, %dma_start3A_127] : memref<10240x32xf32, #tpu.memory_space<vmem_shared>> -> memref<10240x32xf32, #tpu.memory_space<vmem_shared>>
        tpu.enqueue_indirect_dma source(%arg8 : memref<256x32xf32, #tpu.memory_space<vmem>>) target(%dma_start3A_128 : memref<10240x32xf32, #tpu.memory_space<vmem_shared>>) offsets(%dma_start3A_125 : memref<256xi32, #tpu.memory_space<vmem>>) semaphore(%run_scoped3A_122 : memref<!tpu.dma_semaphore, #tpu.memory_space<semaphore_mem>>) {add = true}
        %dma_wait3A_129 = arith.constant 0 : i32
        %dma_wait3A_130 = tpu.memref_slice %arg6[%add3A_105, %dma_wait3A_129] : memref<80x256xi32, #tpu.memory_space<vmem>> -> memref<1x256xi32, #tpu.memory_space<vmem>>
        %dma_wait3A_131 = tpu.memref_squeeze %dma_wait3A_130 : memref<1x256xi32, #tpu.memory_space<vmem>> -> memref<256xi32, #tpu.memory_space<vmem>>
        %dma_wait3A_132 = arith.constant 0 : i32
        %dma_wait3A_133 = arith.constant 0 : i32
        %dma_wait3A_134 = tpu.memref_slice %arg11[%dma_wait3A_132, %dma_wait3A_133] : memref<10240x32xf32, #tpu.memory_space<vmem_shared>> -> memref<10240x32xf32, #tpu.memory_space<vmem_shared>>
        tpu.wait_indirect_dma semaphore(%run_scoped3A_122 : memref<!tpu.dma_semaphore, #tpu.memory_space<semaphore_mem>>) src(%arg8 : memref<256x32xf32, #tpu.memory_space<vmem>>) dst(%dma_wait3A_134 : memref<10240x32xf32, #tpu.memory_space<vmem_shared>>)
        tpu.yield
      }) : () -> ()
      %add3A_116 = arith.constant 2 : i32
      %add3A_117 = arith.addi %add3A_105, %add3A_116 : i32
      %lt3A_118 = arith.cmpi slt, %add3A_117, %select_n3A : i32
      %convert_element_type3A_119 = arith.extui %lt3A_118 : i1 to i32
      %cond3A_120 = arith.constant 0 : i32
      %cond3A_121 = arith.cmpi ne, %convert_element_type3A_119, %cond3A_120 : i32
      scf.if %cond3A_121 {
        %add3A_122 = arith.constant 2 : i32
        %add3A_123 = arith.addi %add3A_105, %add3A_122 : i32
        %dma_start3A_124 = arith.constant 0 : i32
        %dma_start3A_125 = tpu.memref_slice %arg5[%add3A_123, %dma_start3A_124] : memref<80x256xi32, #tpu.memory_space<vmem>> -> memref<1x256xi32, #tpu.memory_space<vmem>>
        %dma_start3A_126 = tpu.memref_squeeze %dma_start3A_125 : memref<1x256xi32, #tpu.memory_space<vmem>> -> memref<256xi32, #tpu.memory_space<vmem>>
        %dma_start3A_127 = arith.constant 0 : i32
        %dma_start3A_128 = arith.constant 0 : i32
        %dma_start3A_129 = tpu.memref_slice %arg2[%arg0, %dma_start3A_127, %dma_start3A_128] : memref<2x10240x32xf32, #tpu.memory_space<hbm>> -> memref<1x10240x32xf32, #tpu.memory_space<hbm>>
        %dma_start3A_130 = tpu.memref_squeeze %dma_start3A_129 : memref<1x10240x32xf32, #tpu.memory_space<hbm>> -> memref<10240x32xf32, #tpu.memory_space<hbm>>
        %dma_start3A_131 = arith.constant 0 : i32
        %dma_start3A_132 = arith.constant 0 : i32
        %dma_start3A_133 = tpu.memref_slice %dma_start3A_130[%dma_start3A_131, %dma_start3A_132] : memref<10240x32xf32, #tpu.memory_space<hbm>> -> memref<10240x32xf32, #tpu.memory_space<hbm>>
        tpu.enqueue_indirect_dma source(%dma_start3A_133 : memref<10240x32xf32, #tpu.memory_space<hbm>>) target(%arg8 : memref<256x32xf32, #tpu.memory_space<vmem>>) offsets(%dma_start3A_126 : memref<256xi32, #tpu.memory_space<vmem>>) semaphore(%arg10 : memref<!tpu.dma_semaphore, #tpu.memory_space<semaphore_mem>>)
      } else {
      }
    }
    %barrier3A_73 = arith.constant 0 : index
    tpu.barrier barrier_id(%barrier3A_73)
    %add3A_74 = arith.constant 0 : i32
    %add3A_75 = arith.addi %mul3A_15, %add3A_74 : i32
    "tpu.region"() ({
      %run_scoped3A_84 = tpu.sem_alloc : memref<!tpu.dma_semaphore, #tpu.memory_space<semaphore_mem>>
      %dma_start3A_85 = arith.constant 0 : i32
      %dma_start3A_86 = arith.constant 0 : i32
      %dma_start3A_87 = tpu.memref_slice %arg7[%dma_start3A_85, %dma_start3A_86] : memref<256x32xf32, #tpu.memory_space<vmem>> -> memref<128x32xf32, #tpu.memory_space<vmem>>
      %dma_start3A_88 = arith.constant 0 : i32
      %dma_start3A_89 = tpu.memref_slice %arg11[%add3A_75, %dma_start3A_88] : memref<10240x32xf32, #tpu.memory_space<vmem_shared>> -> memref<128x32xf32, #tpu.memory_space<vmem_shared>>
      %dma_start3A_90 = arith.constant 0 : i32
      %dma_start3A_91 = arith.constant 0 : i32
      %dma_start3A_92 = tpu.memref_slice %arg7[%dma_start3A_90, %dma_start3A_91] : memref<256x32xf32, #tpu.memory_space<vmem>> -> memref<128x32xf32, #tpu.memory_space<vmem>>
      %dma_start3A_93 = arith.constant 0 : i32
      %dma_start3A_94 = tpu.memref_slice %arg11[%add3A_75, %dma_start3A_93] : memref<10240x32xf32, #tpu.memory_space<vmem_shared>> -> memref<128x32xf32, #tpu.memory_space<vmem_shared>>
      tpu.enqueue_dma source(%dma_start3A_94 : memref<128x32xf32, #tpu.memory_space<vmem_shared>>) target(%dma_start3A_92 : memref<128x32xf32, #tpu.memory_space<vmem>>) target_semaphore(%run_scoped3A_84 : memref<!tpu.dma_semaphore, #tpu.memory_space<semaphore_mem>>)
      %dma_wait3A = arith.constant 0 : i32
      %dma_wait3A_95 = arith.constant 0 : i32
      %dma_wait3A_96 = tpu.memref_slice %arg7[%dma_wait3A, %dma_wait3A_95] : memref<256x32xf32, #tpu.memory_space<vmem>> -> memref<128x32xf32, #tpu.memory_space<vmem>>
      %dma_wait3A_97 = arith.constant 0 : i32
      %dma_wait3A_98 = tpu.memref_slice %arg11[%add3A_75, %dma_wait3A_97] : memref<10240x32xf32, #tpu.memory_space<vmem_shared>> -> memref<128x32xf32, #tpu.memory_space<vmem_shared>>
      %dma_wait3A_99 = arith.constant 0 : i32
      %dma_wait3A_100 = arith.constant 0 : i32
      %dma_wait3A_101 = tpu.memref_slice %arg7[%dma_wait3A_99, %dma_wait3A_100] : memref<256x32xf32, #tpu.memory_space<vmem>> -> memref<128x32xf32, #tpu.memory_space<vmem>>
      %dma_wait3A_102 = arith.constant 0 : i32
      %dma_wait3A_103 = tpu.memref_slice %arg11[%add3A_75, %dma_wait3A_102] : memref<10240x32xf32, #tpu.memory_space<vmem_shared>> -> memref<128x32xf32, #tpu.memory_space<vmem_shared>>
      tpu.wait_dma2 semaphore(%run_scoped3A_84 : memref<!tpu.dma_semaphore, #tpu.memory_space<semaphore_mem>>) src(%dma_wait3A_103 : memref<128x32xf32, #tpu.memory_space<vmem_shared>>) dst(%dma_wait3A_101 : memref<128x32xf32, #tpu.memory_space<vmem>>)
      tpu.yield
    }) : () -> ()
    "tpu.region"() ({
      %run_scoped3A_84 = tpu.sem_alloc : memref<!tpu.dma_semaphore, #tpu.memory_space<semaphore_mem>>
      %dma_start3A_85 = arith.constant 0 : i32
      %dma_start3A_86 = arith.constant 0 : i32
      %dma_start3A_87 = tpu.memref_slice %arg7[%dma_start3A_85, %dma_start3A_86] : memref<256x32xf32, #tpu.memory_space<vmem>> -> memref<128x32xf32, #tpu.memory_space<vmem>>
      %dma_start3A_88 = arith.constant 0 : i32
      %dma_start3A_89 = arith.constant 0 : i32
      %dma_start3A_90 = tpu.memref_slice %arg4[%arg0, %dma_start3A_88, %dma_start3A_89] : memref<2x10240x32xf32, #tpu.memory_space<hbm>> -> memref<1x10240x32xf32, #tpu.memory_space<hbm>>
      %dma_start3A_91 = tpu.memref_squeeze %dma_start3A_90 : memref<1x10240x32xf32, #tpu.memory_space<hbm>> -> memref<10240x32xf32, #tpu.memory_space<hbm>>
      %dma_start3A_92 = arith.constant 0 : i32
      %dma_start3A_93 = tpu.memref_slice %dma_start3A_91[%add3A_75, %dma_start3A_92] : memref<10240x32xf32, #tpu.memory_space<hbm>> -> memref<128x32xf32, #tpu.memory_space<hbm>>
      %dma_start3A_94 = arith.constant 0 : i32
      %dma_start3A_95 = arith.constant 0 : i32
      %dma_start3A_96 = tpu.memref_slice %arg4[%arg0, %dma_start3A_94, %dma_start3A_95] : memref<2x10240x32xf32, #tpu.memory_space<hbm>> -> memref<1x10240x32xf32, #tpu.memory_space<hbm>>
      %dma_start3A_97 = tpu.memref_squeeze %dma_start3A_96 : memref<1x10240x32xf32, #tpu.memory_space<hbm>> -> memref<10240x32xf32, #tpu.memory_space<hbm>>
      %dma_start3A_98 = arith.constant 0 : i32
      %dma_start3A_99 = tpu.memref_slice %dma_start3A_97[%add3A_75, %dma_start3A_98] : memref<10240x32xf32, #tpu.memory_space<hbm>> -> memref<128x32xf32, #tpu.memory_space<hbm>>
      %dma_start3A_100 = arith.constant 0 : i32
      %dma_start3A_101 = arith.constant 0 : i32
      %dma_start3A_102 = tpu.memref_slice %arg7[%dma_start3A_100, %dma_start3A_101] : memref<256x32xf32, #tpu.memory_space<vmem>> -> memref<128x32xf32, #tpu.memory_space<vmem>>
      tpu.enqueue_dma source(%dma_start3A_102 : memref<128x32xf32, #tpu.memory_space<vmem>>) target(%dma_start3A_99 : memref<128x32xf32, #tpu.memory_space<hbm>>) target_semaphore(%run_scoped3A_84 : memref<!tpu.dma_semaphore, #tpu.memory_space<semaphore_mem>>)
      %dma_wait3A = arith.constant 0 : i32
      %dma_wait3A_103 = arith.constant 0 : i32
      %dma_wait3A_104 = tpu.memref_slice %arg7[%dma_wait3A, %dma_wait3A_103] : memref<256x32xf32, #tpu.memory_space<vmem>> -> memref<128x32xf32, #tpu.memory_space<vmem>>
      %dma_wait3A_105 = arith.constant 0 : i32
      %dma_wait3A_106 = arith.constant 0 : i32
      %dma_wait3A_107 = tpu.memref_slice %arg4[%arg0, %dma_wait3A_105, %dma_wait3A_106] : memref<2x10240x32xf32, #tpu.memory_space<hbm>> -> memref<1x10240x32xf32, #tpu.memory_space<hbm>>
      %dma_wait3A_108 = tpu.memref_squeeze %dma_wait3A_107 : memref<1x10240x32xf32, #tpu.memory_space<hbm>> -> memref<10240x32xf32, #tpu.memory_space<hbm>>
      %dma_wait3A_109 = arith.constant 0 : i32
      %dma_wait3A_110 = tpu.memref_slice %dma_wait3A_108[%add3A_75, %dma_wait3A_109] : memref<10240x32xf32, #tpu.memory_space<hbm>> -> memref<128x32xf32, #tpu.memory_space<hbm>>
      %dma_wait3A_111 = arith.constant 0 : i32
      %dma_wait3A_112 = arith.constant 0 : i32
      %dma_wait3A_113 = tpu.memref_slice %arg4[%arg0, %dma_wait3A_111, %dma_wait3A_112] : memref<2x10240x32xf32, #tpu.memory_space<hbm>> -> memref<1x10240x32xf32, #tpu.memory_space<hbm>>
      %dma_wait3A_114 = tpu.memref_squeeze %dma_wait3A_113 : memref<1x10240x32xf32, #tpu.memory_space<hbm>> -> memref<10240x32xf32, #tpu.memory_space<hbm>>
      %dma_wait3A_115 = arith.constant 0 : i32
      %dma_wait3A_116 = tpu.memref_slice %dma_wait3A_114[%add3A_75, %dma_wait3A_115] : memref<10240x32xf32, #tpu.memory_space<hbm>> -> memref<128x32xf32, #tpu.memory_space<hbm>>
      %dma_wait3A_117 = arith.constant 0 : i32
      %dma_wait3A_118 = arith.constant 0 : i32
      %dma_wait3A_119 = tpu.memref_slice %arg7[%dma_wait3A_117, %dma_wait3A_118] : memref<256x32xf32, #tpu.memory_space<vmem>> -> memref<128x32xf32, #tpu.memory_space<vmem>>
      tpu.wait_dma2 semaphore(%run_scoped3A_84 : memref<!tpu.dma_semaphore, #tpu.memory_space<semaphore_mem>>) src(%dma_wait3A_119 : memref<128x32xf32, #tpu.memory_space<vmem>>) dst(%dma_wait3A_116 : memref<128x32xf32, #tpu.memory_space<hbm>>)
      tpu.yield
    }) : () -> ()
    %add3A_76 = arith.constant 128 : i32
    %add3A_77 = arith.addi %mul3A_15, %add3A_76 : i32
    "tpu.region"() ({
      %run_scoped3A_84 = tpu.sem_alloc : memref<!tpu.dma_semaphore, #tpu.memory_space<semaphore_mem>>
      %dma_start3A_85 = arith.constant 0 : i32
      %dma_start3A_86 = arith.constant 0 : i32
      %dma_start3A_87 = tpu.memref_slice %arg7[%dma_start3A_85, %dma_start3A_86] : memref<256x32xf32, #tpu.memory_space<vmem>> -> memref<128x32xf32, #tpu.memory_space<vmem>>
      %dma_start3A_88 = arith.constant 0 : i32
      %dma_start3A_89 = tpu.memref_slice %arg11[%add3A_77, %dma_start3A_88] : memref<10240x32xf32, #tpu.memory_space<vmem_shared>> -> memref<128x32xf32, #tpu.memory_space<vmem_shared>>
      %dma_start3A_90 = arith.constant 0 : i32
      %dma_start3A_91 = arith.constant 0 : i32
      %dma_start3A_92 = tpu.memref_slice %arg7[%dma_start3A_90, %dma_start3A_91] : memref<256x32xf32, #tpu.memory_space<vmem>> -> memref<128x32xf32, #tpu.memory_space<vmem>>
      %dma_start3A_93 = arith.constant 0 : i32
      %dma_start3A_94 = tpu.memref_slice %arg11[%add3A_77, %dma_start3A_93] : memref<10240x32xf32, #tpu.memory_space<vmem_shared>> -> memref<128x32xf32, #tpu.memory_space<vmem_shared>>
      tpu.enqueue_dma source(%dma_start3A_94 : memref<128x32xf32, #tpu.memory_space<vmem_shared>>) target(%dma_start3A_92 : memref<128x32xf32, #tpu.memory_space<vmem>>) target_semaphore(%run_scoped3A_84 : memref<!tpu.dma_semaphore, #tpu.memory_space<semaphore_mem>>)
      %dma_wait3A = arith.constant 0 : i32
      %dma_wait3A_95 = arith.constant 0 : i32
      %dma_wait3A_96 = tpu.memref_slice %arg7[%dma_wait3A, %dma_wait3A_95] : memref<256x32xf32, #tpu.memory_space<vmem>> -> memref<128x32xf32, #tpu.memory_space<vmem>>
      %dma_wait3A_97 = arith.constant 0 : i32
      %dma_wait3A_98 = tpu.memref_slice %arg11[%add3A_77, %dma_wait3A_97] : memref<10240x32xf32, #tpu.memory_space<vmem_shared>> -> memref<128x32xf32, #tpu.memory_space<vmem_shared>>
      %dma_wait3A_99 = arith.constant 0 : i32
      %dma_wait3A_100 = arith.constant 0 : i32
      %dma_wait3A_101 = tpu.memref_slice %arg7[%dma_wait3A_99, %dma_wait3A_100] : memref<256x32xf32, #tpu.memory_space<vmem>> -> memref<128x32xf32, #tpu.memory_space<vmem>>
      %dma_wait3A_102 = arith.constant 0 : i32
      %dma_wait3A_103 = tpu.memref_slice %arg11[%add3A_77, %dma_wait3A_102] : memref<10240x32xf32, #tpu.memory_space<vmem_shared>> -> memref<128x32xf32, #tpu.memory_space<vmem_shared>>
      tpu.wait_dma2 semaphore(%run_scoped3A_84 : memref<!tpu.dma_semaphore, #tpu.memory_space<semaphore_mem>>) src(%dma_wait3A_103 : memref<128x32xf32, #tpu.memory_space<vmem_shared>>) dst(%dma_wait3A_101 : memref<128x32xf32, #tpu.memory_space<vmem>>)
      tpu.yield
    }) : () -> ()
    "tpu.region"() ({
      %run_scoped3A_84 = tpu.sem_alloc : memref<!tpu.dma_semaphore, #tpu.memory_space<semaphore_mem>>
      %dma_start3A_85 = arith.constant 0 : i32
      %dma_start3A_86 = arith.constant 0 : i32
      %dma_start3A_87 = tpu.memref_slice %arg7[%dma_start3A_85, %dma_start3A_86] : memref<256x32xf32, #tpu.memory_space<vmem>> -> memref<128x32xf32, #tpu.memory_space<vmem>>
      %dma_start3A_88 = arith.constant 0 : i32
      %dma_start3A_89 = arith.constant 0 : i32
      %dma_start3A_90 = tpu.memref_slice %arg4[%arg0, %dma_start3A_88, %dma_start3A_89] : memref<2x10240x32xf32, #tpu.memory_space<hbm>> -> memref<1x10240x32xf32, #tpu.memory_space<hbm>>
      %dma_start3A_91 = tpu.memref_squeeze %dma_start3A_90 : memref<1x10240x32xf32, #tpu.memory_space<hbm>> -> memref<10240x32xf32, #tpu.memory_space<hbm>>
      %dma_start3A_92 = arith.constant 0 : i32
      %dma_start3A_93 = tpu.memref_slice %dma_start3A_91[%add3A_77, %dma_start3A_92] : memref<10240x32xf32, #tpu.memory_space<hbm>> -> memref<128x32xf32, #tpu.memory_space<hbm>>
      %dma_start3A_94 = arith.constant 0 : i32
      %dma_start3A_95 = arith.constant 0 : i32
      %dma_start3A_96 = tpu.memref_slice %arg4[%arg0, %dma_start3A_94, %dma_start3A_95] : memref<2x10240x32xf32, #tpu.memory_space<hbm>> -> memref<1x10240x32xf32, #tpu.memory_space<hbm>>
      %dma_start3A_97 = tpu.memref_squeeze %dma_start3A_96 : memref<1x10240x32xf32, #tpu.memory_space<hbm>> -> memref<10240x32xf32, #tpu.memory_space<hbm>>
      %dma_start3A_98 = arith.constant 0 : i32
      %dma_start3A_99 = tpu.memref_slice %dma_start3A_97[%add3A_77, %dma_start3A_98] : memref<10240x32xf32, #tpu.memory_space<hbm>> -> memref<128x32xf32, #tpu.memory_space<hbm>>
      %dma_start3A_100 = arith.constant 0 : i32
      %dma_start3A_101 = arith.constant 0 : i32
      %dma_start3A_102 = tpu.memref_slice %arg7[%dma_start3A_100, %dma_start3A_101] : memref<256x32xf32, #tpu.memory_space<vmem>> -> memref<128x32xf32, #tpu.memory_space<vmem>>
      tpu.enqueue_dma source(%dma_start3A_102 : memref<128x32xf32, #tpu.memory_space<vmem>>) target(%dma_start3A_99 : memref<128x32xf32, #tpu.memory_space<hbm>>) target_semaphore(%run_scoped3A_84 : memref<!tpu.dma_semaphore, #tpu.memory_space<semaphore_mem>>)
      %dma_wait3A = arith.constant 0 : i32
      %dma_wait3A_103 = arith.constant 0 : i32
      %dma_wait3A_104 = tpu.memref_slice %arg7[%dma_wait3A, %dma_wait3A_103] : memref<256x32xf32, #tpu.memory_space<vmem>> -> memref<128x32xf32, #tpu.memory_space<vmem>>
      %dma_wait3A_105 = arith.constant 0 : i32
      %dma_wait3A_106 = arith.constant 0 : i32
      %dma_wait3A_107 = tpu.memref_slice %arg4[%arg0, %dma_wait3A_105, %dma_wait3A_106] : memref<2x10240x32xf32, #tpu.memory_space<hbm>> -> memref<1x10240x32xf32, #tpu.memory_space<hbm>>
      %dma_wait3A_108 = tpu.memref_squeeze %dma_wait3A_107 : memref<1x10240x32xf32, #tpu.memory_space<hbm>> -> memref<10240x32xf32, #tpu.memory_space<hbm>>
      %dma_wait3A_109 = arith.constant 0 : i32
      %dma_wait3A_110 = tpu.memref_slice %dma_wait3A_108[%add3A_77, %dma_wait3A_109] : memref<10240x32xf32, #tpu.memory_space<hbm>> -> memref<128x32xf32, #tpu.memory_space<hbm>>
      %dma_wait3A_111 = arith.constant 0 : i32
      %dma_wait3A_112 = arith.constant 0 : i32
      %dma_wait3A_113 = tpu.memref_slice %arg4[%arg0, %dma_wait3A_111, %dma_wait3A_112] : memref<2x10240x32xf32, #tpu.memory_space<hbm>> -> memref<1x10240x32xf32, #tpu.memory_space<hbm>>
      %dma_wait3A_114 = tpu.memref_squeeze %dma_wait3A_113 : memref<1x10240x32xf32, #tpu.memory_space<hbm>> -> memref<10240x32xf32, #tpu.memory_space<hbm>>
      %dma_wait3A_115 = arith.constant 0 : i32
      %dma_wait3A_116 = tpu.memref_slice %dma_wait3A_114[%add3A_77, %dma_wait3A_115] : memref<10240x32xf32, #tpu.memory_space<hbm>> -> memref<128x32xf32, #tpu.memory_space<hbm>>
      %dma_wait3A_117 = arith.constant 0 : i32
      %dma_wait3A_118 = arith.constant 0 : i32
      %dma_wait3A_119 = tpu.memref_slice %arg7[%dma_wait3A_117, %dma_wait3A_118] : memref<256x32xf32, #tpu.memory_space<vmem>> -> memref<128x32xf32, #tpu.memory_space<vmem>>
      tpu.wait_dma2 semaphore(%run_scoped3A_84 : memref<!tpu.dma_semaphore, #tpu.memory_space<semaphore_mem>>) src(%dma_wait3A_119 : memref<128x32xf32, #tpu.memory_space<vmem>>) dst(%dma_wait3A_116 : memref<128x32xf32, #tpu.memory_space<hbm>>)
      tpu.yield
    }) : () -> ()
    %add3A_78 = arith.constant 256 : i32
    %add3A_79 = arith.addi %mul3A_15, %add3A_78 : i32
    "tpu.region"() ({
      %run_scoped3A_84 = tpu.sem_alloc : memref<!tpu.dma_semaphore, #tpu.memory_space<semaphore_mem>>
      %dma_start3A_85 = arith.constant 0 : i32
      %dma_start3A_86 = arith.constant 0 : i32
      %dma_start3A_87 = tpu.memref_slice %arg7[%dma_start3A_85, %dma_start3A_86] : memref<256x32xf32, #tpu.memory_space<vmem>> -> memref<128x32xf32, #tpu.memory_space<vmem>>
      %dma_start3A_88 = arith.constant 0 : i32
      %dma_start3A_89 = tpu.memref_slice %arg11[%add3A_79, %dma_start3A_88] : memref<10240x32xf32, #tpu.memory_space<vmem_shared>> -> memref<128x32xf32, #tpu.memory_space<vmem_shared>>
      %dma_start3A_90 = arith.constant 0 : i32
      %dma_start3A_91 = arith.constant 0 : i32
      %dma_start3A_92 = tpu.memref_slice %arg7[%dma_start3A_90, %dma_start3A_91] : memref<256x32xf32, #tpu.memory_space<vmem>> -> memref<128x32xf32, #tpu.memory_space<vmem>>
      %dma_start3A_93 = arith.constant 0 : i32
      %dma_start3A_94 = tpu.memref_slice %arg11[%add3A_79, %dma_start3A_93] : memref<10240x32xf32, #tpu.memory_space<vmem_shared>> -> memref<128x32xf32, #tpu.memory_space<vmem_shared>>
      tpu.enqueue_dma source(%dma_start3A_94 : memref<128x32xf32, #tpu.memory_space<vmem_shared>>) target(%dma_start3A_92 : memref<128x32xf32, #tpu.memory_space<vmem>>) target_semaphore(%run_scoped3A_84 : memref<!tpu.dma_semaphore, #tpu.memory_space<semaphore_mem>>)
      %dma_wait3A = arith.constant 0 : i32
      %dma_wait3A_95 = arith.constant 0 : i32
      %dma_wait3A_96 = tpu.memref_slice %arg7[%dma_wait3A, %dma_wait3A_95] : memref<256x32xf32, #tpu.memory_space<vmem>> -> memref<128x32xf32, #tpu.memory_space<vmem>>
      %dma_wait3A_97 = arith.constant 0 : i32
      %dma_wait3A_98 = tpu.memref_slice %arg11[%add3A_79, %dma_wait3A_97] : memref<10240x32xf32, #tpu.memory_space<vmem_shared>> -> memref<128x32xf32, #tpu.memory_space<vmem_shared>>
      %dma_wait3A_99 = arith.constant 0 : i32
      %dma_wait3A_100 = arith.constant 0 : i32
      %dma_wait3A_101 = tpu.memref_slice %arg7[%dma_wait3A_99, %dma_wait3A_100] : memref<256x32xf32, #tpu.memory_space<vmem>> -> memref<128x32xf32, #tpu.memory_space<vmem>>
      %dma_wait3A_102 = arith.constant 0 : i32
      %dma_wait3A_103 = tpu.memref_slice %arg11[%add3A_79, %dma_wait3A_102] : memref<10240x32xf32, #tpu.memory_space<vmem_shared>> -> memref<128x32xf32, #tpu.memory_space<vmem_shared>>
      tpu.wait_dma2 semaphore(%run_scoped3A_84 : memref<!tpu.dma_semaphore, #tpu.memory_space<semaphore_mem>>) src(%dma_wait3A_103 : memref<128x32xf32, #tpu.memory_space<vmem_shared>>) dst(%dma_wait3A_101 : memref<128x32xf32, #tpu.memory_space<vmem>>)
      tpu.yield
    }) : () -> ()
    "tpu.region"() ({
      %run_scoped3A_84 = tpu.sem_alloc : memref<!tpu.dma_semaphore, #tpu.memory_space<semaphore_mem>>
      %dma_start3A_85 = arith.constant 0 : i32
      %dma_start3A_86 = arith.constant 0 : i32
      %dma_start3A_87 = tpu.memref_slice %arg7[%dma_start3A_85, %dma_start3A_86] : memref<256x32xf32, #tpu.memory_space<vmem>> -> memref<128x32xf32, #tpu.memory_space<vmem>>
      %dma_start3A_88 = arith.constant 0 : i32
      %dma_start3A_89 = arith.constant 0 : i32
      %dma_start3A_90 = tpu.memref_slice %arg4[%arg0, %dma_start3A_88, %dma_start3A_89] : memref<2x10240x32xf32, #tpu.memory_space<hbm>> -> memref<1x10240x32xf32, #tpu.memory_space<hbm>>
      %dma_start3A_91 = tpu.memref_squeeze %dma_start3A_90 : memref<1x10240x32xf32, #tpu.memory_space<hbm>> -> memref<10240x32xf32, #tpu.memory_space<hbm>>
      %dma_start3A_92 = arith.constant 0 : i32
      %dma_start3A_93 = tpu.memref_slice %dma_start3A_91[%add3A_79, %dma_start3A_92] : memref<10240x32xf32, #tpu.memory_space<hbm>> -> memref<128x32xf32, #tpu.memory_space<hbm>>
      %dma_start3A_94 = arith.constant 0 : i32
      %dma_start3A_95 = arith.constant 0 : i32
      %dma_start3A_96 = tpu.memref_slice %arg4[%arg0, %dma_start3A_94, %dma_start3A_95] : memref<2x10240x32xf32, #tpu.memory_space<hbm>> -> memref<1x10240x32xf32, #tpu.memory_space<hbm>>
      %dma_start3A_97 = tpu.memref_squeeze %dma_start3A_96 : memref<1x10240x32xf32, #tpu.memory_space<hbm>> -> memref<10240x32xf32, #tpu.memory_space<hbm>>
      %dma_start3A_98 = arith.constant 0 : i32
      %dma_start3A_99 = tpu.memref_slice %dma_start3A_97[%add3A_79, %dma_start3A_98] : memref<10240x32xf32, #tpu.memory_space<hbm>> -> memref<128x32xf32, #tpu.memory_space<hbm>>
      %dma_start3A_100 = arith.constant 0 : i32
      %dma_start3A_101 = arith.constant 0 : i32
      %dma_start3A_102 = tpu.memref_slice %arg7[%dma_start3A_100, %dma_start3A_101] : memref<256x32xf32, #tpu.memory_space<vmem>> -> memref<128x32xf32, #tpu.memory_space<vmem>>
      tpu.enqueue_dma source(%dma_start3A_102 : memref<128x32xf32, #tpu.memory_space<vmem>>) target(%dma_start3A_99 : memref<128x32xf32, #tpu.memory_space<hbm>>) target_semaphore(%run_scoped3A_84 : memref<!tpu.dma_semaphore, #tpu.memory_space<semaphore_mem>>)
      %dma_wait3A = arith.constant 0 : i32
      %dma_wait3A_103 = arith.constant 0 : i32
      %dma_wait3A_104 = tpu.memref_slice %arg7[%dma_wait3A, %dma_wait3A_103] : memref<256x32xf32, #tpu.memory_space<vmem>> -> memref<128x32xf32, #tpu.memory_space<vmem>>
      %dma_wait3A_105 = arith.constant 0 : i32
      %dma_wait3A_106 = arith.constant 0 : i32
      %dma_wait3A_107 = tpu.memref_slice %arg4[%arg0, %dma_wait3A_105, %dma_wait3A_106] : memref<2x10240x32xf32, #tpu.memory_space<hbm>> -> memref<1x10240x32xf32, #tpu.memory_space<hbm>>
      %dma_wait3A_108 = tpu.memref_squeeze %dma_wait3A_107 : memref<1x10240x32xf32, #tpu.memory_space<hbm>> -> memref<10240x32xf32, #tpu.memory_space<hbm>>
      %dma_wait3A_109 = arith.constant 0 : i32
      %dma_wait3A_110 = tpu.memref_slice %dma_wait3A_108[%add3A_79, %dma_wait3A_109] : memref<10240x32xf32, #tpu.memory_space<hbm>> -> memref<128x32xf32, #tpu.memory_space<hbm>>
      %dma_wait3A_111 = arith.constant 0 : i32
      %dma_wait3A_112 = arith.constant 0 : i32
      %dma_wait3A_113 = tpu.memref_slice %arg4[%arg0, %dma_wait3A_111, %dma_wait3A_112] : memref<2x10240x32xf32, #tpu.memory_space<hbm>> -> memref<1x10240x32xf32, #tpu.memory_space<hbm>>
      %dma_wait3A_114 = tpu.memref_squeeze %dma_wait3A_113 : memref<1x10240x32xf32, #tpu.memory_space<hbm>> -> memref<10240x32xf32, #tpu.memory_space<hbm>>
      %dma_wait3A_115 = arith.constant 0 : i32
      %dma_wait3A_116 = tpu.memref_slice %dma_wait3A_114[%add3A_79, %dma_wait3A_115] : memref<10240x32xf32, #tpu.memory_space<hbm>> -> memref<128x32xf32, #tpu.memory_space<hbm>>
      %dma_wait3A_117 = arith.constant 0 : i32
      %dma_wait3A_118 = arith.constant 0 : i32
      %dma_wait3A_119 = tpu.memref_slice %arg7[%dma_wait3A_117, %dma_wait3A_118] : memref<256x32xf32, #tpu.memory_space<vmem>> -> memref<128x32xf32, #tpu.memory_space<vmem>>
      tpu.wait_dma2 semaphore(%run_scoped3A_84 : memref<!tpu.dma_semaphore, #tpu.memory_space<semaphore_mem>>) src(%dma_wait3A_119 : memref<128x32xf32, #tpu.memory_space<vmem>>) dst(%dma_wait3A_116 : memref<128x32xf32, #tpu.memory_space<hbm>>)
      tpu.yield
    }) : () -> ()
    %add3A_80 = arith.constant 384 : i32
    %add3A_81 = arith.addi %mul3A_15, %add3A_80 : i32
    "tpu.region"() ({
      %run_scoped3A_84 = tpu.sem_alloc : memref<!tpu.dma_semaphore, #tpu.memory_space<semaphore_mem>>
      %dma_start3A_85 = arith.constant 0 : i32
      %dma_start3A_86 = arith.constant 0 : i32
      %dma_start3A_87 = tpu.memref_slice %arg7[%dma_start3A_85, %dma_start3A_86] : memref<256x32xf32, #tpu.memory_space<vmem>> -> memref<128x32xf32, #tpu.memory_space<vmem>>
      %dma_start3A_88 = arith.constant 0 : i32
      %dma_start3A_89 = tpu.memref_slice %arg11[%add3A_81, %dma_start3A_88] : memref<10240x32xf32, #tpu.memory_space<vmem_shared>> -> memref<128x32xf32, #tpu.memory_space<vmem_shared>>
      %dma_start3A_90 = arith.constant 0 : i32
      %dma_start3A_91 = arith.constant 0 : i32
      %dma_start3A_92 = tpu.memref_slice %arg7[%dma_start3A_90, %dma_start3A_91] : memref<256x32xf32, #tpu.memory_space<vmem>> -> memref<128x32xf32, #tpu.memory_space<vmem>>
      %dma_start3A_93 = arith.constant 0 : i32
      %dma_start3A_94 = tpu.memref_slice %arg11[%add3A_81, %dma_start3A_93] : memref<10240x32xf32, #tpu.memory_space<vmem_shared>> -> memref<128x32xf32, #tpu.memory_space<vmem_shared>>
      tpu.enqueue_dma source(%dma_start3A_94 : memref<128x32xf32, #tpu.memory_space<vmem_shared>>) target(%dma_start3A_92 : memref<128x32xf32, #tpu.memory_space<vmem>>) target_semaphore(%run_scoped3A_84 : memref<!tpu.dma_semaphore, #tpu.memory_space<semaphore_mem>>)
      %dma_wait3A = arith.constant 0 : i32
      %dma_wait3A_95 = arith.constant 0 : i32
      %dma_wait3A_96 = tpu.memref_slice %arg7[%dma_wait3A, %dma_wait3A_95] : memref<256x32xf32, #tpu.memory_space<vmem>> -> memref<128x32xf32, #tpu.memory_space<vmem>>
      %dma_wait3A_97 = arith.constant 0 : i32
      %dma_wait3A_98 = tpu.memref_slice %arg11[%add3A_81, %dma_wait3A_97] : memref<10240x32xf32, #tpu.memory_space<vmem_shared>> -> memref<128x32xf32, #tpu.memory_space<vmem_shared>>
      %dma_wait3A_99 = arith.constant 0 : i32
      %dma_wait3A_100 = arith.constant 0 : i32
      %dma_wait3A_101 = tpu.memref_slice %arg7[%dma_wait3A_99, %dma_wait3A_100] : memref<256x32xf32, #tpu.memory_space<vmem>> -> memref<128x32xf32, #tpu.memory_space<vmem>>
      %dma_wait3A_102 = arith.constant 0 : i32
      %dma_wait3A_103 = tpu.memref_slice %arg11[%add3A_81, %dma_wait3A_102] : memref<10240x32xf32, #tpu.memory_space<vmem_shared>> -> memref<128x32xf32, #tpu.memory_space<vmem_shared>>
      tpu.wait_dma2 semaphore(%run_scoped3A_84 : memref<!tpu.dma_semaphore, #tpu.memory_space<semaphore_mem>>) src(%dma_wait3A_103 : memref<128x32xf32, #tpu.memory_space<vmem_shared>>) dst(%dma_wait3A_101 : memref<128x32xf32, #tpu.memory_space<vmem>>)
      tpu.yield
    }) : () -> ()
    "tpu.region"() ({
      %run_scoped3A_84 = tpu.sem_alloc : memref<!tpu.dma_semaphore, #tpu.memory_space<semaphore_mem>>
      %dma_start3A_85 = arith.constant 0 : i32
      %dma_start3A_86 = arith.constant 0 : i32
      %dma_start3A_87 = tpu.memref_slice %arg7[%dma_start3A_85, %dma_start3A_86] : memref<256x32xf32, #tpu.memory_space<vmem>> -> memref<128x32xf32, #tpu.memory_space<vmem>>
      %dma_start3A_88 = arith.constant 0 : i32
      %dma_start3A_89 = arith.constant 0 : i32
      %dma_start3A_90 = tpu.memref_slice %arg4[%arg0, %dma_start3A_88, %dma_start3A_89] : memref<2x10240x32xf32, #tpu.memory_space<hbm>> -> memref<1x10240x32xf32, #tpu.memory_space<hbm>>
      %dma_start3A_91 = tpu.memref_squeeze %dma_start3A_90 : memref<1x10240x32xf32, #tpu.memory_space<hbm>> -> memref<10240x32xf32, #tpu.memory_space<hbm>>
      %dma_start3A_92 = arith.constant 0 : i32
      %dma_start3A_93 = tpu.memref_slice %dma_start3A_91[%add3A_81, %dma_start3A_92] : memref<10240x32xf32, #tpu.memory_space<hbm>> -> memref<128x32xf32, #tpu.memory_space<hbm>>
      %dma_start3A_94 = arith.constant 0 : i32
      %dma_start3A_95 = arith.constant 0 : i32
      %dma_start3A_96 = tpu.memref_slice %arg4[%arg0, %dma_start3A_94, %dma_start3A_95] : memref<2x10240x32xf32, #tpu.memory_space<hbm>> -> memref<1x10240x32xf32, #tpu.memory_space<hbm>>
      %dma_start3A_97 = tpu.memref_squeeze %dma_start3A_96 : memref<1x10240x32xf32, #tpu.memory_space<hbm>> -> memref<10240x32xf32, #tpu.memory_space<hbm>>
      %dma_start3A_98 = arith.constant 0 : i32
      %dma_start3A_99 = tpu.memref_slice %dma_start3A_97[%add3A_81, %dma_start3A_98] : memref<10240x32xf32, #tpu.memory_space<hbm>> -> memref<128x32xf32, #tpu.memory_space<hbm>>
      %dma_start3A_100 = arith.constant 0 : i32
      %dma_start3A_101 = arith.constant 0 : i32
      %dma_start3A_102 = tpu.memref_slice %arg7[%dma_start3A_100, %dma_start3A_101] : memref<256x32xf32, #tpu.memory_space<vmem>> -> memref<128x32xf32, #tpu.memory_space<vmem>>
      tpu.enqueue_dma source(%dma_start3A_102 : memref<128x32xf32, #tpu.memory_space<vmem>>) target(%dma_start3A_99 : memref<128x32xf32, #tpu.memory_space<hbm>>) target_semaphore(%run_scoped3A_84 : memref<!tpu.dma_semaphore, #tpu.memory_space<semaphore_mem>>)
      %dma_wait3A = arith.constant 0 : i32
      %dma_wait3A_103 = arith.constant 0 : i32
      %dma_wait3A_104 = tpu.memref_slice %arg7[%dma_wait3A, %dma_wait3A_103] : memref<256x32xf32, #tpu.memory_space<vmem>> -> memref<128x32xf32, #tpu.memory_space<vmem>>
      %dma_wait3A_105 = arith.constant 0 : i32
      %dma_wait3A_106 = arith.constant 0 : i32
      %dma_wait3A_107 = tpu.memref_slice %arg4[%arg0, %dma_wait3A_105, %dma_wait3A_106] : memref<2x10240x32xf32, #tpu.memory_space<hbm>> -> memref<1x10240x32xf32, #tpu.memory_space<hbm>>
      %dma_wait3A_108 = tpu.memref_squeeze %dma_wait3A_107 : memref<1x10240x32xf32, #tpu.memory_space<hbm>> -> memref<10240x32xf32, #tpu.memory_space<hbm>>
      %dma_wait3A_109 = arith.constant 0 : i32
      %dma_wait3A_110 = tpu.memref_slice %dma_wait3A_108[%add3A_81, %dma_wait3A_109] : memref<10240x32xf32, #tpu.memory_space<hbm>> -> memref<128x32xf32, #tpu.memory_space<hbm>>
      %dma_wait3A_111 = arith.constant 0 : i32
      %dma_wait3A_112 = arith.constant 0 : i32
      %dma_wait3A_113 = tpu.memref_slice %arg4[%arg0, %dma_wait3A_111, %dma_wait3A_112] : memref<2x10240x32xf32, #tpu.memory_space<hbm>> -> memref<1x10240x32xf32, #tpu.memory_space<hbm>>
      %dma_wait3A_114 = tpu.memref_squeeze %dma_wait3A_113 : memref<1x10240x32xf32, #tpu.memory_space<hbm>> -> memref<10240x32xf32, #tpu.memory_space<hbm>>
      %dma_wait3A_115 = arith.constant 0 : i32
      %dma_wait3A_116 = tpu.memref_slice %dma_wait3A_114[%add3A_81, %dma_wait3A_115] : memref<10240x32xf32, #tpu.memory_space<hbm>> -> memref<128x32xf32, #tpu.memory_space<hbm>>
      %dma_wait3A_117 = arith.constant 0 : i32
      %dma_wait3A_118 = arith.constant 0 : i32
      %dma_wait3A_119 = tpu.memref_slice %arg7[%dma_wait3A_117, %dma_wait3A_118] : memref<256x32xf32, #tpu.memory_space<vmem>> -> memref<128x32xf32, #tpu.memory_space<vmem>>
      tpu.wait_dma2 semaphore(%run_scoped3A_84 : memref<!tpu.dma_semaphore, #tpu.memory_space<semaphore_mem>>) src(%dma_wait3A_119 : memref<128x32xf32, #tpu.memory_space<vmem>>) dst(%dma_wait3A_116 : memref<128x32xf32, #tpu.memory_space<hbm>>)
      tpu.yield
    }) : () -> ()
    %add3A_82 = arith.constant 512 : i32
    %add3A_83 = arith.addi %mul3A_15, %add3A_82 : i32
    "tpu.region"() ({
      %run_scoped3A_84 = tpu.sem_alloc : memref<!tpu.dma_semaphore, #tpu.memory_space<semaphore_mem>>
      %dma_start3A_85 = arith.constant 0 : i32
      %dma_start3A_86 = arith.constant 0 : i32
      %dma_start3A_87 = tpu.memref_slice %arg7[%dma_start3A_85, %dma_start3A_86] : memref<256x32xf32, #tpu.memory_space<vmem>> -> memref<128x32xf32, #tpu.memory_space<vmem>>
      %dma_start3A_88 = arith.constant 0 : i32
      %dma_start3A_89 = tpu.memref_slice %arg11[%add3A_83, %dma_start3A_88] : memref<10240x32xf32, #tpu.memory_space<vmem_shared>> -> memref<128x32xf32, #tpu.memory_space<vmem_shared>>
      %dma_start3A_90 = arith.constant 0 : i32
      %dma_start3A_91 = arith.constant 0 : i32
      %dma_start3A_92 = tpu.memref_slice %arg7[%dma_start3A_90, %dma_start3A_91] : memref<256x32xf32, #tpu.memory_space<vmem>> -> memref<128x32xf32, #tpu.memory_space<vmem>>
      %dma_start3A_93 = arith.constant 0 : i32
      %dma_start3A_94 = tpu.memref_slice %arg11[%add3A_83, %dma_start3A_93] : memref<10240x32xf32, #tpu.memory_space<vmem_shared>> -> memref<128x32xf32, #tpu.memory_space<vmem_shared>>
      tpu.enqueue_dma source(%dma_start3A_94 : memref<128x32xf32, #tpu.memory_space<vmem_shared>>) target(%dma_start3A_92 : memref<128x32xf32, #tpu.memory_space<vmem>>) target_semaphore(%run_scoped3A_84 : memref<!tpu.dma_semaphore, #tpu.memory_space<semaphore_mem>>)
      %dma_wait3A = arith.constant 0 : i32
      %dma_wait3A_95 = arith.constant 0 : i32
      %dma_wait3A_96 = tpu.memref_slice %arg7[%dma_wait3A, %dma_wait3A_95] : memref<256x32xf32, #tpu.memory_space<vmem>> -> memref<128x32xf32, #tpu.memory_space<vmem>>
      %dma_wait3A_97 = arith.constant 0 : i32
      %dma_wait3A_98 = tpu.memref_slice %arg11[%add3A_83, %dma_wait3A_97] : memref<10240x32xf32, #tpu.memory_space<vmem_shared>> -> memref<128x32xf32, #tpu.memory_space<vmem_shared>>
      %dma_wait3A_99 = arith.constant 0 : i32
      %dma_wait3A_100 = arith.constant 0 : i32
      %dma_wait3A_101 = tpu.memref_slice %arg7[%dma_wait3A_99, %dma_wait3A_100] : memref<256x32xf32, #tpu.memory_space<vmem>> -> memref<128x32xf32, #tpu.memory_space<vmem>>
      %dma_wait3A_102 = arith.constant 0 : i32
      %dma_wait3A_103 = tpu.memref_slice %arg11[%add3A_83, %dma_wait3A_102] : memref<10240x32xf32, #tpu.memory_space<vmem_shared>> -> memref<128x32xf32, #tpu.memory_space<vmem_shared>>
      tpu.wait_dma2 semaphore(%run_scoped3A_84 : memref<!tpu.dma_semaphore, #tpu.memory_space<semaphore_mem>>) src(%dma_wait3A_103 : memref<128x32xf32, #tpu.memory_space<vmem_shared>>) dst(%dma_wait3A_101 : memref<128x32xf32, #tpu.memory_space<vmem>>)
      tpu.yield
    }) : () -> ()
    "tpu.region"() ({
      %run_scoped3A_84 = tpu.sem_alloc : memref<!tpu.dma_semaphore, #tpu.memory_space<semaphore_mem>>
      %dma_start3A_85 = arith.constant 0 : i32
      %dma_start3A_86 = arith.constant 0 : i32
      %dma_start3A_87 = tpu.memref_slice %arg7[%dma_start3A_85, %dma_start3A_86] : memref<256x32xf32, #tpu.memory_space<vmem>> -> memref<128x32xf32, #tpu.memory_space<vmem>>
      %dma_start3A_88 = arith.constant 0 : i32
      %dma_start3A_89 = arith.constant 0 : i32
      %dma_start3A_90 = tpu.memref_slice %arg4[%arg0, %dma_start3A_88, %dma_start3A_89] : memref<2x10240x32xf32, #tpu.memory_space<hbm>> -> memref<1x10240x32xf32, #tpu.memory_space<hbm>>
      %dma_start3A_91 = tpu.memref_squeeze %dma_start3A_90 : memref<1x10240x32xf32, #tpu.memory_space<hbm>> -> memref<10240x32xf32, #tpu.memory_space<hbm>>
      %dma_start3A_92 = arith.constant 0 : i32
      %dma_start3A_93 = tpu.memref_slice %dma_start3A_91[%add3A_83, %dma_start3A_92] : memref<10240x32xf32, #tpu.memory_space<hbm>> -> memref<128x32xf32, #tpu.memory_space<hbm>>
      %dma_start3A_94 = arith.constant 0 : i32
      %dma_start3A_95 = arith.constant 0 : i32
      %dma_start3A_96 = tpu.memref_slice %arg4[%arg0, %dma_start3A_94, %dma_start3A_95] : memref<2x10240x32xf32, #tpu.memory_space<hbm>> -> memref<1x10240x32xf32, #tpu.memory_space<hbm>>
      %dma_start3A_97 = tpu.memref_squeeze %dma_start3A_96 : memref<1x10240x32xf32, #tpu.memory_space<hbm>> -> memref<10240x32xf32, #tpu.memory_space<hbm>>
      %dma_start3A_98 = arith.constant 0 : i32
      %dma_start3A_99 = tpu.memref_slice %dma_start3A_97[%add3A_83, %dma_start3A_98] : memref<10240x32xf32, #tpu.memory_space<hbm>> -> memref<128x32xf32, #tpu.memory_space<hbm>>
      %dma_start3A_100 = arith.constant 0 : i32
      %dma_start3A_101 = arith.constant 0 : i32
      %dma_start3A_102 = tpu.memref_slice %arg7[%dma_start3A_100, %dma_start3A_101] : memref<256x32xf32, #tpu.memory_space<vmem>> -> memref<128x32xf32, #tpu.memory_space<vmem>>
      tpu.enqueue_dma source(%dma_start3A_102 : memref<128x32xf32, #tpu.memory_space<vmem>>) target(%dma_start3A_99 : memref<128x32xf32, #tpu.memory_space<hbm>>) target_semaphore(%run_scoped3A_84 : memref<!tpu.dma_semaphore, #tpu.memory_space<semaphore_mem>>)
      %dma_wait3A = arith.constant 0 : i32
      %dma_wait3A_103 = arith.constant 0 : i32
      %dma_wait3A_104 = tpu.memref_slice %arg7[%dma_wait3A, %dma_wait3A_103] : memref<256x32xf32, #tpu.memory_space<vmem>> -> memref<128x32xf32, #tpu.memory_space<vmem>>
      %dma_wait3A_105 = arith.constant 0 : i32
      %dma_wait3A_106 = arith.constant 0 : i32
      %dma_wait3A_107 = tpu.memref_slice %arg4[%arg0, %dma_wait3A_105, %dma_wait3A_106] : memref<2x10240x32xf32, #tpu.memory_space<hbm>> -> memref<1x10240x32xf32, #tpu.memory_space<hbm>>
      %dma_wait3A_108 = tpu.memref_squeeze %dma_wait3A_107 : memref<1x10240x32xf32, #tpu.memory_space<hbm>> -> memref<10240x32xf32, #tpu.memory_space<hbm>>
      %dma_wait3A_109 = arith.constant 0 : i32
      %dma_wait3A_110 = tpu.memref_slice %dma_wait3A_108[%add3A_83, %dma_wait3A_109] : memref<10240x32xf32, #tpu.memory_space<hbm>> -> memref<128x32xf32, #tpu.memory_space<hbm>>
      %dma_wait3A_111 = arith.constant 0 : i32
      %dma_wait3A_112 = arith.constant 0 : i32
      %dma_wait3A_113 = tpu.memref_slice %arg4[%arg0, %dma_wait3A_111, %dma_wait3A_112] : memref<2x10240x32xf32, #tpu.memory_space<hbm>> -> memref<1x10240x32xf32, #tpu.memory_space<hbm>>
      %dma_wait3A_114 = tpu.memref_squeeze %dma_wait3A_113 : memref<1x10240x32xf32, #tpu.memory_space<hbm>> -> memref<10240x32xf32, #tpu.memory_space<hbm>>
      %dma_wait3A_115 = arith.constant 0 : i32
      %dma_wait3A_116 = tpu.memref_slice %dma_wait3A_114[%add3A_83, %dma_wait3A_115] : memref<10240x32xf32, #tpu.memory_space<hbm>> -> memref<128x32xf32, #tpu.memory_space<hbm>>
      %dma_wait3A_117 = arith.constant 0 : i32
      %dma_wait3A_118 = arith.constant 0 : i32
      %dma_wait3A_119 = tpu.memref_slice %arg7[%dma_wait3A_117, %dma_wait3A_118] : memref<256x32xf32, #tpu.memory_space<vmem>> -> memref<128x32xf32, #tpu.memory_space<vmem>>
      tpu.wait_dma2 semaphore(%run_scoped3A_84 : memref<!tpu.dma_semaphore, #tpu.memory_space<semaphore_mem>>) src(%dma_wait3A_119 : memref<128x32xf32, #tpu.memory_space<vmem>>) dst(%dma_wait3A_116 : memref<128x32xf32, #tpu.memory_space<hbm>>)
      tpu.yield
    }) : () -> ()
    return
  }
}

module attributes {stable_mosaic.version = 14 : i64} {
  func.func @_k1_body(%arg0: memref<32x10240xf32, #tpu.memory_space<vmem>>, %arg1: memref<10240x256xf32, #tpu.memory_space<vmem>>, %arg2: memref<256x128xf32, #tpu.memory_space<vmem>>, %arg3: memref<2x10240x64xf32, #tpu.memory_space<vmem>>, %arg4: memref<10240x1xf32, #tpu.memory_space<vmem>>) attributes {dimension_semantics = [], scalar_prefetch = 0 : i64, scratch_operands = 0 : i64, tpu.core_type = #tpu.core_type<tc>} {
    %get3A = arith.constant 0 : index
    %get3A_0 = arith.constant 0 : index
    %get3A_1 = vector.load %arg0[%get3A, %get3A_0] : memref<32x10240xf32, #tpu.memory_space<vmem>>, vector<32x10240xf32>
    %broadcast_in_dim3A = arith.constant 1.000000e+00 : f32
    %broadcast_in_dim3A_2 = vector.broadcast %broadcast_in_dim3A : f32 to vector<32x1xf32>
    %dot_general3A = arith.constant dense<0.000000e+00> : vector<10240x1xf32>
    %dot_general3A_3 = tpu.matmul %get3A_1, %broadcast_in_dim3A_2, %dot_general3A {dimension_numbers = #tpu.dot_dimension_numbers<[0], [0], [1], [1], [0, 1, 1, 1], [], []>, transpose_lhs_hint = false} : vector<32x10240xf32>, vector<32x1xf32>, vector<10240x1xf32> -> vector<10240x1xf32>
    %add3A = arith.constant 1.000000e+00 : f32
    %add3A_4 = vector.broadcast %add3A : f32 to vector<10240x1xf32>
    %add3A_5 = arith.addf %dot_general3A_3, %add3A_4 : vector<10240x1xf32>
    %rsqrt3A = math.rsqrt %add3A_5 : vector<10240x1xf32>
    %get3A_6 = arith.constant 0 : index
    %get3A_7 = arith.constant 0 : index
    %get3A_8 = vector.load %arg1[%get3A_6, %get3A_7] : memref<10240x256xf32, #tpu.memory_space<vmem>>, vector<10240x256xf32>
    %get3A_9 = arith.constant 0 : index
    %get3A_10 = arith.constant 0 : index
    %get3A_11 = vector.load %arg2[%get3A_9, %get3A_10] : memref<256x128xf32, #tpu.memory_space<vmem>>, vector<256x128xf32>
    %dot_general3A_12 = arith.constant dense<0.000000e+00> : vector<10240x128xf32>
    %dot_general3A_13 = tpu.matmul %get3A_8, %get3A_11, %dot_general3A_12 {dimension_numbers = #tpu.dot_dimension_numbers<[1], [0], [0], [1], [0, 0, 1, 1], [], []>, transpose_lhs_hint = false} : vector<10240x256xf32>, vector<256x128xf32>, vector<10240x128xf32> -> vector<10240x128xf32>
    %mul3A = vector.broadcast %rsqrt3A : vector<10240x1xf32> to vector<10240x128xf32>
    %mul3A_14 = arith.mulf %dot_general3A_13, %mul3A : vector<10240x128xf32>
    %slice3A = vector.extract_strided_slice %mul3A_14 {offsets = [0, 0], sizes = [10240, 64], strides = [1, 1]} : vector<10240x128xf32> to vector<10240x64xf32>
    %swap3A = arith.constant 0 : index
    %swap3A_15 = arith.constant 0 : index
    %swap3A_16 = arith.constant 0 : index
    %swap3A_17 = vector.load %arg3[%swap3A, %swap3A_15, %swap3A_16] : memref<2x10240x64xf32, #tpu.memory_space<vmem>>, vector<1x10240x64xf32>
    %swap3A_18 = vector.shape_cast %swap3A_17 : vector<1x10240x64xf32> to vector<10240x64xf32>
    %swap3A_19 = vector.shape_cast %slice3A : vector<10240x64xf32> to vector<1x10240x64xf32>
    tpu.vector_store %arg3[%swap3A, %swap3A_15, %swap3A_16], %swap3A_19 {strides = array<i32>} : memref<2x10240x64xf32, #tpu.memory_space<vmem>>, vector<1x10240x64xf32>,
    %slice3A_20 = vector.extract_strided_slice %mul3A_14 {offsets = [0, 64], sizes = [10240, 64], strides = [1, 1]} : vector<10240x128xf32> to vector<10240x64xf32>
    %swap3A_21 = arith.constant 1 : index
    %swap3A_22 = arith.constant 0 : index
    %swap3A_23 = arith.constant 0 : index
    %swap3A_24 = vector.load %arg3[%swap3A_21, %swap3A_22, %swap3A_23] : memref<2x10240x64xf32, #tpu.memory_space<vmem>>, vector<1x10240x64xf32>
    %swap3A_25 = vector.shape_cast %swap3A_24 : vector<1x10240x64xf32> to vector<10240x64xf32>
    %swap3A_26 = vector.shape_cast %slice3A_20 : vector<10240x64xf32> to vector<1x10240x64xf32>
    tpu.vector_store %arg3[%swap3A_21, %swap3A_22, %swap3A_23], %swap3A_26 {strides = array<i32>} : memref<2x10240x64xf32, #tpu.memory_space<vmem>>, vector<1x10240x64xf32>,
    %swap3A_27 = arith.constant 0 : index
    %swap3A_28 = arith.constant 0 : index
    %swap3A_29 = vector.load %arg4[%swap3A_27, %swap3A_28] : memref<10240x1xf32, #tpu.memory_space<vmem>>, vector<10240x1xf32>
    tpu.vector_store %arg4[%swap3A_27, %swap3A_28], %rsqrt3A {strides = array<i32>} : memref<10240x1xf32, #tpu.memory_space<vmem>>, vector<10240x1xf32>,
    return
  }
}

module attributes {stable_mosaic.version = 14 : i64} {
  func.func @_k3_body(%arg0: memref<2x10240x64xf32, #tpu.memory_space<vmem>>, %arg1: memref<2x10240x64xf32, #tpu.memory_space<vmem>>, %arg2: memref<10240x1xf32, #tpu.memory_space<vmem>>, %arg3: memref<1x128xf32, #tpu.memory_space<vmem>>, %arg4: memref<128x64xf32, #tpu.memory_space<vmem>>, %arg5: memref<2x10240x32xf32, #tpu.memory_space<vmem>>) attributes {dimension_semantics = [], scalar_prefetch = 0 : i64, scratch_operands = 0 : i64, tpu.core_type = #tpu.core_type<tc>} {
    %get3A = arith.constant 0 : index
    %get3A_0 = arith.constant 0 : index
    %get3A_1 = arith.constant 0 : index
    %get3A_2 = vector.load %arg0[%get3A, %get3A_0, %get3A_1] : memref<2x10240x64xf32, #tpu.memory_space<vmem>>, vector<1x10240x64xf32>
    %get3A_3 = vector.shape_cast %get3A_2 : vector<1x10240x64xf32> to vector<10240x64xf32>
    %get3A_4 = arith.constant 0 : index
    %get3A_5 = arith.constant 0 : index
    %get3A_6 = arith.constant 0 : index
    %get3A_7 = vector.load %arg1[%get3A_4, %get3A_5, %get3A_6] : memref<2x10240x64xf32, #tpu.memory_space<vmem>>, vector<1x10240x64xf32>
    %get3A_8 = vector.shape_cast %get3A_7 : vector<1x10240x64xf32> to vector<10240x64xf32>
    %add3A = arith.addf %get3A_3, %get3A_8 : vector<10240x64xf32>
    %get3A_9 = arith.constant 1 : index
    %get3A_10 = arith.constant 0 : index
    %get3A_11 = arith.constant 0 : index
    %get3A_12 = vector.load %arg0[%get3A_9, %get3A_10, %get3A_11] : memref<2x10240x64xf32, #tpu.memory_space<vmem>>, vector<1x10240x64xf32>
    %get3A_13 = vector.shape_cast %get3A_12 : vector<1x10240x64xf32> to vector<10240x64xf32>
    %get3A_14 = arith.constant 1 : index
    %get3A_15 = arith.constant 0 : index
    %get3A_16 = arith.constant 0 : index
    %get3A_17 = vector.load %arg1[%get3A_14, %get3A_15, %get3A_16] : memref<2x10240x64xf32, #tpu.memory_space<vmem>>, vector<1x10240x64xf32>
    %get3A_18 = vector.shape_cast %get3A_17 : vector<1x10240x64xf32> to vector<10240x64xf32>
    %add3A_19 = arith.addf %get3A_13, %get3A_18 : vector<10240x64xf32>
    %concatenate3A = tpu.concatenate %add3A, %add3A_19 in 1 : vector<10240x64xf32>, vector<10240x64xf32> -> vector<10240x128xf32>
    %get3A_20 = arith.constant 0 : index
    %get3A_21 = arith.constant 0 : index
    %get3A_22 = vector.load %arg2[%get3A_20, %get3A_21] : memref<10240x1xf32, #tpu.memory_space<vmem>>, vector<10240x1xf32>
    %mul3A = vector.broadcast %get3A_22 : vector<10240x1xf32> to vector<10240x128xf32>
    %mul3A_23 = arith.mulf %mul3A, %concatenate3A : vector<10240x128xf32>
    %get3A_24 = arith.constant 0 : index
    %get3A_25 = arith.constant 0 : index
    %get3A_26 = vector.load %arg3[%get3A_24, %get3A_25] : memref<1x128xf32, #tpu.memory_space<vmem>>, vector<1x128xf32>
    %add3A_27 = vector.broadcast %get3A_26 : vector<1x128xf32> to vector<10240x128xf32>
    %add3A_28 = arith.addf %mul3A_23, %add3A_27 : vector<10240x128xf32>
    %max3A = arith.constant 0.000000e+00 : f32
    %max3A_29 = vector.broadcast %max3A : f32 to vector<10240x128xf32>
    %max3A_30 = arith.maximumf %add3A_28, %max3A_29 : vector<10240x128xf32>
    %get3A_31 = arith.constant 0 : index
    %get3A_32 = arith.constant 0 : index
    %get3A_33 = vector.load %arg4[%get3A_31, %get3A_32] : memref<128x64xf32, #tpu.memory_space<vmem>>, vector<128x64xf32>
    %dot_general3A = arith.constant dense<0.000000e+00> : vector<10240x64xf32>
    %dot_general3A_34 = tpu.matmul %max3A_30, %get3A_33, %dot_general3A {dimension_numbers = #tpu.dot_dimension_numbers<[1], [0], [0], [1], [0, 0, 1, 1], [], []>, transpose_lhs_hint = false} : vector<10240x128xf32>, vector<128x64xf32>, vector<10240x64xf32> -> vector<10240x64xf32>
    %mul3A_35 = vector.broadcast %get3A_22 : vector<10240x1xf32> to vector<10240x64xf32>
    %mul3A_36 = arith.mulf %mul3A_35, %dot_general3A_34 : vector<10240x64xf32>
    %slice3A = vector.extract_strided_slice %mul3A_36 {offsets = [0, 0], sizes = [10240, 32], strides = [1, 1]} : vector<10240x64xf32> to vector<10240x32xf32>
    %swap3A = arith.constant 0 : index
    %swap3A_37 = arith.constant 0 : index
    %swap3A_38 = arith.constant 0 : index
    %swap3A_39 = vector.load %arg5[%swap3A, %swap3A_37, %swap3A_38] : memref<2x10240x32xf32, #tpu.memory_space<vmem>>, vector<1x10240x32xf32>
    %swap3A_40 = vector.shape_cast %swap3A_39 : vector<1x10240x32xf32> to vector<10240x32xf32>
    %swap3A_41 = vector.shape_cast %slice3A : vector<10240x32xf32> to vector<1x10240x32xf32>
    tpu.vector_store %arg5[%swap3A, %swap3A_37, %swap3A_38], %swap3A_41 {strides = array<i32>} : memref<2x10240x32xf32, #tpu.memory_space<vmem>>, vector<1x10240x32xf32>,
    %slice3A_42 = vector.extract_strided_slice %mul3A_36 {offsets = [0, 32], sizes = [10240, 32], strides = [1, 1]} : vector<10240x64xf32> to vector<10240x32xf32>
    %swap3A_43 = arith.constant 1 : index
    %swap3A_44 = arith.constant 0 : index
    %swap3A_45 = arith.constant 0 : index
    %swap3A_46 = vector.load %arg5[%swap3A_43, %swap3A_44, %swap3A_45] : memref<2x10240x32xf32, #tpu.memory_space<vmem>>, vector<1x10240x32xf32>
    %swap3A_47 = vector.shape_cast %swap3A_46 : vector<1x10240x32xf32> to vector<10240x32xf32>
    %swap3A_48 = vector.shape_cast %slice3A_42 : vector<10240x32xf32> to vector<1x10240x32xf32>
    tpu.vector_store %arg5[%swap3A_43, %swap3A_44, %swap3A_45], %swap3A_48 {strides = array<i32>} : memref<2x10240x32xf32, #tpu.memory_space<vmem>>, vector<1x10240x32xf32>,
    return
  }
}

module attributes {stable_mosaic.version = 14 : i64} {
  func.func @_k5_body(%arg0: memref<2x10240x32xf32, #tpu.memory_space<vmem>>, %arg1: memref<2x10240x32xf32, #tpu.memory_space<vmem>>, %arg2: memref<10240x1xf32, #tpu.memory_space<vmem>>, %arg3: memref<1x64xf32, #tpu.memory_space<vmem>>, %arg4: memref<1x10240xi32, #tpu.memory_space<vmem>>, %arg5: memref<64x2048xf32, #tpu.memory_space<vmem>>, %arg6: memref<1x2048xf32, #tpu.memory_space<vmem>>, %arg7: memref<2048x1024xf32, #tpu.memory_space<vmem>>, %arg8: memref<1x1024xf32, #tpu.memory_space<vmem>>, %arg9: memref<1024x128xf32, #tpu.memory_space<vmem>>, %arg10: memref<1x128xf32, #tpu.memory_space<vmem>>, %arg11: memref<128x32xf32, #tpu.memory_space<vmem>>, %arg12: memref<1x32xf32, #tpu.memory_space<vmem>>, %arg13: memref<32x128xf32, #tpu.memory_space<vmem>>, %arg14: memref<1x128xf32, #tpu.memory_space<vmem>>, %arg15: memref<64x128xf32, #tpu.memory_space<vmem>>) attributes {dimension_semantics = [], scalar_prefetch = 0 : i64, scratch_operands = 0 : i64, tpu.core_type = #tpu.core_type<tc>} {
    %get3A = arith.constant 0 : index
    %get3A_0 = arith.constant 0 : index
    %get3A_1 = arith.constant 0 : index
    %get3A_2 = vector.load %arg0[%get3A, %get3A_0, %get3A_1] : memref<2x10240x32xf32, #tpu.memory_space<vmem>>, vector<1x10240x32xf32>
    %get3A_3 = vector.shape_cast %get3A_2 : vector<1x10240x32xf32> to vector<10240x32xf32>
    %get3A_4 = arith.constant 0 : index
    %get3A_5 = arith.constant 0 : index
    %get3A_6 = arith.constant 0 : index
    %get3A_7 = vector.load %arg1[%get3A_4, %get3A_5, %get3A_6] : memref<2x10240x32xf32, #tpu.memory_space<vmem>>, vector<1x10240x32xf32>
    %get3A_8 = vector.shape_cast %get3A_7 : vector<1x10240x32xf32> to vector<10240x32xf32>
    %add3A = arith.addf %get3A_3, %get3A_8 : vector<10240x32xf32>
    %get3A_9 = arith.constant 1 : index
    %get3A_10 = arith.constant 0 : index
    %get3A_11 = arith.constant 0 : index
    %get3A_12 = vector.load %arg0[%get3A_9, %get3A_10, %get3A_11] : memref<2x10240x32xf32, #tpu.memory_space<vmem>>, vector<1x10240x32xf32>
    %get3A_13 = vector.shape_cast %get3A_12 : vector<1x10240x32xf32> to vector<10240x32xf32>
    %get3A_14 = arith.constant 1 : index
    %get3A_15 = arith.constant 0 : index
    %get3A_16 = arith.constant 0 : index
    %get3A_17 = vector.load %arg1[%get3A_14, %get3A_15, %get3A_16] : memref<2x10240x32xf32, #tpu.memory_space<vmem>>, vector<1x10240x32xf32>
    %get3A_18 = vector.shape_cast %get3A_17 : vector<1x10240x32xf32> to vector<10240x32xf32>
    %add3A_19 = arith.addf %get3A_13, %get3A_18 : vector<10240x32xf32>
    %concatenate3A = tpu.concatenate %add3A, %add3A_19 in 1 : vector<10240x32xf32>, vector<10240x32xf32> -> vector<10240x64xf32>
    %get3A_20 = arith.constant 0 : index
    %get3A_21 = arith.constant 0 : index
    %get3A_22 = vector.load %arg2[%get3A_20, %get3A_21] : memref<10240x1xf32, #tpu.memory_space<vmem>>, vector<10240x1xf32>
    %mul3A = vector.broadcast %get3A_22 : vector<10240x1xf32> to vector<10240x64xf32>
    %mul3A_23 = arith.mulf %mul3A, %concatenate3A : vector<10240x64xf32>
    %get3A_24 = arith.constant 0 : index
    %get3A_25 = arith.constant 0 : index
    %get3A_26 = vector.load %arg3[%get3A_24, %get3A_25] : memref<1x64xf32, #tpu.memory_space<vmem>>, vector<1x64xf32>
    %add3A_27 = vector.broadcast %get3A_26 : vector<1x64xf32> to vector<10240x64xf32>
    %add3A_28 = arith.addf %mul3A_23, %add3A_27 : vector<10240x64xf32>
    %get3A_29 = arith.constant 0 : index
    %get3A_30 = arith.constant 0 : index
    %get3A_31 = vector.load %arg4[%get3A_29, %get3A_30] : memref<1x10240xi32, #tpu.memory_space<vmem>>, vector<1x10240xi32>
    %iota3A = tpu.iota {dimensions = array<i32: 0>} : vector<64x10240xi32>
    %eq3A = vector.broadcast %get3A_31 : vector<1x10240xi32> to vector<64x10240xi32>
    %eq3A_32 = arith.cmpi eq, %iota3A, %eq3A : vector<64x10240xi32>
    %jit3A = arith.constant 1.000000e+00 : f32
    %jit3A_33 = arith.constant 0.000000e+00 : f32
    %broadcast_in_dim3A = vector.broadcast %jit3A : f32 to vector<64x10240xf32>
    %broadcast_in_dim3A_34 = vector.broadcast %jit3A_33 : f32 to vector<64x10240xf32>
    %select_n3A = arith.select %eq3A_32, %broadcast_in_dim3A, %broadcast_in_dim3A_34 : vector<64x10240xi1>, vector<64x10240xf32>
    %dot_general3A = arith.constant dense<0.000000e+00> : vector<64x64xf32>
    %dot_general3A_35 = tpu.matmul %select_n3A, %add3A_28, %dot_general3A {dimension_numbers = #tpu.dot_dimension_numbers<[1], [0], [0], [1], [0, 0, 1, 1], [], []>, precision = #tpu.contract_precision<fp32>, transpose_lhs_hint = false} : vector<64x10240xf32>, vector<10240x64xf32>, vector<64x64xf32> -> vector<64x64xf32>
    %get3A_36 = arith.constant 0 : index
    %get3A_37 = arith.constant 0 : index
    %get3A_38 = vector.load %arg5[%get3A_36, %get3A_37] : memref<64x2048xf32, #tpu.memory_space<vmem>>, vector<64x2048xf32>
    %dot_general3A_39 = arith.constant dense<0.000000e+00> : vector<64x2048xf32>
    %dot_general3A_40 = tpu.matmul %dot_general3A_35, %get3A_38, %dot_general3A_39 {dimension_numbers = #tpu.dot_dimension_numbers<[1], [0], [0], [1], [0, 0, 1, 1], [], []>, transpose_lhs_hint = false} : vector<64x64xf32>, vector<64x2048xf32>, vector<64x2048xf32> -> vector<64x2048xf32>
    %get3A_41 = arith.constant 0 : index
    %get3A_42 = arith.constant 0 : index
    %get3A_43 = vector.load %arg6[%get3A_41, %get3A_42] : memref<1x2048xf32, #tpu.memory_space<vmem>>, vector<1x2048xf32>
    %add3A_44 = vector.broadcast %get3A_43 : vector<1x2048xf32> to vector<64x2048xf32>
    %add3A_45 = arith.addf %dot_general3A_40, %add3A_44 : vector<64x2048xf32>
    %max3A = arith.constant 0.000000e+00 : f32
    %max3A_46 = vector.broadcast %max3A : f32 to vector<64x2048xf32>
    %max3A_47 = arith.maximumf %add3A_45, %max3A_46 : vector<64x2048xf32>
    %get3A_48 = arith.constant 0 : index
    %get3A_49 = arith.constant 0 : index
    %get3A_50 = vector.load %arg7[%get3A_48, %get3A_49] : memref<2048x1024xf32, #tpu.memory_space<vmem>>, vector<2048x1024xf32>
    %dot_general3A_51 = arith.constant dense<0.000000e+00> : vector<64x1024xf32>
    %dot_general3A_52 = tpu.matmul %max3A_47, %get3A_50, %dot_general3A_51 {dimension_numbers = #tpu.dot_dimension_numbers<[1], [0], [0], [1], [0, 0, 1, 1], [], []>, transpose_lhs_hint = false} : vector<64x2048xf32>, vector<2048x1024xf32>, vector<64x1024xf32> -> vector<64x1024xf32>
    %get3A_53 = arith.constant 0 : index
    %get3A_54 = arith.constant 0 : index
    %get3A_55 = vector.load %arg8[%get3A_53, %get3A_54] : memref<1x1024xf32, #tpu.memory_space<vmem>>, vector<1x1024xf32>
    %add3A_56 = vector.broadcast %get3A_55 : vector<1x1024xf32> to vector<64x1024xf32>
    %add3A_57 = arith.addf %dot_general3A_52, %add3A_56 : vector<64x1024xf32>
    %max3A_58 = arith.constant 0.000000e+00 : f32
    %max3A_59 = vector.broadcast %max3A_58 : f32 to vector<64x1024xf32>
    %max3A_60 = arith.maximumf %add3A_57, %max3A_59 : vector<64x1024xf32>
    %get3A_61 = arith.constant 0 : index
    %get3A_62 = arith.constant 0 : index
    %get3A_63 = vector.load %arg9[%get3A_61, %get3A_62] : memref<1024x128xf32, #tpu.memory_space<vmem>>, vector<1024x128xf32>
    %dot_general3A_64 = arith.constant dense<0.000000e+00> : vector<64x128xf32>
    %dot_general3A_65 = tpu.matmul %max3A_60, %get3A_63, %dot_general3A_64 {dimension_numbers = #tpu.dot_dimension_numbers<[1], [0], [0], [1], [0, 0, 1, 1], [], []>, transpose_lhs_hint = false} : vector<64x1024xf32>, vector<1024x128xf32>, vector<64x128xf32> -> vector<64x128xf32>
    %get3A_66 = arith.constant 0 : index
    %get3A_67 = arith.constant 0 : index
    %get3A_68 = vector.load %arg10[%get3A_66, %get3A_67] : memref<1x128xf32, #tpu.memory_space<vmem>>, vector<1x128xf32>
    %add3A_69 = vector.broadcast %get3A_68 : vector<1x128xf32> to vector<64x128xf32>
    %add3A_70 = arith.addf %dot_general3A_65, %add3A_69 : vector<64x128xf32>
    %max3A_71 = arith.constant 0.000000e+00 : f32
    %max3A_72 = vector.broadcast %max3A_71 : f32 to vector<64x128xf32>
    %max3A_73 = arith.maximumf %add3A_70, %max3A_72 : vector<64x128xf32>
    %get3A_74 = arith.constant 0 : index
    %get3A_75 = arith.constant 0 : index
    %get3A_76 = vector.load %arg11[%get3A_74, %get3A_75] : memref<128x32xf32, #tpu.memory_space<vmem>>, vector<128x32xf32>
    %dot_general3A_77 = arith.constant dense<0.000000e+00> : vector<64x32xf32>
    %dot_general3A_78 = tpu.matmul %max3A_73, %get3A_76, %dot_general3A_77 {dimension_numbers = #tpu.dot_dimension_numbers<[1], [0], [0], [1], [0, 0, 1, 1], [], []>, transpose_lhs_hint = false} : vector<64x128xf32>, vector<128x32xf32>, vector<64x32xf32> -> vector<64x32xf32>
    %get3A_79 = arith.constant 0 : index
    %get3A_80 = arith.constant 0 : index
    %get3A_81 = vector.load %arg12[%get3A_79, %get3A_80] : memref<1x32xf32, #tpu.memory_space<vmem>>, vector<1x32xf32>
    %add3A_82 = vector.broadcast %get3A_81 : vector<1x32xf32> to vector<64x32xf32>
    %add3A_83 = arith.addf %dot_general3A_78, %add3A_82 : vector<64x32xf32>
    %max3A_84 = arith.constant 0.000000e+00 : f32
    %max3A_85 = vector.broadcast %max3A_84 : f32 to vector<64x32xf32>
    %max3A_86 = arith.maximumf %add3A_83, %max3A_85 : vector<64x32xf32>
    %get3A_87 = arith.constant 0 : index
    %get3A_88 = arith.constant 0 : index
    %get3A_89 = vector.load %arg13[%get3A_87, %get3A_88] : memref<32x128xf32, #tpu.memory_space<vmem>>, vector<32x128xf32>
    %dot_general3A_90 = arith.constant dense<0.000000e+00> : vector<64x128xf32>
    %dot_general3A_91 = tpu.matmul %max3A_86, %get3A_89, %dot_general3A_90 {dimension_numbers = #tpu.dot_dimension_numbers<[1], [0], [0], [1], [0, 0, 1, 1], [], []>, transpose_lhs_hint = false} : vector<64x32xf32>, vector<32x128xf32>, vector<64x128xf32> -> vector<64x128xf32>
    %get3A_92 = arith.constant 0 : index
    %get3A_93 = arith.constant 0 : index
    %get3A_94 = vector.load %arg14[%get3A_92, %get3A_93] : memref<1x128xf32, #tpu.memory_space<vmem>>, vector<1x128xf32>
    %add3A_95 = vector.broadcast %get3A_94 : vector<1x128xf32> to vector<64x128xf32>
    %add3A_96 = arith.addf %dot_general3A_91, %add3A_95 : vector<64x128xf32>
    %swap3A = arith.constant 0 : index
    %swap3A_97 = arith.constant 0 : index
    %swap3A_98 = vector.load %arg15[%swap3A, %swap3A_97] : memref<64x128xf32, #tpu.memory_space<vmem>>, vector<64x128xf32>
    tpu.vector_store %arg15[%swap3A, %swap3A_97], %add3A_96 {strides = array<i32>} : memref<64x128xf32, #tpu.memory_space<vmem>>, vector<64x128xf32>,
    return
  }
}

</mosaic_0001>

<sc_bundles>
// kernel: kernel.11.cloned.1.call-start
scs
__scs_entry_jumppad:
0x0: {  	(pc) =	sbr.rel $0x88, $3  }
0x1: {  	(tag) =	ssettag $0x0;
	lr =	simm.s32 $0x1  }
0x2: {  	[smem:$0x3F90] =	sst lr;
	_ =	strace $0xD0000000  }
0x3: {  	_ = 	snop  }
0x4: {  	_ = 	snop  }
0x5: {  	_ = 	snop  }
0x6: {  	_ = 	snop  }
0x7: {  	_ = 	snop  }
__scs_overlays_trampoline_lowered:
0x8: {  	[smem:$0x3F9F] =	sst s0  }
0x9: {  	[smem:$0x3FA0] =	sst s1  }
0xa: {  	[smem:$0x3FA1] =	sst s2  }
0xb: {  	[smem:$0x3FA2] =	sst s3  }
0xc: {  	[smem:$0x3FA3] =	sst s4  }
0xd: {  	[smem:$0x3FA4] =	sst s5  }
0xe: {  	[smem:$0x3FA5] =	sst s6  }
0xf: {  	[smem:$0x3FA6] =	sst s7  }
0x10: {  	[smem:$0x3FA7] =	sst s8  }
0x11: {  	[smem:$0x3FA8] =	sst s9;
	s0 =	simm.s32 @!p0 $0x0  }
0x12: {  	s1 =	sld [smem:$0x3F8E];
	s0 =	simm.s32 @p0 $0x1  }
0x13: {  	[smem:$0x3FA9] =	sst s0;
	s0 =	simm.s32 @!p1 $0x0  }
0x14: {  	s2 =	sld [smem:$0x3F8D];
	s0 =	simm.s32 @p1 $0x1  }
0x15: {  	[smem:$0x3FAA] =	sst s0;
	s0 =	simm.s32 @!p2 $0x0  }
0x16: {  	s3 =	sld [smem:$0x3FDB];
	s0 =	simm.s32 @p2 $0x1  }
0x17: {  	s4 =	simm.s32 $0x1BF5;
	[smem:$0x3FAC] =	sst s0  }
0x18: {  	s0 =	sld [smem:$0x3F8F];
	_ =	swait.ge [sflag:s4], $0x0  }
0x19: {  	s7 =	sld [smem:$0x3F90]  }
0x1a: {  	s8 =	sadd.s32 $0xFFFFE003, lr  }
0x1b: {  	s9 =	sadd.s32 $0xFFFFFEF7, lr;
	s5 =	simm.s32 $0xFFFFFFFF;
	p2 =	slt.u32 s8, $0xFFFFF086  }
0x1c: {  	p1 =	slt.u32 s9, $0xF7A;
	s5 =	simm.s32 @!p2 $0x0  }
0x1d: {  	s5 =	simm.s32 @p1 $0x1;
	p0 =	seq.s32 s7, s2  }
0x1e: {  	s7 =	smul.u32 @!p0 $0xF7A, s2;
	p2 =	seq.s32 @!p0 s5, $0x0  }
0x1f: {  	s9 =	smul.u32 $0xF7A, s1;
	s8 =	simm.s32 @!p0 $0x1BF5;
	p2 =	por !p2, p0  }
0x20: {  	[sflag:s8] =	ssyncset.s32 @!p0 $0xFFFFF086;
	s6 =	sadd.s32 @!p0 s3, s7;
	s7 =	simm.s32 @!p0 $0x108  }
0x21: {  	s3 =	sadd.s32 s3, s9;
	s6 =	sadd.s32 @!p0 $0x88, s6;
	s7 =	simm.s32 @p2 $0x1082  }
0x22: {  	[simem:s7], [sflag:s8] =	dma.local @!p0 [hbm:s6], $0xF7A  }
0x23: {  	s9 =	sor.u32 $0xD0000000, s2;
	s6 =	simm.s32 $0x108;
	_ =	swait.ge @!p0 [sflag:s8], $0x0  }
0x24: {  	s3 =	sadd.s32 $0x88, s3;
	s6 =	simm.s32 @!p1 $0x1082;
	[sflag:s4] =	ssyncset.s32 $0xFFFFF086  }
0x25: {  	[simem:s6], [sflag:s4] =	dma.local [hbm:s3], $0xF7A  }
0x26: {  	[smem:$0x3F90] =	sst s1;
	(tag) =	ssettag s2;
	_ =	strace s9  }
0x27: {  	s1 =	sld [smem:$0x3FA0]  }
0x28: {  	s2 =	sld [smem:$0x3FA1]  }
0x29: {  	s4 =	sld [smem:$0x3FA3]  }
0x2a: {  	p0 =	seq.s32 s5, $0x0;
	s5 =	sld [smem:$0x3FA4]  }
0x2b: {  	s6 =	sld [smem:$0x3FA5]  }
0x2c: {  	s7 =	sld [smem:$0x3FA6]  }
0x2d: {  	s3 =	simm.s32 $0x108;
	s8 =	sld [smem:$0x3FA7]  }
0x2e: {  	s3 =	simm.s32 @!p0 $0x1082;
	s9 =	sld [smem:$0x3FA8]  }
0x2f: {  	lr =	sadd.s32 s0, s3;
	s0 =	sld [smem:$0x3F9F]  }
0x30: {  	s3 =	sld [smem:$0x3FA2]  }
0x31: {  	[smem:$0x3FAB] =	sst s10  }
0x32: {  	s10 =	sld [smem:$0x3FA9];
	_ =	sdelay $0x3  }
0x33: {  	p0 =	seq.s32 s10, $0x1;
	s10 =	sld [smem:$0x3FAB];
	_ =	sdelay $0x3  }
0x34: {  	[smem:$0x3FAB] =	sst s10  }
0x35: {  	s10 =	sld [smem:$0x3FAA];
	_ =	sdelay $0x3  }
0x36: {  	p1 =	seq.s32 s10, $0x1;
	s10 =	sld [smem:$0x3FAB];
	_ =	sdelay $0x3  }
0x37: {  	[smem:$0x3FAB] =	sst s10  }
0x38: {  	s10 =	sld [smem:$0x3FAC]  }
0x39: {  	_ = 	snop;
	(pc) =	sbr.ind lr, $3  }
0x3a: {  	_ = 	snop  }
0x3b: {  	_ = 	snop  }
0x3c: {  	p2 =	seq.s32 s10, $0x1;
	s10 =	sld [smem:$0x3FAB]  }
0x3d: {  	_ =	shalt  }
0x3e: {  	_ =	shalt  }
0x3f: {  	_ =	shalt  }
0x40: {  	_ =	shalt  }
0x41: {  	_ =	shalt  }
0x42: {  	_ =	shalt  }
0x43: {  	_ =	shalt  }
0x44: {  	_ =	shalt  }
0x45: {  	_ =	shalt  }
0x46: {  	_ =	shalt  }
0x47: {  	_ =	shalt  }
0x48: {  	_ =	shalt  }
0x49: {  	_ =	shalt  }
0x4a: {  	_ =	shalt  }
0x4b: {  	_ =	shalt  }
0x4c: {  	_ =	shalt  }
0x4d: {  	_ =	shalt  }
0x4e: {  	_ =	shalt  }
0x4f: {  	_ =	shalt  }
0x50: {  	_ =	shalt  }
0x51: {  	_ =	shalt  }
0x52: {  	_ =	shalt  }
0x53: {  	_ =	shalt  }
0x54: {  	_ =	shalt  }
0x55: {  	_ =	shalt  }
0x56: {  	_ =	shalt  }
0x57: {  	_ =	shalt  }
0x58: {  	_ =	shalt  }
0x59: {  	_ =	shalt  }
0x5a: {  	_ =	shalt  }
0x5b: {  	_ =	shalt  }
0x5c: {  	_ =	shalt  }
0x5d: {  	_ =	shalt  }
0x5e: {  	_ =	shalt  }
0x5f: {  	_ =	shalt  }
0x60: {  	_ =	shalt  }
0x61: {  	_ =	shalt  }
0x62: {  	_ =	shalt  }
0x63: {  	_ =	shalt  }
0x64: {  	_ =	shalt  }
0x65: {  	_ =	shalt  }
0x66: {  	_ =	shalt  }
0x67: {  	_ =	shalt  }
0x68: {  	_ =	shalt  }
0x69: {  	_ =	shalt  }
0x6a: {  	_ =	shalt  }
0x6b: {  	_ =	shalt  }
0x6c: {  	_ =	shalt  }
0x6d: {  	_ =	shalt  }
0x6e: {  	_ =	shalt  }
0x6f: {  	_ =	shalt  }
0x70: {  	_ =	shalt  }
0x71: {  	_ =	shalt  }
0x72: {  	_ =	shalt  }
0x73: {  	_ =	shalt  }
0x74: {  	_ =	shalt  }
0x75: {  	_ =	shalt  }
0x76: {  	_ =	shalt  }
0x77: {  	_ =	shalt  }
0x78: {  	_ =	shalt  }
0x79: {  	_ =	shalt  }
0x7a: {  	_ =	shalt  }
0x7b: {  	_ =	shalt  }
0x7c: {  	_ =	shalt  }
0x7d: {  	_ =	shalt  }
0x7e: {  	_ =	shalt  }
0x7f: {  	_ =	shalt  }
0x80: {  	_ =	shalt  }
0x81: {  	_ =	shalt  }
0x82: {  	_ =	shalt  }
0x83: {  	_ =	shalt  }
0x84: {  	_ =	shalt  }
0x85: {  	_ =	shalt  }
0x86: {  	_ =	shalt  }
0x87: {  	_ =	shalt  }
.Lfunc_end0:
.L_simem_size_0:
called_computation.1_lowered:
.L_overlay_start_0:
0x88: {  	s2 =	sld [smem:$0x3FD9]  }
0x89: {  	s3 =	sld [smem:$0x3FFE];
	_ =	sdelay $0x1  }
0x8a: {  	s1 =	srdreg.scid  }
0x8b: {  	s0 =	sand.u32 $0x1, s1  }
0x8c: {  	s16 =	sshll.u32 s0, $0xA;
	s2 =	sadd.s32 s3, s2  }
0x8d: {  	s2 =	sadd.s32 s2, s16  }
0x8e: {  	[smem:$0x3FB7] =	sst s2  }
0x8f: {  	_ = 	snop  }
0x90: {  	(tm) =	ssettm $0x1  }
0x91: {  	s17 =	sld [smem:$0x3FFB];
	_ =	sdelay $0x3  }
0x92: {  	_ =	strace s17  }
0x93: {  	s2 =	sld [smem:$0x3FFC];
	_ =	sdelay $0x3  }
0x94: {  	_ =	strace s2  }
0x95: {  	s2 =	sld [smem:$0x3FFD];
	_ =	sdelay $0x3  }
0x96: {  	_ =	strace s2  }
0x97: {  	_ =	strace $0x8FFFFFFF  }
0x98: {  	s18 =	sld [smem:$0x3FDB];
	_ =	sdelay $0x1  }
0x99: {  	s19 =	simm.s32 $_scs_section_size  }
0x9a: {  	s4 =	simm.s32 $_size__tile_overlayer_lowered;
	s5 =	simm.s32 $_tile_overlayer_lowered  }
0x9b: {  	s22 =	simm.s32 $0x1BFF;
	s21 =	sshll.u32 s5, $0x1;
	s2 =	sadd.s32 s19, s18  }
0x9c: {  	s6 =	simm.s32 $0x0;
	s20 =	sshll.u32 s4, $0x1;
	s4 =	sadd.s32 s21, s2  }
0x9d: {  	[timem:s6], [sflag:s22] =	dma.local [hbm:s4], s20  }
0x9e: {  	_ =	swait.ge [sflag:s22], s20  }
0x9f: {  	s3 =	ssub.s32 $0x0, s20;
	[sflag:s22] =	ssyncset.done $0x0  }
0xa0: {  	[sflag:s22] =	ssyncadd.s32 s3;
	_ =	sdelay $0x1  }
0xa1: {  	s23 =	simm.s32 $0x1B8B  }
0xa2: {  	_ =	swait.ge [sflag:s23], $0x1  }
0xa3: {  	[sflag:s23] =	ssyncset.done $0x0  }
0xa4: {  	s25 =	simm.s32 $0x1B8E;
	s24 =	sld [smem:$0x3FFE];
	[sflag:s23] =	ssyncadd.s32 $0xFFFFFFFF  }
0xa5: {  	s26 =	simm.s32 $execute0_lowered;
	[smem:$0x3FD2] =	sst s25  }
0xa6: {  	s4 =	sshll.u32 s26, $0x1;
	_ =	strace $0x80000049;
	[dreg:$0x1] =	wrdreg $0xFFFFFFFF  }
0xa7: {  	s28 =	simm.s32 $_size_execute0_lowered;
	s2 =	sadd.s32 s2, s4;
	[dreg:$0x0] =	wrdreg $0x0  }
0xa8: {  	s4 =	sshll.u32 s28, $0x1;
	[dreg:$0x2] =	wrdreg s2  }
0xa9: {  	[dreg:$0x3] =	wrdreg s4  }
0xaa: {  	[dreg:$0x4] =	wrdreg $0xC0  }
0xab: {  	_ =	task [dreg:s6], $0x5FFFF  }
0xac: {  	[dreg:$0x1] =	wrdreg $0xFFFFFFFF  }
0xad: {  	[dreg:$0x0] =	wrdreg $0x60  }
0xae: {  	[dreg:$0x2] =	wrdreg s24  }
0xaf: {  	[dreg:$0x3] =	wrdreg $0x120000  }
0xb0: {  	[dreg:$0x4] =	wrdreg $0x9  }
0xb1: {  	_ =	task.clear_ibuf [dreg:s6], $0x5FFFF;
	_ =	strace $0x90000049  }
0xb2: {  	s29 =	simm.s32 $0x9;
	_ =	strace $0x8000004B  }
0xb3: {  	_ =	swait.ge [sflag:s29], $0x1  }
0xb4: {  	[sflag:s29] =	ssyncadd.s32 $0xFFFFFFFF  }
0xb5: {  	_ =	strace $0x9000004B  }
0xb6: {  	_ =	sfence  }
0xb7: {  	s30 =	sld [smem:$0x0];
	_ =	sdelay $0x2  }
0xb8: {  	s31 =	sshll.u32 s1, $0xD;
	s1 =	sshrl.u32 s1, $0x2  }
0xb9: {  	s3 =	sand.u32 $0x4000, s31;
	s1 =	sadd.s32 s1, s30  }
0xba: {  	s0 =	sor.u32 s3, s0;
	s1 =	sshll.u32 s1, $0x11  }
0xbb: {  	s0 =	sor.u32 s1, s0  }
0xbc: {  	s0 =	sadd.s32 $0x8F2B, s0  }
0xbd: {  	[sflag:s0] =	ssyncadd.remote.s32 $0x1  }
0xbe: {  	_ =	sfence.sel $0xFFFF  }
0xbf: {  	[dreg:$0x0] =	wrdreg $0xFFFFFFFF;
	(pc) =	sbr.abs _section_cstart, $3  }
0xc0: {  	[dreg:$0x1] =	wrdreg $0xFFFFFFFF  }
0xc1: {  	_ =	task.clear_ibuf [dreg:s6], $0x2FFFF;
	_ =	strace $0x9FFFFFFF  }
0xc2: {  	(tm) =	ssettm $0x7FFFFFFF  }
0xc3: {  	_ =	shalt  }
tec
execute0_lowered:
.L_overlay_start_1:
0x0: {  	(tag) =	ssettag $0x1  }
0x1: {  	s0 =	rddreg [dreg:$0x0]  }
0x2: {  	s1 =	rddreg [dreg:$0x1];
	s2 =	simm.s32 $0x0;
	s3 =	srdreg.scid  }
0x3: {  	s7 =	stileid.u32;
	s18 =	simm.s32 $0x3;
	s28 =	simm.s32 $0xE000  }
0x4: {  	s29 =	simm.s32 $0x1;
	s30 =	simm.s32 $0x2;
	s19 =	smul.u32 $0x5000, s7  }
0x5: {  	s31 =	simm.s32 $0x0;
	[smem:$0x7FF] =	sst s2;
	s10 =	smul.u32 $0xA00, s7  }
0x6: {  	s3 =	sand.u32 $0x1, s3;
	s5 =	sadd.s32 $0x3C00, s0;
	s9 =	smul.u32 $0xA000, s7  }
0x7: {  	p0 =	seq.s32 s7, $0xF;
	s4 =	smul.u32 $0x14000, s3;
	s3 =	ssub.s32 $0x2, s3  }
0x8: {  	s7 =	sadd.s32 $0xD840, s0;
	_ =	strace $0x8000004A;
	s6 =	sshrl.u32 s3, $0x1  }
0x9: {  	[dreg:$0x3] =	wrdreg s10;
	s20 =	sadd.s32 s5, s10;
	s10 =	sadd.s32 s9, s1  }
0xa: {  	s22 =	sadd.s32 $0x2000, s9;
	s23 =	sadd.s32 $0x4000, s9;
	s24 =	sadd.s32 $0x6000, s9  }
0xb: {  	s16 =	sadd.s32 $0x8000, s9;
	s9 =	sshrl.u32 s9, $0x3;
	s8 =	sadd.s32 s4, s0  }
0xc: {  	s3 =	ssub.s32 s3, s6;
	s4 =	simm.s32 $0x32;
	s6 =	sshrl.u32 s19, $0x3  }
0xd: {  	[dreg:$0x4] =	wrdreg s20;
	s11 =	sadd.s32 s22, s1;
	s12 =	sadd.s32 s23, s1  }
0xe: {  	s13 =	sadd.s32 s24, s1;
	s14 =	sadd.s32 s16, s1;
	s16 =	sshrl.u32 s16, $0x3  }
0xf: {  	s4 =	simm.s32 @!p0 $0x50;
	s21 =	sadd.s32 $0x640, s6;
	s15 =	sadd.s32 $0x67600, s8  }
0x10: {  	s8 =	sadd.s32 $0x8F600, s8;
	s6 =	sshrl.u32 s24, $0x3;
	s3 =	smax.u32 s3, $0x1  }
0x11: {  	[dreg:$0x5] =	wrdreg s21;
	s0 =	sadd.s32 s5, s21;
	s17 =	sshrl.u32 s4, $0x1  }
0x12: {  	s5 =	sshrl.u32 s23, $0x3;
	[dreg:$0x7] =	wrdreg s3;
	s26 =	sadd.s32 s9, s8  }
0x13: {  	s23 =	sadd.s32 s6, s8;
	s24 =	sadd.s32 s16, s8;
	[dreg:$0x6] =	wrdreg s0  }
0x14: {  	s0 =	sshrl.u32 s22, $0x3;
	s25 =	sadd.s32 $0xFFFFFFFF, s17;
	[dreg:$0x9] =	wrdreg s26  }
0x15: {  	s22 =	sadd.s32 s5, s8;
	[dreg:$0x8] =	wrdreg s25;
	s0 =	sadd.s32 s0, s8  }
0x16: {  	v0 =	vimm.f32 $0.0e+00;
	s26 =	simm.s32 $0x100;
	s25 =	simm.s32 $0xA000;
	[dreg:$0xa] =	wrdreg s0  }
.LBB2_1:
0x17: {  	s0 =	rddreg [dreg:$0x4]  }
0x18: {  	[tilespmem:s2], [sflag:$0x3] =	stream.linear.gather [hbm4b:s0+s2], $0x3200, $0x38;
	[tilespmem:$0x1C000] =	vst v63  }
0x19: {  	_ =	swait.ge [sflag:s18], $0x3200  }
0x1a: {  	[sflag:s18] =	ssyncset.done $0x0;
	s17 =	rddreg [dreg:$0x3]  }
0x1b: {  	s3 =	simm.s32 $0x5000;
	[sflag:s18] =	ssyncadd.s32 $0xFFFFCE00;
	s0 =	sadd.s32 s17, s7  }
0x1c: {  	[tilespmem:s3], [sflag:$0x3] =	stream.linear.gather [hbm4b:s0+s2], $0x3200, $0x38;
	[tilespmem:$0x1C000] =	vst v63  }
0x1d: {  	_ =	swait.ge [sflag:s18], $0x3200  }
0x1e: {  	s0 =	simm.s32 @!p0 $0x0;
	[sflag:s18] =	ssyncset.done $0x0  }
0x1f: {  	s3 =	simm.s32 @!p0 $0x3200;
	s5 =	rddreg [dreg:$0x6];
	[sflag:s18] =	ssyncadd.s32 $0xFFFFCE00  }
0x20: {  	[tilespmem:s3], [sflag:$0x3] =	stream.linear.gather @!p0 [hbm4b:s5+s0], $0x1E00, $0x38;
	[tilespmem:$0x1C000] =	vst v63  }
0x21: {  	s3 =	simm.s32 @!p0 $0x3  }
0x22: {  	_ =	swait.ge @!p0 [sflag:s3], $0x1E00  }
0x23: {  	[sflag:s3] =	ssyncset.done @!p0 $0x0;
	s5 =	rddreg [dreg:$0x5]  }
0x24: {  	s6 =	simm.s32 @!p0 $0x8200;
	[sflag:s3] =	ssyncadd.s32 @!p0 $0xFFFFE200;
	s5 =	sadd.s32 @!p0 s5, s7  }
0x25: {  	[tilespmem:s6], [sflag:$0x3] =	stream.linear.gather @!p0 [hbm4b:s5+s0], $0x1E00, $0x38;
	[tilespmem:$0x1C000] =	vst v63  }
0x26: {  	s19 =	sand.u32 $0x7F00, s2;
	s20 =	sand.u32 $0x30, s2;
	_ =	swait.ge @!p0 [sflag:s3], $0x1E00  }
0x27: {  	s21 =	sshrl.u32 s19, $0x2;
	s0 =	simm.s32 $0x40;
	[sflag:s3] =	ssyncset.done @!p0 $0x0  }
0x28: {  	s5 =	sor.u32 s20, s21;
	[sflag:s3] =	ssyncadd.s32 @!p0 $0xFFFFE200;
	s3 =	simm.s32 $0x0  }
.LBB2_2:
0x29: {  	p1 =	sne.s32 s0, $0x7FC0  }
0x2a: {  	[tilespmem:s5+$0xA000] =	vst v0;
	s3 =	sadd.s32 $0x10, s3;
	s5 =	smov.u32 s0;
	s0 =	sadd.s32 $0x40, s0  }
.Ltmp0:
0x2b: {  	(pc) =	sbr.rel @p1 .LBB2_2-.Ltmp0, $4  }
0x2c: {  	_ = 	snop  }
0x2d: {  	s5 =	sand.u32 $0x7F00, s5  }
0x2e: {  	s6 =	sand.u32 $0x30, s3;
	s5 =	sshrl.u32 s5, $0x2  }
0x2f: {  	s5 =	sor.u32 s6, s5  }
0x30: {  	[tilespmem:s5+$0xA000] =	vst v0;
	s0 =	simm.s32 $0x3  }
0x31: {  	[spmem:s10] =	stream.linear.scatter [tilespmem:s25], [sflag:$0x3], $0x2000, $0x38;
	[tilespmem:$0x1C000] =	vst v63  }
0x32: {  	_ =	swait.ge [sflag:s0], $0x2000  }
0x33: {  	[sflag:s0] =	ssyncset.done $0x0  }
0x34: {  	[sflag:s0] =	ssyncadd.s32 $0xFFFFE000  }
0x35: {  	[spmem:s11] =	stream.linear.scatter [tilespmem:s25], [sflag:$0x3], $0x2000, $0x38;
	[tilespmem:$0x1C000] =	vst v63  }
0x36: {  	_ =	swait.ge [sflag:s0], $0x2000  }
0x37: {  	[sflag:s0] =	ssyncset.done $0x0  }
0x38: {  	[sflag:s0] =	ssyncadd.s32 $0xFFFFE000  }
0x39: {  	[spmem:s12] =	stream.linear.scatter [tilespmem:s25], [sflag:$0x3], $0x2000, $0x38;
	[tilespmem:$0x1C000] =	vst v63  }
0x3a: {  	_ =	swait.ge [sflag:s0], $0x2000  }
0x3b: {  	[sflag:s0] =	ssyncset.done $0x0  }
0x3c: {  	[sflag:s0] =	ssyncadd.s32 $0xFFFFE000  }
0x3d: {  	[spmem:s13] =	stream.linear.scatter [tilespmem:s25], [sflag:$0x3], $0x2000, $0x38;
	[tilespmem:$0x1C000] =	vst v63  }
0x3e: {  	_ =	swait.ge [sflag:s0], $0x2000  }
0x3f: {  	[sflag:s0] =	ssyncset.done $0x0  }
0x40: {  	[sflag:s0] =	ssyncadd.s32 $0xFFFFE000  }
0x41: {  	[spmem:s14] =	stream.linear.scatter [tilespmem:s25], [sflag:$0x3], $0x2000, $0x38;
	[tilespmem:$0x1C000] =	vst v63  }
0x42: {  	_ =	swait.ge [sflag:s0], $0x2000  }
0x43: {  	[sflag:s0] =	ssyncset.done $0x0  }
0x44: {  	[sflag:s0] =	ssyncadd.s32 $0xFFFFE000  }
0x45: {  	[bflag:$0x0] =	sbarrier.arrive $0xFFFF  }
0x46: {  	[tilespmem:s25], [sflag:$0x1] =	stream.indirect.gather [hbm4b:s15+s26], $0x40, s2, s26, $0xb8;
	[tilespmem:$0x1C000] =	vst v63  }
0x47: {  	_ = 	snop  }
0x48: {  	[tilespmem:s28], [sflag:$0x2] =	stream.indirect.gather [hbm4b:s15+s26], $0x40, s26, s26, $0xb8;
	[tilespmem:$0x1C000] =	vst v63  }
0x49: {  	_ =	swait.ge [sflag:s29], $0x4000  }
0x4a: {  	[sflag:s29] =	ssyncset.done $0x0  }
0x4b: {  	s20 =	simm.s32 $0x5000;
	[sflag:s29] =	ssyncadd.s32 $0xFFFFC000  }
0x4c: {  	[spmem:s1] =	stream.indirect.scatter.add.f32 [tilespmem:s25], [sflag:$0x3], $0x40, s20, s26, $0xb8;
	[tilespmem:$0x1C000] =	vst v63  }
0x4d: {  	p1 =	sle.u32 s4, $0x2;
	_ =	swait.ge [sflag:s18], $0x4000  }
0x4e: {  	s3 =	simm.s32 @!p1 $0x100;
	[sflag:s18] =	ssyncset.done $0x0  }
0x4f: {  	s5 =	simm.s32 @!p1 $0xA000;
	s0 =	simm.s32 @!p1 $0x200;
	[sflag:s18] =	ssyncadd.s32 $0xFFFFC000  }
0x50: {  	[tilespmem:s5], [sflag:$0x1] =	stream.indirect.gather @!p1 [hbm4b:s15+s3], $0x40, s0, s3, $0xb8;
	[tilespmem:$0x1C000] =	vst v63  }
0x51: {  	_ =	swait.ge [sflag:s30], $0x4000  }
0x52: {  	s21 =	rddreg [dreg:$0x8]  }
0x53: {  	s9 =	sadd.s32 $0xFFFFFFFF, s21  }
0x54: {  	s6 =	simm.s32 $0x5100;
	s19 =	simm.s32 $0x5300;
	p1 =	sne.s32 s9, $0x0  }
.Ltmp1:
0x55: {  	p2 =	sle.u32 s4, $0x3;
	[sflag:s30] =	ssyncset.done $0x0;
	(pc) =	sbr.rel @!p1 .LBB2_5-.Ltmp1, $4  }
0x56: {  	s8 =	simm.s32 $0x300;
	s16 =	simm.s32 @!p2 $0x100;
	[sflag:s30] =	ssyncadd.s32 $0xFFFFC000  }
0x57: {  	[spmem:s1] =	stream.indirect.scatter.add.f32 [tilespmem:s28], [sflag:$0x3], $0x40, s6, s26, $0xb8;
	[tilespmem:$0x1C000] =	vst v63  }
0x58: {  	s17 =	simm.s32 @!p2 $0xE000;
	s0 =	simm.s32 $0x300;
	_ =	swait.ge [sflag:s18], $0x4000  }
0x59: {  	s3 =	simm.s32 $0x5;
	s5 =	simm.s32 $0x300;
	[sflag:s18] =	ssyncset.done $0x0  }
.LBB2_4:
0x5a: {  	s5 =	smov.u32 s0;
	s6 =	smov.u32 s19  }
0x5b: {  	s9 =	sadd.s32 $0xFFFFFFFF, s9;
	s0 =	sadd.s32 $0x200, s0;
	[sflag:s18] =	ssyncadd.s32 $0xFFFFC000  }
0x5c: {  	[tilespmem:s17], [sflag:$0x2] =	stream.indirect.gather @!p2 [hbm4b:s15+s16], $0x40, s8, s16, $0xb8;
	[tilespmem:$0x1C000] =	vst v63  }
0x5d: {  	p1 =	sne.s32 s9, $0x0;
	s8 =	smov.u32 s0;
	_ =	swait.ge [sflag:s29], $0x4000  }
0x5e: {  	s16 =	sadd.s32 $0xFFFFFF00, s19;
	s17 =	smov.u32 s19;
	[sflag:s29] =	ssyncset.done $0x0  }
0x5f: {  	s20 =	sadd.s32 $0xFFFFFFFF, s3;
	[sflag:s29] =	ssyncadd.s32 $0xFFFFC000  }
0x60: {  	[spmem:s1] =	stream.indirect.scatter.add.f32 [tilespmem:s25], [sflag:$0x3], $0x40, s16, s26, $0xb8;
	[tilespmem:$0x1C000] =	vst v63  }
0x61: {  	p2 =	sge.u32 s20, s4;
	_ =	swait.ge [sflag:s18], $0x4000  }
0x62: {  	s20 =	simm.s32 @!p2 $0x100;
	s16 =	sadd.s32 @!p2 $0xFFFFFF00, s0;
	[sflag:s18] =	ssyncset.done $0x0  }
0x63: {  	s21 =	simm.s32 @!p2 $0xA000;
	[sflag:s18] =	ssyncadd.s32 $0xFFFFC000  }
0x64: {  	[tilespmem:s21], [sflag:$0x1] =	stream.indirect.gather @!p2 [hbm4b:s15+s20], $0x40, s16, s20, $0xb8;
	[tilespmem:$0x1C000] =	vst v63  }
0x65: {  	_ =	swait.ge [sflag:s30], $0x4000  }
.Ltmp2:
0x66: {  	[sflag:s30] =	ssyncset.done $0x0;
	(pc) =	sbr.rel @p1 .LBB2_4-.Ltmp2, $4  }
0x67: {  	s19 =	sadd.s32 $0x200, s19;
	[sflag:s30] =	ssyncadd.s32 $0xFFFFC000  }
0x68: {  	[spmem:s1] =	stream.indirect.scatter.add.f32 [tilespmem:s28], [sflag:$0x3], $0x40, s17, s26, $0xb8;
	[tilespmem:$0x1C000] =	vst v63  }
0x69: {  	p2 =	sge.u32 s3, s4;
	s3 =	sadd.s32 $0x2, s3;
	_ =	swait.ge [sflag:s18], $0x4000  }
0x6a: {  	s16 =	simm.s32 @!p2 $0x100;
	s17 =	simm.s32 @!p2 $0xE000;
	[sflag:s18] =	ssyncset.done $0x0  }
.LBB2_5:
0x6b: {  	[sflag:s18] =	ssyncadd.s32 $0xFFFFC000  }
0x6c: {  	[tilespmem:s17], [sflag:$0x2] =	stream.indirect.gather @!p2 [hbm4b:s15+s16], $0x40, s8, s16, $0xb8;
	[tilespmem:$0x1C000] =	vst v63  }
0x6d: {  	_ =	swait.ge [sflag:s29], $0x4000  }
0x6e: {  	[sflag:s29] =	ssyncset.done $0x0  }
0x6f: {  	s6 =	sadd.s32 $0x100, s6;
	s17 =	sadd.s32 $0xFFFFFFFF, s3;
	[sflag:s29] =	ssyncadd.s32 $0xFFFFC000  }
0x70: {  	[spmem:s1] =	stream.indirect.scatter.add.f32 [tilespmem:s25], [sflag:$0x3], $0x40, s6, s26, $0xb8;
	[tilespmem:$0x1C000] =	vst v63  }
0x71: {  	p1 =	sge.u32 s17, s4;
	_ =	swait.ge [sflag:s18], $0x4000  }
0x72: {  	s5 =	sadd.s32 @!p1 $0x100, s5;
	[sflag:s18] =	ssyncset.done $0x0  }
0x73: {  	s8 =	simm.s32 @!p1 $0xA000;
	s6 =	simm.s32 @!p1 $0x100;
	[sflag:s18] =	ssyncadd.s32 $0xFFFFC000  }
0x74: {  	[tilespmem:s8], [sflag:$0x1] =	stream.indirect.gather @!p1 [hbm4b:s15+s6], $0x40, s5, s6, $0xb8;
	[tilespmem:$0x1C000] =	vst v63  }
0x75: {  	_ =	swait.ge [sflag:s30], $0x4000  }
0x76: {  	[sflag:s30] =	ssyncset.done $0x0  }
0x77: {  	[sflag:s30] =	ssyncadd.s32 $0xFFFFC000  }
0x78: {  	[spmem:s1] =	stream.indirect.scatter.add.f32 [tilespmem:s28], [sflag:$0x3], $0x40, s19, s26, $0xb8;
	[tilespmem:$0x1C000] =	vst v63  }
0x79: {  	_ =	swait.ge [sflag:s18], $0x4000  }
0x7a: {  	s0 =	sadd.s32 $0x200, s0;
	p1 =	sge.u32 s3, s4;
	[sflag:s18] =	ssyncset.done $0x0  }
0x7b: {  	s3 =	simm.s32 @!p1 $0x100;
	s5 =	simm.s32 @!p1 $0xE000;
	[sflag:s18] =	ssyncadd.s32 $0xFFFFC000  }
0x7c: {  	[tilespmem:s5], [sflag:$0x2] =	stream.indirect.gather @!p1 [hbm4b:s15+s3], $0x40, s0, s3, $0xb8;
	[tilespmem:$0x1C000] =	vst v63  }
0x7d: {  	[bflag:$0x0] =	sbarrier.arrive $0xFFFF  }
0x7e: {  	[tilespmem:s25], [sflag:$0x3] =	stream.linear.gather [spmem:s10], $0x2000, $0x38;
	[tilespmem:$0x1C000] =	vst v63  }
0x7f: {  	_ =	swait.ge [sflag:s18], $0x2000  }
0x80: {  	[sflag:s18] =	ssyncset.done $0x0  }
0x81: {  	s19 =	rddreg [dreg:$0x9];
	[sflag:s18] =	ssyncadd.s32 $0xFFFFE000  }
0x82: {  	[hbm4b:s19+s2] =	stream.linear.scatter [tilespmem:s25], [sflag:$0x3], $0x2000, $0x38;
	[tilespmem:$0x1C000] =	vst v63  }
0x83: {  	_ =	swait.ge [sflag:s18], $0x2000  }
0x84: {  	[sflag:s18] =	ssyncset.done $0x0  }
0x85: {  	[sflag:s18] =	ssyncadd.s32 $0xFFFFE000  }
0x86: {  	[tilespmem:s25], [sflag:$0x3] =	stream.linear.gather [spmem:s11], $0x2000, $0x38;
	[tilespmem:$0x1C000] =	vst v63  }
0x87: {  	_ =	swait.ge [sflag:s18], $0x2000  }
0x88: {  	[sflag:s18] =	ssyncset.done $0x0  }
0x89: {  	s20 =	rddreg [dreg:$0xa];
	[sflag:s18] =	ssyncadd.s32 $0xFFFFE000  }
0x8a: {  	[hbm4b:s20+s2] =	stream.linear.scatter [tilespmem:s25], [sflag:$0x3], $0x2000, $0x38;
	[tilespmem:$0x1C000] =	vst v63  }
0x8b: {  	_ =	swait.ge [sflag:s18], $0x2000  }
0x8c: {  	[sflag:s18] =	ssyncset.done $0x0  }
0x8d: {  	[sflag:s18] =	ssyncadd.s32 $0xFFFFE000  }
0x8e: {  	[tilespmem:s25], [sflag:$0x3] =	stream.linear.gather [spmem:s12], $0x2000, $0x38;
	[tilespmem:$0x1C000] =	vst v63  }
0x8f: {  	_ =	swait.ge [sflag:s18], $0x2000  }
0x90: {  	[sflag:s18] =	ssyncset.done $0x0  }
0x91: {  	[sflag:s18] =	ssyncadd.s32 $0xFFFFE000  }
0x92: {  	[hbm4b:s22+s2] =	stream.linear.scatter [tilespmem:s25], [sflag:$0x3], $0x2000, $0x38;
	[tilespmem:$0x1C000] =	vst v63  }
0x93: {  	_ =	swait.ge [sflag:s18], $0x2000  }
0x94: {  	[sflag:s18] =	ssyncset.done $0x0  }
0x95: {  	[sflag:s18] =	ssyncadd.s32 $0xFFFFE000  }
0x96: {  	[tilespmem:s25], [sflag:$0x3] =	stream.linear.gather [spmem:s13], $0x2000, $0x38;
	[tilespmem:$0x1C000] =	vst v63  }
0x97: {  	_ =	swait.ge [sflag:s18], $0x2000  }
0x98: {  	[sflag:s18] =	ssyncset.done $0x0  }
0x99: {  	[sflag:s18] =	ssyncadd.s32 $0xFFFFE000  }
0x9a: {  	[hbm4b:s23+s2] =	stream.linear.scatter [tilespmem:s25], [sflag:$0x3], $0x2000, $0x38;
	[tilespmem:$0x1C000] =	vst v63  }
0x9b: {  	_ =	swait.ge [sflag:s18], $0x2000  }
0x9c: {  	[sflag:s18] =	ssyncset.done $0x0  }
0x9d: {  	[sflag:s18] =	ssyncadd.s32 $0xFFFFE000  }
0x9e: {  	[tilespmem:s25], [sflag:$0x3] =	stream.linear.gather [spmem:s14], $0x2000, $0x38;
	[tilespmem:$0x1C000] =	vst v63  }
0x9f: {  	_ =	swait.ge [sflag:s18], $0x2000  }
0xa0: {  	[sflag:s18] =	ssyncset.done $0x0  }
0xa1: {  	[sflag:s18] =	ssyncadd.s32 $0xFFFFE000  }
0xa2: {  	[hbm4b:s24+s2] =	stream.linear.scatter [tilespmem:s25], [sflag:$0x3], $0x2000, $0x38;
	[tilespmem:$0x1C000] =	vst v63  }
0xa3: {  	_ =	swait.ge [sflag:s18], $0x2000  }
0xa4: {  	s31 =	sadd.s32 $0x1, s31;
	s21 =	rddreg [dreg:$0x7]  }
0xa5: {  	p1 =	sne.s32 s31, s21  }
.Ltmp3:
0xa6: {  	_ = 	snop;
	(pc) =	sbr.rel @p1 .LBB2_1-.Ltmp3, $3  }
0xa7: {  	_ =	sdelay $0x1  }
0xa8: {  	[sflag:s18] =	ssyncset.done $0x0  }
0xa9: {  	[sflag:s18] =	ssyncadd.s32 $0xFFFFE000  }
0xaa: {  	_ =	sfence.sel $0x180000  }
0xab: {  	[bflag:$0x0] =	sbarrier.arrive $0xFFFF  }
0xac: {  	_ =	strace $0x9000004A  }
0xad: {  	s0 =	stileid.u32;
	[bflag:$0x2] =	sbarrier.arrive $0xFFFF  }
0xae: {  	p0 =	sne.s32 s0, $0x0;
	s0 =	rddreg [dreg:$0x2]  }
0xaf: {  	s0 =	sadd.s32 @!p0 $0x100000, s0  }
0xb0: {  	[sflag:s0] =	ssyncadd.tile.s32 @!p0 $0x1;
	_ =	shalt  }
.Lfunc_end2:
_tile_overlayer_lowered:
.L_overlay_start_2:
0xb1: {  	(tag) =	ssettag $0x2  }
0xb2: {  	s0 =	rddreg [dreg:$0x0];
	s2 =	stileid.u32  }
0xb3: {  	s1 =	rddreg [dreg:$0x1];
	p0 =	sne.s32 s2, $0x0  }
0xb4: {  	s3 =	rddreg [dreg:$0x2];
	[bflag:$0x3] =	sbarrier.arrive $0xFFFF;
	s2 =	simm.s32 @!p0 $0x1C03  }
0xb5: {  	[timem:s3], [sflag:s2] =	dma.local @!p0 [hbm:s0], s1  }
0xb6: {  	s0 =	simm.s32 @!p0 $0x3  }
0xb7: {  	_ =	swait.ge @!p0 [sflag:s0], s1  }
0xb8: {  	s1 =	ssub.s32 @!p0 $0x0, s1;
	[sflag:s0] =	ssyncset.done @!p0 $0x0  }
0xb9: {  	[sflag:s0] =	ssyncadd.s32 @!p0 s1  }
0xba: {  	[bflag:$0x3] =	sbarrier.arrive $0xFFFF  }
0xbb: {  	_ =	shalt  }

// kernel: kernel.14.cloned.1.call-start
scs
__scs_entry_jumppad:
0x0: {  	(pc) =	sbr.rel $0x88, $3  }
0x1: {  	(tag) =	ssettag $0x0;
	lr =	simm.s32 $0x1  }
0x2: {  	[smem:$0x3F90] =	sst lr;
	_ =	strace $0xD0000000  }
0x3: {  	_ = 	snop  }
0x4: {  	_ = 	snop  }
0x5: {  	_ = 	snop  }
0x6: {  	_ = 	snop  }
0x7: {  	_ = 	snop  }
__scs_overlays_trampoline_lowered:
0x8: {  	[smem:$0x3F9F] =	sst s0  }
0x9: {  	[smem:$0x3FA0] =	sst s1  }
0xa: {  	[smem:$0x3FA1] =	sst s2  }
0xb: {  	[smem:$0x3FA2] =	sst s3  }
0xc: {  	[smem:$0x3FA3] =	sst s4  }
0xd: {  	[smem:$0x3FA4] =	sst s5  }
0xe: {  	[smem:$0x3FA5] =	sst s6  }
0xf: {  	[smem:$0x3FA6] =	sst s7  }
0x10: {  	[smem:$0x3FA7] =	sst s8  }
0x11: {  	[smem:$0x3FA8] =	sst s9;
	s0 =	simm.s32 @!p0 $0x0  }
0x12: {  	s1 =	sld [smem:$0x3F8E];
	s0 =	simm.s32 @p0 $0x1  }
0x13: {  	[smem:$0x3FA9] =	sst s0;
	s0 =	simm.s32 @!p1 $0x0  }
0x14: {  	s2 =	sld [smem:$0x3F8D];
	s0 =	simm.s32 @p1 $0x1  }
0x15: {  	[smem:$0x3FAA] =	sst s0;
	s0 =	simm.s32 @!p2 $0x0  }
0x16: {  	s3 =	sld [smem:$0x3FDB];
	s0 =	simm.s32 @p2 $0x1  }
0x17: {  	s4 =	simm.s32 $0x1BF5;
	[smem:$0x3FAC] =	sst s0  }
0x18: {  	s0 =	sld [smem:$0x3F8F];
	_ =	swait.ge [sflag:s4], $0x0  }
0x19: {  	s7 =	sld [smem:$0x3F90]  }
0x1a: {  	s8 =	sadd.s32 $0xFFFFE003, lr  }
0x1b: {  	s9 =	sadd.s32 $0xFFFFFEF7, lr;
	s5 =	simm.s32 $0xFFFFFFFF;
	p2 =	slt.u32 s8, $0xFFFFF086  }
0x1c: {  	p1 =	slt.u32 s9, $0xF7A;
	s5 =	simm.s32 @!p2 $0x0  }
0x1d: {  	s5 =	simm.s32 @p1 $0x1;
	p0 =	seq.s32 s7, s2  }
0x1e: {  	s7 =	smul.u32 @!p0 $0xF7A, s2;
	p2 =	seq.s32 @!p0 s5, $0x0  }
0x1f: {  	s9 =	smul.u32 $0xF7A, s1;
	s8 =	simm.s32 @!p0 $0x1BF5;
	p2 =	por !p2, p0  }
0x20: {  	[sflag:s8] =	ssyncset.s32 @!p0 $0xFFFFF086;
	s6 =	sadd.s32 @!p0 s3, s7;
	s7 =	simm.s32 @!p0 $0x108  }
0x21: {  	s3 =	sadd.s32 s3, s9;
	s6 =	sadd.s32 @!p0 $0x88, s6;
	s7 =	simm.s32 @p2 $0x1082  }
0x22: {  	[simem:s7], [sflag:s8] =	dma.local @!p0 [hbm:s6], $0xF7A  }
0x23: {  	s9 =	sor.u32 $0xD0000000, s2;
	s6 =	simm.s32 $0x108;
	_ =	swait.ge @!p0 [sflag:s8], $0x0  }
0x24: {  	s3 =	sadd.s32 $0x88, s3;
	s6 =	simm.s32 @!p1 $0x1082;
	[sflag:s4] =	ssyncset.s32 $0xFFFFF086  }
0x25: {  	[simem:s6], [sflag:s4] =	dma.local [hbm:s3], $0xF7A  }
0x26: {  	[smem:$0x3F90] =	sst s1;
	(tag) =	ssettag s2;
	_ =	strace s9  }
0x27: {  	s1 =	sld [smem:$0x3FA0]  }
0x28: {  	s2 =	sld [smem:$0x3FA1]  }
0x29: {  	s4 =	sld [smem:$0x3FA3]  }
0x2a: {  	p0 =	seq.s32 s5, $0x0;
	s5 =	sld [smem:$0x3FA4]  }
0x2b: {  	s6 =	sld [smem:$0x3FA5]  }
0x2c: {  	s7 =	sld [smem:$0x3FA6]  }
0x2d: {  	s3 =	simm.s32 $0x108;
	s8 =	sld [smem:$0x3FA7]  }
0x2e: {  	s3 =	simm.s32 @!p0 $0x1082;
	s9 =	sld [smem:$0x3FA8]  }
0x2f: {  	lr =	sadd.s32 s0, s3;
	s0 =	sld [smem:$0x3F9F]  }
0x30: {  	s3 =	sld [smem:$0x3FA2]  }
0x31: {  	[smem:$0x3FAB] =	sst s10  }
0x32: {  	s10 =	sld [smem:$0x3FA9];
	_ =	sdelay $0x3  }
0x33: {  	p0 =	seq.s32 s10, $0x1;
	s10 =	sld [smem:$0x3FAB];
	_ =	sdelay $0x3  }
0x34: {  	[smem:$0x3FAB] =	sst s10  }
0x35: {  	s10 =	sld [smem:$0x3FAA];
	_ =	sdelay $0x3  }
0x36: {  	p1 =	seq.s32 s10, $0x1;
	s10 =	sld [smem:$0x3FAB];
	_ =	sdelay $0x3  }
0x37: {  	[smem:$0x3FAB] =	sst s10  }
0x38: {  	s10 =	sld [smem:$0x3FAC]  }
0x39: {  	_ = 	snop;
	(pc) =	sbr.ind lr, $3  }
0x3a: {  	_ = 	snop  }
0x3b: {  	_ = 	snop  }
0x3c: {  	p2 =	seq.s32 s10, $0x1;
	s10 =	sld [smem:$0x3FAB]  }
0x3d: {  	_ =	shalt  }
0x3e: {  	_ =	shalt  }
0x3f: {  	_ =	shalt  }
0x40: {  	_ =	shalt  }
0x41: {  	_ =	shalt  }
0x42: {  	_ =	shalt  }
0x43: {  	_ =	shalt  }
0x44: {  	_ =	shalt  }
0x45: {  	_ =	shalt  }
0x46: {  	_ =	shalt  }
0x47: {  	_ =	shalt  }
0x48: {  	_ =	shalt  }
0x49: {  	_ =	shalt  }
0x4a: {  	_ =	shalt  }
0x4b: {  	_ =	shalt  }
0x4c: {  	_ =	shalt  }
0x4d: {  	_ =	shalt  }
0x4e: {  	_ =	shalt  }
0x4f: {  	_ =	shalt  }
0x50: {  	_ =	shalt  }
0x51: {  	_ =	shalt  }
0x52: {  	_ =	shalt  }
0x53: {  	_ =	shalt  }
0x54: {  	_ =	shalt  }
0x55: {  	_ =	shalt  }
0x56: {  	_ =	shalt  }
0x57: {  	_ =	shalt  }
0x58: {  	_ =	shalt  }
0x59: {  	_ =	shalt  }
0x5a: {  	_ =	shalt  }
0x5b: {  	_ =	shalt  }
0x5c: {  	_ =	shalt  }
0x5d: {  	_ =	shalt  }
0x5e: {  	_ =	shalt  }
0x5f: {  	_ =	shalt  }
0x60: {  	_ =	shalt  }
0x61: {  	_ =	shalt  }
0x62: {  	_ =	shalt  }
0x63: {  	_ =	shalt  }
0x64: {  	_ =	shalt  }
0x65: {  	_ =	shalt  }
0x66: {  	_ =	shalt  }
0x67: {  	_ =	shalt  }
0x68: {  	_ =	shalt  }
0x69: {  	_ =	shalt  }
0x6a: {  	_ =	shalt  }
0x6b: {  	_ =	shalt  }
0x6c: {  	_ =	shalt  }
0x6d: {  	_ =	shalt  }
0x6e: {  	_ =	shalt  }
0x6f: {  	_ =	shalt  }
0x70: {  	_ =	shalt  }
0x71: {  	_ =	shalt  }
0x72: {  	_ =	shalt  }
0x73: {  	_ =	shalt  }
0x74: {  	_ =	shalt  }
0x75: {  	_ =	shalt  }
0x76: {  	_ =	shalt  }
0x77: {  	_ =	shalt  }
0x78: {  	_ =	shalt  }
0x79: {  	_ =	shalt  }
0x7a: {  	_ =	shalt  }
0x7b: {  	_ =	shalt  }
0x7c: {  	_ =	shalt  }
0x7d: {  	_ =	shalt  }
0x7e: {  	_ =	shalt  }
0x7f: {  	_ =	shalt  }
0x80: {  	_ =	shalt  }
0x81: {  	_ =	shalt  }
0x82: {  	_ =	shalt  }
0x83: {  	_ =	shalt  }
0x84: {  	_ =	shalt  }
0x85: {  	_ =	shalt  }
0x86: {  	_ =	shalt  }
0x87: {  	_ =	shalt  }
.Lfunc_end0:
.L_simem_size_0:
called_computation.2_lowered:
.L_overlay_start_0:
0x88: {  	s2 =	sld [smem:$0x3FD9]  }
0x89: {  	s3 =	sld [smem:$0x3FFE];
	_ =	sdelay $0x1  }
0x8a: {  	s1 =	srdreg.scid  }
0x8b: {  	s0 =	sand.u32 $0x1, s1  }
0x8c: {  	s16 =	sshll.u32 s0, $0xA;
	s2 =	sadd.s32 s3, s2  }
0x8d: {  	s2 =	sadd.s32 s2, s16  }
0x8e: {  	[smem:$0x3FB7] =	sst s2  }
0x8f: {  	_ = 	snop  }
0x90: {  	(tm) =	ssettm $0x1  }
0x91: {  	s17 =	sld [smem:$0x3FFB];
	_ =	sdelay $0x3  }
0x92: {  	_ =	strace s17  }
0x93: {  	s2 =	sld [smem:$0x3FFC];
	_ =	sdelay $0x3  }
0x94: {  	_ =	strace s2  }
0x95: {  	s2 =	sld [smem:$0x3FFD];
	_ =	sdelay $0x3  }
0x96: {  	_ =	strace s2  }
0x97: {  	_ =	strace $0x8FFFFFFF  }
0x98: {  	s18 =	sld [smem:$0x3FDB];
	_ =	sdelay $0x1  }
0x99: {  	s19 =	simm.s32 $_scs_section_size  }
0x9a: {  	s4 =	simm.s32 $_size__tile_overlayer_lowered;
	s5 =	simm.s32 $_tile_overlayer_lowered  }
0x9b: {  	s22 =	simm.s32 $0x1BFF;
	s21 =	sshll.u32 s5, $0x1;
	s2 =	sadd.s32 s19, s18  }
0x9c: {  	s6 =	simm.s32 $0x0;
	s20 =	sshll.u32 s4, $0x1;
	s4 =	sadd.s32 s21, s2  }
0x9d: {  	[timem:s6], [sflag:s22] =	dma.local [hbm:s4], s20  }
0x9e: {  	_ =	swait.ge [sflag:s22], s20  }
0x9f: {  	s3 =	ssub.s32 $0x0, s20;
	[sflag:s22] =	ssyncset.done $0x0  }
0xa0: {  	[sflag:s22] =	ssyncadd.s32 s3;
	_ =	sdelay $0x1  }
0xa1: {  	s23 =	simm.s32 $0x1B8B  }
0xa2: {  	_ =	swait.ge [sflag:s23], $0x1  }
0xa3: {  	[sflag:s23] =	ssyncset.done $0x0  }
0xa4: {  	s25 =	simm.s32 $0x1B8E;
	s24 =	sld [smem:$0x3FFE];
	[sflag:s23] =	ssyncadd.s32 $0xFFFFFFFF  }
0xa5: {  	s26 =	simm.s32 $execute0_lowered;
	[smem:$0x3FD2] =	sst s25  }
0xa6: {  	s4 =	sshll.u32 s26, $0x1;
	_ =	strace $0x8000004C;
	[dreg:$0x1] =	wrdreg $0xFFFFFFFF  }
0xa7: {  	s28 =	simm.s32 $_size_execute0_lowered;
	s2 =	sadd.s32 s2, s4;
	[dreg:$0x0] =	wrdreg $0x0  }
0xa8: {  	s4 =	sshll.u32 s28, $0x1;
	[dreg:$0x2] =	wrdreg s2  }
0xa9: {  	[dreg:$0x3] =	wrdreg s4  }
0xaa: {  	[dreg:$0x4] =	wrdreg $0xC0  }
0xab: {  	_ =	task [dreg:s6], $0x5FFFF  }
0xac: {  	[dreg:$0x1] =	wrdreg $0xFFFFFFFF  }
0xad: {  	[dreg:$0x0] =	wrdreg $0x60  }
0xae: {  	[dreg:$0x2] =	wrdreg s24  }
0xaf: {  	[dreg:$0x3] =	wrdreg $0xE0000  }
0xb0: {  	[dreg:$0x4] =	wrdreg $0x9  }
0xb1: {  	_ =	task.clear_ibuf [dreg:s6], $0x5FFFF;
	_ =	strace $0x9000004C  }
0xb2: {  	s29 =	simm.s32 $0x9;
	_ =	strace $0x8000004E  }
0xb3: {  	_ =	swait.ge [sflag:s29], $0x1  }
0xb4: {  	[sflag:s29] =	ssyncadd.s32 $0xFFFFFFFF  }
0xb5: {  	_ =	strace $0x9000004E  }
0xb6: {  	_ =	sfence  }
0xb7: {  	s30 =	sld [smem:$0x0];
	_ =	sdelay $0x2  }
0xb8: {  	s31 =	sshll.u32 s1, $0xD;
	s1 =	sshrl.u32 s1, $0x2  }
0xb9: {  	s3 =	sand.u32 $0x4000, s31;
	s1 =	sadd.s32 s1, s30  }
0xba: {  	s0 =	sor.u32 s3, s0;
	s1 =	sshll.u32 s1, $0x11  }
0xbb: {  	s0 =	sor.u32 s1, s0  }
0xbc: {  	s0 =	sadd.s32 $0x8F2B, s0  }
0xbd: {  	[sflag:s0] =	ssyncadd.remote.s32 $0x1  }
0xbe: {  	_ =	sfence.sel $0xFFFF  }
0xbf: {  	[dreg:$0x0] =	wrdreg $0xFFFFFFFF;
	(pc) =	sbr.abs _section_cstart, $3  }
0xc0: {  	[dreg:$0x1] =	wrdreg $0xFFFFFFFF  }
0xc1: {  	_ =	task.clear_ibuf [dreg:s6], $0x2FFFF;
	_ =	strace $0x9FFFFFFF  }
0xc2: {  	(tm) =	ssettm $0x7FFFFFFF  }
0xc3: {  	_ =	shalt  }
tec
execute0_lowered:
.L_overlay_start_1:
0x0: {  	(tag) =	ssettag $0x1  }
0x1: {  	s0 =	rddreg [dreg:$0x0]  }
0x2: {  	s1 =	rddreg [dreg:$0x1]  }
0x3: {  	s2 =	simm.s32 $0x0;
	s3 =	srdreg.scid;
	s8 =	stileid.u32  }
0x4: {  	s28 =	simm.s32 $0x100;
	s29 =	simm.s32 $0xC000;
	s30 =	simm.s32 $0x1  }
0x5: {  	s31 =	simm.s32 $0x2;
	[smem:$0x7FF] =	sst s2;
	s9 =	smul.u32 $0xA00, s8  }
0x6: {  	s3 =	sand.u32 $0x1, s3;
	s6 =	sadd.s32 $0x3C00, s0;
	s7 =	smul.u32 $0x5000, s8  }
0x7: {  	p0 =	seq.s32 s8, $0xF;
	s4 =	smul.u32 $0xA000, s3;
	s3 =	ssub.s32 $0x2, s3  }
0x8: {  	s8 =	sadd.s32 $0xD840, s0;
	_ =	strace $0x8000004D;
	s5 =	sshrl.u32 s3, $0x1  }
0x9: {  	[dreg:$0x3] =	wrdreg s9;
	s18 =	sadd.s32 s6, s9;
	s19 =	sshrl.u32 s7, $0x3  }
0xa: {  	s20 =	sadd.s32 $0x1000, s7;
	s11 =	sadd.s32 s7, s1;
	s21 =	sadd.s32 $0x2000, s7  }
0xb: {  	s22 =	sadd.s32 $0x3000, s7;
	s7 =	sadd.s32 $0x4000, s7;
	s4 =	sadd.s32 s4, s0  }
0xc: {  	s3 =	ssub.s32 s3, s5;
	s5 =	simm.s32 $0x32;
	[dreg:$0x4] =	wrdreg s18  }
0xd: {  	[dreg:$0x5] =	wrdreg s19;
	s9 =	sadd.s32 $0x640, s19;
	s12 =	sadd.s32 s20, s1  }
0xe: {  	s13 =	sadd.s32 s21, s1;
	s14 =	sadd.s32 s22, s1;
	s15 =	sadd.s32 s7, s1  }
0xf: {  	s0 =	sshrl.u32 s20, $0x3;
	s23 =	sshrl.u32 s21, $0x3;
	s24 =	sshrl.u32 s22, $0x3  }
0x10: {  	s7 =	sshrl.u32 s7, $0x3;
	s20 =	simm.s32 $0x3;
	s5 =	simm.s32 @!p0 $0x50  }
0x11: {  	[dreg:$0x6] =	wrdreg s9;
	s6 =	sadd.s32 s6, s9;
	s16 =	sadd.s32 $0x67600, s4  }
0x12: {  	s17 =	sadd.s32 $0x7B600, s4;
	s3 =	smax.u32 s3, $0x1;
	[dreg:$0x7] =	wrdreg s6  }
0x13: {  	s10 =	sshrl.u32 s5, $0x1;
	[dreg:$0x8] =	wrdreg s3;
	s0 =	sadd.s32 s0, s17  }
0x14: {  	s26 =	sadd.s32 s23, s17;
	s24 =	sadd.s32 s24, s17;
	[dreg:$0xa] =	wrdreg s0  }
0x15: {  	s25 =	sadd.s32 $0xFFFFFFFF, s10;
	[dreg:$0xb] =	wrdreg s26;
	s26 =	simm.s32 $0xA000  }
0x16: {  	v0 =	vimm.f32 $0.0e+00;
	s0 =	simm.s32 $0x0;
	[dreg:$0x9] =	wrdreg s25;
	s25 =	sadd.s32 s7, s17  }
.LBB2_1:
0x17: {  	s3 =	rddreg [dreg:$0x4]  }
0x18: {  	[tilespmem:s2], [sflag:$0x3] =	stream.linear.gather [hbm4b:s3+s2], $0x3200, $0x38;
	[tilespmem:$0x13000] =	vst v63  }
0x19: {  	_ =	swait.ge [sflag:s20], $0x3200  }
0x1a: {  	[sflag:s20] =	ssyncset.done $0x0;
	s19 =	rddreg [dreg:$0x3]  }
0x1b: {  	s4 =	simm.s32 $0x5000;
	[sflag:s20] =	ssyncadd.s32 $0xFFFFCE00;
	s3 =	sadd.s32 s19, s8  }
0x1c: {  	[tilespmem:s4], [sflag:$0x3] =	stream.linear.gather [hbm4b:s3+s2], $0x3200, $0x38;
	[tilespmem:$0x13000] =	vst v63  }
0x1d: {  	_ =	swait.ge [sflag:s20], $0x3200  }
0x1e: {  	s3 =	simm.s32 @!p0 $0x0;
	[sflag:s20] =	ssyncset.done $0x0  }
0x1f: {  	s4 =	simm.s32 @!p0 $0x3200;
	s6 =	rddreg [dreg:$0x7];
	[sflag:s20] =	ssyncadd.s32 $0xFFFFCE00  }
0x20: {  	[tilespmem:s4], [sflag:$0x3] =	stream.linear.gather @!p0 [hbm4b:s6+s3], $0x1E00, $0x38;
	[tilespmem:$0x13000] =	vst v63  }
0x21: {  	s4 =	simm.s32 @!p0 $0x3  }
0x22: {  	_ =	swait.ge @!p0 [sflag:s4], $0x1E00  }
0x23: {  	[sflag:s4] =	ssyncset.done @!p0 $0x0;
	s6 =	rddreg [dreg:$0x6]  }
0x24: {  	s7 =	simm.s32 @!p0 $0x8200;
	[sflag:s4] =	ssyncadd.s32 @!p0 $0xFFFFE200;
	s6 =	sadd.s32 @!p0 s6, s8  }
0x25: {  	[tilespmem:s7], [sflag:$0x3] =	stream.linear.gather @!p0 [hbm4b:s6+s3], $0x1E00, $0x38;
	[tilespmem:$0x13000] =	vst v63  }
0x26: {  	s21 =	sand.u32 $0x3F80, s2;
	s22 =	sand.u32 $0x10, s2;
	_ =	swait.ge @!p0 [sflag:s4], $0x1E00  }
0x27: {  	s23 =	sshrl.u32 s21, $0x2;
	s3 =	simm.s32 $0x40;
	[sflag:s4] =	ssyncset.done @!p0 $0x0  }
0x28: {  	s6 =	sor.u32 s22, s23;
	[sflag:s4] =	ssyncadd.s32 @!p0 $0xFFFFE200;
	s4 =	simm.s32 $0x0  }
.LBB2_2:
0x29: {  	p1 =	sne.s32 s3, $0x3FC0  }
0x2a: {  	[tilespmem:s6+$0xA000] =	vst v0;
	s4 =	sadd.s32 $0x10, s4;
	s6 =	smov.u32 s3;
	s3 =	sadd.s32 $0x40, s3  }
.Ltmp0:
0x2b: {  	(pc) =	sbr.rel @p1 .LBB2_2-.Ltmp0, $4  }
0x2c: {  	_ = 	snop  }
0x2d: {  	s6 =	sand.u32 $0x3F80, s6  }
0x2e: {  	s7 =	sand.u32 $0x10, s4;
	s6 =	sshrl.u32 s6, $0x2  }
0x2f: {  	s6 =	sor.u32 s7, s6  }
0x30: {  	[tilespmem:s6+$0xA000] =	vst v0;
	s3 =	simm.s32 $0x3  }
0x31: {  	[spmem:s11] =	stream.linear.scatter [tilespmem:s26], [sflag:$0x3], $0x1000, $0x38;
	[tilespmem:$0x13000] =	vst v63  }
0x32: {  	_ =	swait.ge [sflag:s3], $0x1000  }
0x33: {  	[sflag:s3] =	ssyncset.done $0x0  }
0x34: {  	[sflag:s3] =	ssyncadd.s32 $0xFFFFF000  }
0x35: {  	[spmem:s12] =	stream.linear.scatter [tilespmem:s26], [sflag:$0x3], $0x1000, $0x38;
	[tilespmem:$0x13000] =	vst v63  }
0x36: {  	_ =	swait.ge [sflag:s3], $0x1000  }
0x37: {  	[sflag:s3] =	ssyncset.done $0x0  }
0x38: {  	[sflag:s3] =	ssyncadd.s32 $0xFFFFF000  }
0x39: {  	[spmem:s13] =	stream.linear.scatter [tilespmem:s26], [sflag:$0x3], $0x1000, $0x38;
	[tilespmem:$0x13000] =	vst v63  }
0x3a: {  	_ =	swait.ge [sflag:s3], $0x1000  }
0x3b: {  	[sflag:s3] =	ssyncset.done $0x0  }
0x3c: {  	[sflag:s3] =	ssyncadd.s32 $0xFFFFF000  }
0x3d: {  	[spmem:s14] =	stream.linear.scatter [tilespmem:s26], [sflag:$0x3], $0x1000, $0x38;
	[tilespmem:$0x13000] =	vst v63  }
0x3e: {  	_ =	swait.ge [sflag:s3], $0x1000  }
0x3f: {  	[sflag:s3] =	ssyncset.done $0x0  }
0x40: {  	[sflag:s3] =	ssyncadd.s32 $0xFFFFF000  }
0x41: {  	[spmem:s15] =	stream.linear.scatter [tilespmem:s26], [sflag:$0x3], $0x1000, $0x38;
	[tilespmem:$0x13000] =	vst v63  }
0x42: {  	_ =	swait.ge [sflag:s3], $0x1000  }
0x43: {  	[sflag:s3] =	ssyncset.done $0x0  }
0x44: {  	[sflag:s3] =	ssyncadd.s32 $0xFFFFF000  }
0x45: {  	[bflag:$0x0] =	sbarrier.arrive $0xFFFF  }
0x46: {  	[tilespmem:s26], [sflag:$0x1] =	stream.indirect.gather [hbm4b:s16+s28], $0x20, s2, s28, $0xb8;
	[tilespmem:$0x13000] =	vst v63  }
0x47: {  	_ = 	snop  }
0x48: {  	[tilespmem:s29], [sflag:$0x2] =	stream.indirect.gather [hbm4b:s16+s28], $0x20, s28, s28, $0xb8;
	[tilespmem:$0x13000] =	vst v63  }
0x49: {  	_ =	swait.ge [sflag:s30], $0x2000  }
0x4a: {  	[sflag:s30] =	ssyncset.done $0x0  }
0x4b: {  	s22 =	simm.s32 $0x5000;
	[sflag:s30] =	ssyncadd.s32 $0xFFFFE000  }
0x4c: {  	[spmem:s1] =	stream.indirect.scatter.add.f32 [tilespmem:s26], [sflag:$0x3], $0x20, s22, s28, $0xb8;
	[tilespmem:$0x13000] =	vst v63  }
0x4d: {  	p1 =	sle.u32 s5, $0x2;
	_ =	swait.ge [sflag:s20], $0x2000  }
0x4e: {  	s4 =	simm.s32 @!p1 $0x100;
	[sflag:s20] =	ssyncset.done $0x0  }
0x4f: {  	s6 =	simm.s32 @!p1 $0xA000;
	s3 =	simm.s32 @!p1 $0x200;
	[sflag:s20] =	ssyncadd.s32 $0xFFFFE000  }
0x50: {  	[tilespmem:s6], [sflag:$0x1] =	stream.indirect.gather @!p1 [hbm4b:s16+s4], $0x20, s3, s4, $0xb8;
	[tilespmem:$0x13000] =	vst v63  }
0x51: {  	_ =	swait.ge [sflag:s31], $0x2000  }
0x52: {  	s23 =	rddreg [dreg:$0x9]  }
0x53: {  	s10 =	sadd.s32 $0xFFFFFFFF, s23  }
0x54: {  	p2 =	sle.u32 s5, $0x3;
	s21 =	simm.s32 $0x5;
	p1 =	sne.s32 s10, $0x0  }
.Ltmp1:
0x55: {  	s9 =	simm.s32 $0x300;
	[sflag:s31] =	ssyncset.done $0x0;
	(pc) =	sbr.rel @!p1 .LBB2_5-.Ltmp1, $4  }
0x56: {  	s7 =	simm.s32 $0x300;
	s4 =	simm.s32 $0x5100;
	[sflag:s31] =	ssyncadd.s32 $0xFFFFE000  }
0x57: {  	[spmem:s1] =	stream.indirect.scatter.add.f32 [tilespmem:s29], [sflag:$0x3], $0x20, s4, s28, $0xb8;
	[tilespmem:$0x13000] =	vst v63  }
0x58: {  	s18 =	simm.s32 @!p2 $0x100;
	s19 =	simm.s32 @!p2 $0xC000;
	_ =	swait.ge [sflag:s20], $0x2000  }
0x59: {  	s3 =	simm.s32 $0x300;
	s6 =	simm.s32 $0x5300;
	[sflag:s20] =	ssyncset.done $0x0  }
.LBB2_4:
0x5a: {  	s7 =	smov.u32 s3;
	s4 =	smov.u32 s6  }
0x5b: {  	s10 =	sadd.s32 $0xFFFFFFFF, s10;
	s3 =	sadd.s32 $0x200, s3;
	[sflag:s20] =	ssyncadd.s32 $0xFFFFE000  }
0x5c: {  	[tilespmem:s19], [sflag:$0x2] =	stream.indirect.gather @!p2 [hbm4b:s16+s18], $0x20, s9, s18, $0xb8;
	[tilespmem:$0x13000] =	vst v63  }
0x5d: {  	p1 =	sne.s32 s10, $0x0;
	s9 =	smov.u32 s3;
	_ =	swait.ge [sflag:s30], $0x2000  }
0x5e: {  	s18 =	sadd.s32 $0xFFFFFF00, s6;
	s19 =	smov.u32 s6;
	[sflag:s30] =	ssyncset.done $0x0  }
0x5f: {  	s22 =	sadd.s32 $0xFFFFFFFF, s21;
	[sflag:s30] =	ssyncadd.s32 $0xFFFFE000  }
0x60: {  	[spmem:s1] =	stream.indirect.scatter.add.f32 [tilespmem:s26], [sflag:$0x3], $0x20, s18, s28, $0xb8;
	[tilespmem:$0x13000] =	vst v63  }
0x61: {  	p2 =	sge.u32 s22, s5;
	_ =	swait.ge [sflag:s20], $0x2000  }
0x62: {  	s22 =	simm.s32 @!p2 $0x100;
	s18 =	sadd.s32 @!p2 $0xFFFFFF00, s3;
	[sflag:s20] =	ssyncset.done $0x0  }
0x63: {  	s23 =	simm.s32 @!p2 $0xA000;
	[sflag:s20] =	ssyncadd.s32 $0xFFFFE000  }
0x64: {  	[tilespmem:s23], [sflag:$0x1] =	stream.indirect.gather @!p2 [hbm4b:s16+s22], $0x20, s18, s22, $0xb8;
	[tilespmem:$0x13000] =	vst v63  }
0x65: {  	_ =	swait.ge [sflag:s31], $0x2000  }
.Ltmp2:
0x66: {  	[sflag:s31] =	ssyncset.done $0x0;
	(pc) =	sbr.rel @p1 .LBB2_4-.Ltmp2, $4  }
0x67: {  	s6 =	sadd.s32 $0x200, s6;
	[sflag:s31] =	ssyncadd.s32 $0xFFFFE000  }
0x68: {  	[spmem:s1] =	stream.indirect.scatter.add.f32 [tilespmem:s29], [sflag:$0x3], $0x20, s19, s28, $0xb8;
	[tilespmem:$0x13000] =	vst v63  }
0x69: {  	p2 =	sge.u32 s21, s5;
	s21 =	sadd.s32 $0x2, s21;
	_ =	swait.ge [sflag:s20], $0x2000  }
0x6a: {  	s18 =	simm.s32 @!p2 $0x100;
	s19 =	simm.s32 @!p2 $0xC000;
	[sflag:s20] =	ssyncset.done $0x0  }
.LBB2_5:
0x6b: {  	[sflag:s20] =	ssyncadd.s32 $0xFFFFE000  }
0x6c: {  	[tilespmem:s19], [sflag:$0x2] =	stream.indirect.gather @!p2 [hbm4b:s16+s18], $0x20, s9, s18, $0xb8;
	[tilespmem:$0x13000] =	vst v63  }
0x6d: {  	_ =	swait.ge [sflag:s30], $0x2000  }
0x6e: {  	[sflag:s30] =	ssyncset.done $0x0  }
0x6f: {  	s4 =	sadd.s32 $0x100, s4;
	s18 =	sadd.s32 $0xFFFFFFFF, s21;
	[sflag:s30] =	ssyncadd.s32 $0xFFFFE000  }
0x70: {  	[spmem:s1] =	stream.indirect.scatter.add.f32 [tilespmem:s26], [sflag:$0x3], $0x20, s4, s28, $0xb8;
	[tilespmem:$0x13000] =	vst v63  }
0x71: {  	p1 =	sge.u32 s18, s5;
	_ =	swait.ge [sflag:s20], $0x2000  }
0x72: {  	s9 =	simm.s32 @!p1 $0xA000;
	[sflag:s20] =	ssyncset.done $0x0  }
0x73: {  	s4 =	sadd.s32 @!p1 $0x100, s7;
	s7 =	simm.s32 @!p1 $0x100;
	[sflag:s20] =	ssyncadd.s32 $0xFFFFE000  }
0x74: {  	[tilespmem:s9], [sflag:$0x1] =	stream.indirect.gather @!p1 [hbm4b:s16+s7], $0x20, s4, s7, $0xb8;
	[tilespmem:$0x13000] =	vst v63  }
0x75: {  	_ =	swait.ge [sflag:s31], $0x2000  }
0x76: {  	[sflag:s31] =	ssyncset.done $0x0  }
0x77: {  	[sflag:s31] =	ssyncadd.s32 $0xFFFFE000  }
0x78: {  	[spmem:s1] =	stream.indirect.scatter.add.f32 [tilespmem:s29], [sflag:$0x3], $0x20, s6, s28, $0xb8;
	[tilespmem:$0x13000] =	vst v63  }
0x79: {  	_ =	swait.ge [sflag:s20], $0x2000  }
0x7a: {  	s3 =	sadd.s32 $0x200, s3;
	p1 =	sge.u32 s21, s5;
	[sflag:s20] =	ssyncset.done $0x0  }
0x7b: {  	s4 =	simm.s32 @!p1 $0x100;
	s6 =	simm.s32 @!p1 $0xC000;
	[sflag:s20] =	ssyncadd.s32 $0xFFFFE000  }
0x7c: {  	[tilespmem:s6], [sflag:$0x2] =	stream.indirect.gather @!p1 [hbm4b:s16+s4], $0x20, s3, s4, $0xb8;
	[tilespmem:$0x13000] =	vst v63  }
0x7d: {  	[bflag:$0x0] =	sbarrier.arrive $0xFFFF  }
0x7e: {  	[tilespmem:s26], [sflag:$0x3] =	stream.linear.gather [spmem:s11], $0x1000, $0x38;
	[tilespmem:$0x13000] =	vst v63  }
0x7f: {  	_ =	swait.ge [sflag:s20], $0x1000  }
0x80: {  	[sflag:s20] =	ssyncset.done $0x0;
	s19 =	rddreg [dreg:$0x5]  }
0x81: {  	[sflag:s20] =	ssyncadd.s32 $0xFFFFF000;
	s3 =	sadd.s32 s19, s17  }
0x82: {  	[hbm4b:s3+s2] =	stream.linear.scatter [tilespmem:s26], [sflag:$0x3], $0x1000, $0x38;
	[tilespmem:$0x13000] =	vst v63  }
0x83: {  	_ =	swait.ge [sflag:s20], $0x1000  }
0x84: {  	[sflag:s20] =	ssyncset.done $0x0  }
0x85: {  	[sflag:s20] =	ssyncadd.s32 $0xFFFFF000  }
0x86: {  	[tilespmem:s26], [sflag:$0x3] =	stream.linear.gather [spmem:s12], $0x1000, $0x38;
	[tilespmem:$0x13000] =	vst v63  }
0x87: {  	_ =	swait.ge [sflag:s20], $0x1000  }
0x88: {  	[sflag:s20] =	ssyncset.done $0x0  }
0x89: {  	s21 =	rddreg [dreg:$0xa];
	[sflag:s20] =	ssyncadd.s32 $0xFFFFF000  }
0x8a: {  	[hbm4b:s21+s2] =	stream.linear.scatter [tilespmem:s26], [sflag:$0x3], $0x1000, $0x38;
	[tilespmem:$0x13000] =	vst v63  }
0x8b: {  	_ =	swait.ge [sflag:s20], $0x1000  }
0x8c: {  	[sflag:s20] =	ssyncset.done $0x0  }
0x8d: {  	[sflag:s20] =	ssyncadd.s32 $0xFFFFF000  }
0x8e: {  	[tilespmem:s26], [sflag:$0x3] =	stream.linear.gather [spmem:s13], $0x1000, $0x38;
	[tilespmem:$0x13000] =	vst v63  }
0x8f: {  	_ =	swait.ge [sflag:s20], $0x1000  }
0x90: {  	[sflag:s20] =	ssyncset.done $0x0  }
0x91: {  	s22 =	rddreg [dreg:$0xb];
	[sflag:s20] =	ssyncadd.s32 $0xFFFFF000  }
0x92: {  	[hbm4b:s22+s2] =	stream.linear.scatter [tilespmem:s26], [sflag:$0x3], $0x1000, $0x38;
	[tilespmem:$0x13000] =	vst v63  }
0x93: {  	_ =	swait.ge [sflag:s20], $0x1000  }
0x94: {  	[sflag:s20] =	ssyncset.done $0x0  }
0x95: {  	[sflag:s20] =	ssyncadd.s32 $0xFFFFF000  }
0x96: {  	[tilespmem:s26], [sflag:$0x3] =	stream.linear.gather [spmem:s14], $0x1000, $0x38;
	[tilespmem:$0x13000] =	vst v63  }
0x97: {  	_ =	swait.ge [sflag:s20], $0x1000  }
0x98: {  	[sflag:s20] =	ssyncset.done $0x0  }
0x99: {  	[sflag:s20] =	ssyncadd.s32 $0xFFFFF000  }
0x9a: {  	[hbm4b:s24+s2] =	stream.linear.scatter [tilespmem:s26], [sflag:$0x3], $0x1000, $0x38;
	[tilespmem:$0x13000] =	vst v63  }
0x9b: {  	_ =	swait.ge [sflag:s20], $0x1000  }
0x9c: {  	[sflag:s20] =	ssyncset.done $0x0  }
0x9d: {  	[sflag:s20] =	ssyncadd.s32 $0xFFFFF000  }
0x9e: {  	[tilespmem:s26], [sflag:$0x3] =	stream.linear.gather [spmem:s15], $0x1000, $0x38;
	[tilespmem:$0x13000] =	vst v63  }
0x9f: {  	_ =	swait.ge [sflag:s20], $0x1000  }
0xa0: {  	[sflag:s20] =	ssyncset.done $0x0  }
0xa1: {  	[sflag:s20] =	ssyncadd.s32 $0xFFFFF000  }
0xa2: {  	[hbm4b:s25+s2] =	stream.linear.scatter [tilespmem:s26], [sflag:$0x3], $0x1000, $0x38;
	[tilespmem:$0x13000] =	vst v63  }
0xa3: {  	_ =	swait.ge [sflag:s20], $0x1000  }
0xa4: {  	s0 =	sadd.s32 $0x1, s0;
	s23 =	rddreg [dreg:$0x8]  }
0xa5: {  	p1 =	sne.s32 s0, s23  }
.Ltmp3:
0xa6: {  	_ = 	snop;
	(pc) =	sbr.rel @p1 .LBB2_1-.Ltmp3, $3  }
0xa7: {  	_ =	sdelay $0x1  }
0xa8: {  	[sflag:s20] =	ssyncset.done $0x0  }
0xa9: {  	[sflag:s20] =	ssyncadd.s32 $0xFFFFF000  }
0xaa: {  	_ =	sfence.sel $0x180000  }
0xab: {  	[bflag:$0x0] =	sbarrier.arrive $0xFFFF  }
0xac: {  	_ =	strace $0x9000004D  }
0xad: {  	s0 =	stileid.u32;
	[bflag:$0x2] =	sbarrier.arrive $0xFFFF  }
0xae: {  	p0 =	sne.s32 s0, $0x0;
	s0 =	rddreg [dreg:$0x2]  }
0xaf: {  	s0 =	sadd.s32 @!p0 $0x100000, s0  }
0xb0: {  	[sflag:s0] =	ssyncadd.tile.s32 @!p0 $0x1;
	_ =	shalt  }
.Lfunc_end2:
_tile_overlayer_lowered:
.L_overlay_start_2:
0xb1: {  	(tag) =	ssettag $0x2  }
0xb2: {  	s0 =	rddreg [dreg:$0x0];
	s2 =	stileid.u32  }
0xb3: {  	s1 =	rddreg [dreg:$0x1];
	p0 =	sne.s32 s2, $0x0  }
0xb4: {  	s3 =	rddreg [dreg:$0x2];
	[bflag:$0x3] =	sbarrier.arrive $0xFFFF;
	s2 =	simm.s32 @!p0 $0x1C03  }
0xb5: {  	[timem:s3], [sflag:s2] =	dma.local @!p0 [hbm:s0], s1  }
0xb6: {  	s0 =	simm.s32 @!p0 $0x3  }
0xb7: {  	_ =	swait.ge @!p0 [sflag:s0], s1  }
0xb8: {  	s1 =	ssub.s32 @!p0 $0x0, s1;
	[sflag:s0] =	ssyncset.done @!p0 $0x0  }
0xb9: {  	[sflag:s0] =	ssyncadd.s32 @!p0 s1  }
0xba: {  	[bflag:$0x3] =	sbarrier.arrive $0xFFFF  }
0xbb: {  	_ =	shalt  }

// kernel: kernel.8.cloned.1.call-start
scs
__scs_entry_jumppad:
0x0: {  	(pc) =	sbr.rel $0x88, $3  }
0x1: {  	(tag) =	ssettag $0x0;
	lr =	simm.s32 $0x1  }
0x2: {  	[smem:$0x3F90] =	sst lr;
	_ =	strace $0xD0000000  }
0x3: {  	_ = 	snop  }
0x4: {  	_ = 	snop  }
0x5: {  	_ = 	snop  }
0x6: {  	_ = 	snop  }
0x7: {  	_ = 	snop  }
__scs_overlays_trampoline_lowered:
0x8: {  	[smem:$0x3F9F] =	sst s0  }
0x9: {  	[smem:$0x3FA0] =	sst s1  }
0xa: {  	[smem:$0x3FA1] =	sst s2  }
0xb: {  	[smem:$0x3FA2] =	sst s3  }
0xc: {  	[smem:$0x3FA3] =	sst s4  }
0xd: {  	[smem:$0x3FA4] =	sst s5  }
0xe: {  	[smem:$0x3FA5] =	sst s6  }
0xf: {  	[smem:$0x3FA6] =	sst s7  }
0x10: {  	[smem:$0x3FA7] =	sst s8  }
0x11: {  	[smem:$0x3FA8] =	sst s9;
	s0 =	simm.s32 @!p0 $0x0  }
0x12: {  	s1 =	sld [smem:$0x3F8E];
	s0 =	simm.s32 @p0 $0x1  }
0x13: {  	[smem:$0x3FA9] =	sst s0;
	s0 =	simm.s32 @!p1 $0x0  }
0x14: {  	s2 =	sld [smem:$0x3F8D];
	s0 =	simm.s32 @p1 $0x1  }
0x15: {  	[smem:$0x3FAA] =	sst s0;
	s0 =	simm.s32 @!p2 $0x0  }
0x16: {  	s3 =	sld [smem:$0x3FDB];
	s0 =	simm.s32 @p2 $0x1  }
0x17: {  	s4 =	simm.s32 $0x1BF5;
	[smem:$0x3FAC] =	sst s0  }
0x18: {  	s0 =	sld [smem:$0x3F8F];
	_ =	swait.ge [sflag:s4], $0x0  }
0x19: {  	s7 =	sld [smem:$0x3F90]  }
0x1a: {  	s8 =	sadd.s32 $0xFFFFE003, lr  }
0x1b: {  	s9 =	sadd.s32 $0xFFFFFEF7, lr;
	s5 =	simm.s32 $0xFFFFFFFF;
	p2 =	slt.u32 s8, $0xFFFFF086  }
0x1c: {  	p1 =	slt.u32 s9, $0xF7A;
	s5 =	simm.s32 @!p2 $0x0  }
0x1d: {  	s5 =	simm.s32 @p1 $0x1;
	p0 =	seq.s32 s7, s2  }
0x1e: {  	s7 =	smul.u32 @!p0 $0xF7A, s2;
	p2 =	seq.s32 @!p0 s5, $0x0  }
0x1f: {  	s9 =	smul.u32 $0xF7A, s1;
	s8 =	simm.s32 @!p0 $0x1BF5;
	p2 =	por !p2, p0  }
0x20: {  	[sflag:s8] =	ssyncset.s32 @!p0 $0xFFFFF086;
	s6 =	sadd.s32 @!p0 s3, s7;
	s7 =	simm.s32 @!p0 $0x108  }
0x21: {  	s3 =	sadd.s32 s3, s9;
	s6 =	sadd.s32 @!p0 $0x88, s6;
	s7 =	simm.s32 @p2 $0x1082  }
0x22: {  	[simem:s7], [sflag:s8] =	dma.local @!p0 [hbm:s6], $0xF7A  }
0x23: {  	s9 =	sor.u32 $0xD0000000, s2;
	s6 =	simm.s32 $0x108;
	_ =	swait.ge @!p0 [sflag:s8], $0x0  }
0x24: {  	s3 =	sadd.s32 $0x88, s3;
	s6 =	simm.s32 @!p1 $0x1082;
	[sflag:s4] =	ssyncset.s32 $0xFFFFF086  }
0x25: {  	[simem:s6], [sflag:s4] =	dma.local [hbm:s3], $0xF7A  }
0x26: {  	[smem:$0x3F90] =	sst s1;
	(tag) =	ssettag s2;
	_ =	strace s9  }
0x27: {  	s1 =	sld [smem:$0x3FA0]  }
0x28: {  	s2 =	sld [smem:$0x3FA1]  }
0x29: {  	s4 =	sld [smem:$0x3FA3]  }
0x2a: {  	p0 =	seq.s32 s5, $0x0;
	s5 =	sld [smem:$0x3FA4]  }
0x2b: {  	s6 =	sld [smem:$0x3FA5]  }
0x2c: {  	s7 =	sld [smem:$0x3FA6]  }
0x2d: {  	s3 =	simm.s32 $0x108;
	s8 =	sld [smem:$0x3FA7]  }
0x2e: {  	s3 =	simm.s32 @!p0 $0x1082;
	s9 =	sld [smem:$0x3FA8]  }
0x2f: {  	lr =	sadd.s32 s0, s3;
	s0 =	sld [smem:$0x3F9F]  }
0x30: {  	s3 =	sld [smem:$0x3FA2]  }
0x31: {  	[smem:$0x3FAB] =	sst s10  }
0x32: {  	s10 =	sld [smem:$0x3FA9];
	_ =	sdelay $0x3  }
0x33: {  	p0 =	seq.s32 s10, $0x1;
	s10 =	sld [smem:$0x3FAB];
	_ =	sdelay $0x3  }
0x34: {  	[smem:$0x3FAB] =	sst s10  }
0x35: {  	s10 =	sld [smem:$0x3FAA];
	_ =	sdelay $0x3  }
0x36: {  	p1 =	seq.s32 s10, $0x1;
	s10 =	sld [smem:$0x3FAB];
	_ =	sdelay $0x3  }
0x37: {  	[smem:$0x3FAB] =	sst s10  }
0x38: {  	s10 =	sld [smem:$0x3FAC]  }
0x39: {  	_ = 	snop;
	(pc) =	sbr.ind lr, $3  }
0x3a: {  	_ = 	snop  }
0x3b: {  	_ = 	snop  }
0x3c: {  	p2 =	seq.s32 s10, $0x1;
	s10 =	sld [smem:$0x3FAB]  }
0x3d: {  	_ =	shalt  }
0x3e: {  	_ =	shalt  }
0x3f: {  	_ =	shalt  }
0x40: {  	_ =	shalt  }
0x41: {  	_ =	shalt  }
0x42: {  	_ =	shalt  }
0x43: {  	_ =	shalt  }
0x44: {  	_ =	shalt  }
0x45: {  	_ =	shalt  }
0x46: {  	_ =	shalt  }
0x47: {  	_ =	shalt  }
0x48: {  	_ =	shalt  }
0x49: {  	_ =	shalt  }
0x4a: {  	_ =	shalt  }
0x4b: {  	_ =	shalt  }
0x4c: {  	_ =	shalt  }
0x4d: {  	_ =	shalt  }
0x4e: {  	_ =	shalt  }
0x4f: {  	_ =	shalt  }
0x50: {  	_ =	shalt  }
0x51: {  	_ =	shalt  }
0x52: {  	_ =	shalt  }
0x53: {  	_ =	shalt  }
0x54: {  	_ =	shalt  }
0x55: {  	_ =	shalt  }
0x56: {  	_ =	shalt  }
0x57: {  	_ =	shalt  }
0x58: {  	_ =	shalt  }
0x59: {  	_ =	shalt  }
0x5a: {  	_ =	shalt  }
0x5b: {  	_ =	shalt  }
0x5c: {  	_ =	shalt  }
0x5d: {  	_ =	shalt  }
0x5e: {  	_ =	shalt  }
0x5f: {  	_ =	shalt  }
0x60: {  	_ =	shalt  }
0x61: {  	_ =	shalt  }
0x62: {  	_ =	shalt  }
0x63: {  	_ =	shalt  }
0x64: {  	_ =	shalt  }
0x65: {  	_ =	shalt  }
0x66: {  	_ =	shalt  }
0x67: {  	_ =	shalt  }
0x68: {  	_ =	shalt  }
0x69: {  	_ =	shalt  }
0x6a: {  	_ =	shalt  }
0x6b: {  	_ =	shalt  }
0x6c: {  	_ =	shalt  }
0x6d: {  	_ =	shalt  }
0x6e: {  	_ =	shalt  }
0x6f: {  	_ =	shalt  }
0x70: {  	_ =	shalt  }
0x71: {  	_ =	shalt  }
0x72: {  	_ =	shalt  }
0x73: {  	_ =	shalt  }
0x74: {  	_ =	shalt  }
0x75: {  	_ =	shalt  }
0x76: {  	_ =	shalt  }
0x77: {  	_ =	shalt  }
0x78: {  	_ =	shalt  }
0x79: {  	_ =	shalt  }
0x7a: {  	_ =	shalt  }
0x7b: {  	_ =	shalt  }
0x7c: {  	_ =	shalt  }
0x7d: {  	_ =	shalt  }
0x7e: {  	_ =	shalt  }
0x7f: {  	_ =	shalt  }
0x80: {  	_ =	shalt  }
0x81: {  	_ =	shalt  }
0x82: {  	_ =	shalt  }
0x83: {  	_ =	shalt  }
0x84: {  	_ =	shalt  }
0x85: {  	_ =	shalt  }
0x86: {  	_ =	shalt  }
0x87: {  	_ =	shalt  }
.Lfunc_end0:
.L_simem_size_0:
called_computation_lowered:
.L_overlay_start_0:
0x88: {  	s2 =	sld [smem:$0x3FD9]  }
0x89: {  	s3 =	sld [smem:$0x3FFE];
	_ =	sdelay $0x1  }
0x8a: {  	s1 =	srdreg.scid  }
0x8b: {  	s0 =	sand.u32 $0x1, s1  }
0x8c: {  	s16 =	sshll.u32 s0, $0xA;
	s2 =	sadd.s32 s3, s2  }
0x8d: {  	s2 =	sadd.s32 s2, s16  }
0x8e: {  	[smem:$0x3FB7] =	sst s2  }
0x8f: {  	_ = 	snop  }
0x90: {  	(tm) =	ssettm $0x1  }
0x91: {  	s17 =	sld [smem:$0x3FFB];
	_ =	sdelay $0x3  }
0x92: {  	_ =	strace s17  }
0x93: {  	s2 =	sld [smem:$0x3FFC];
	_ =	sdelay $0x3  }
0x94: {  	_ =	strace s2  }
0x95: {  	s2 =	sld [smem:$0x3FFD];
	_ =	sdelay $0x3  }
0x96: {  	_ =	strace s2  }
0x97: {  	_ =	strace $0x8FFFFFFF  }
0x98: {  	s18 =	sld [smem:$0x3FDB];
	_ =	sdelay $0x1  }
0x99: {  	s19 =	simm.s32 $_scs_section_size  }
0x9a: {  	s4 =	simm.s32 $_size__tile_overlayer_lowered;
	s5 =	simm.s32 $_tile_overlayer_lowered  }
0x9b: {  	s22 =	simm.s32 $0x1BFF;
	s21 =	sshll.u32 s5, $0x1;
	s2 =	sadd.s32 s19, s18  }
0x9c: {  	s6 =	simm.s32 $0x0;
	s20 =	sshll.u32 s4, $0x1;
	s4 =	sadd.s32 s21, s2  }
0x9d: {  	[timem:s6], [sflag:s22] =	dma.local [hbm:s4], s20  }
0x9e: {  	_ =	swait.ge [sflag:s22], s20  }
0x9f: {  	s3 =	ssub.s32 $0x0, s20;
	[sflag:s22] =	ssyncset.done $0x0  }
0xa0: {  	[sflag:s22] =	ssyncadd.s32 s3;
	_ =	sdelay $0x1  }
0xa1: {  	s23 =	simm.s32 $0x1B8B  }
0xa2: {  	_ =	swait.ge [sflag:s23], $0x1  }
0xa3: {  	[sflag:s23] =	ssyncset.done $0x0  }
0xa4: {  	s25 =	simm.s32 $0x1B8E;
	s24 =	sld [smem:$0x3FFE];
	[sflag:s23] =	ssyncadd.s32 $0xFFFFFFFF  }
0xa5: {  	s26 =	simm.s32 $execute0_lowered;
	[smem:$0x3FD2] =	sst s25  }
0xa6: {  	s4 =	sshll.u32 s26, $0x1;
	_ =	strace $0x80000046;
	[dreg:$0x1] =	wrdreg $0xFFFFFFFF  }
0xa7: {  	s28 =	simm.s32 $_size_execute0_lowered;
	s2 =	sadd.s32 s2, s4;
	[dreg:$0x0] =	wrdreg $0x0  }
0xa8: {  	s4 =	sshll.u32 s28, $0x1;
	[dreg:$0x2] =	wrdreg s2  }
0xa9: {  	[dreg:$0x3] =	wrdreg s4  }
0xaa: {  	[dreg:$0x4] =	wrdreg $0xC0  }
0xab: {  	_ =	task [dreg:s6], $0x5FFFF  }
0xac: {  	[dreg:$0x1] =	wrdreg $0xFFFFFFFF  }
0xad: {  	[dreg:$0x0] =	wrdreg $0x60  }
0xae: {  	[dreg:$0x2] =	wrdreg s24  }
0xaf: {  	[dreg:$0x3] =	wrdreg $0x9  }
0xb0: {  	_ =	task.clear_ibuf [dreg:s6], $0x4FFFF;
	_ =	strace $0x90000046  }
0xb1: {  	s29 =	simm.s32 $0x9;
	_ =	strace $0x80000048  }
0xb2: {  	_ =	swait.ge [sflag:s29], $0x1  }
0xb3: {  	[sflag:s29] =	ssyncadd.s32 $0xFFFFFFFF  }
0xb4: {  	_ =	strace $0x90000048  }
0xb5: {  	_ =	sfence  }
0xb6: {  	s30 =	sld [smem:$0x0];
	_ =	sdelay $0x2  }
0xb7: {  	s31 =	sshll.u32 s1, $0xD;
	s1 =	sshrl.u32 s1, $0x2  }
0xb8: {  	s3 =	sand.u32 $0x4000, s31;
	s1 =	sadd.s32 s1, s30  }
0xb9: {  	s0 =	sor.u32 s3, s0;
	s1 =	sshll.u32 s1, $0x11  }
0xba: {  	s0 =	sor.u32 s1, s0  }
0xbb: {  	s0 =	sadd.s32 $0x8F2B, s0  }
0xbc: {  	[sflag:s0] =	ssyncadd.remote.s32 $0x1  }
0xbd: {  	_ =	sfence.sel $0xFFFF  }
0xbe: {  	[dreg:$0x0] =	wrdreg $0xFFFFFFFF;
	(pc) =	sbr.abs _section_cstart, $3  }
0xbf: {  	[dreg:$0x1] =	wrdreg $0xFFFFFFFF  }
0xc0: {  	_ =	task.clear_ibuf [dreg:s6], $0x2FFFF;
	_ =	strace $0x9FFFFFFF  }
0xc1: {  	(tm) =	ssettm $0x7FFFFFFF  }
tec
execute0_lowered:
.L_overlay_start_1:
0x0: {  	(tag) =	ssettag $0x1  }
0x1: {  	s0 =	srdreg.scid  }
0x2: {  	s3 =	sand.u32 $0x1, s0  }
0x3: {  	s4 =	rddreg [dreg:$0x0];
	s0 =	stileid.u32;
	s1 =	sshll.u32 s3, $0x4  }
0x4: {  	s2 =	simm.s32 $0x0;
	s8 =	simm.s32 $0x0;
	s5 =	sor.u32 s0, s1  }
0x5: {  	[smem:$0x7FF] =	sst s2;
	s3 =	ssub.s32 $0x2, s3;
	s6 =	smul.u32 $0x4E2, s5  }
0x6: {  	s1 =	rddreg [dreg:$0x1];
	s7 =	sshrl.u32 s3, $0x1;
	s5 =	smul.u32 $0x500, s5  }
0x7: {  	_ =	strace $0x80000047;
	s31 =	ssub.s32 s3, s7;
	s7 =	simm.s32 $0x2710  }
0x8: {  	s6 =	sadd.s32 s6, s4;
	s4 =	sadd.s32 s5, s4;
	s5 =	smax.u32 s31, $0x1  }
0x9: {  	v0 =	vimm.f32 $0.0e+00;
	v1 =	vimm.f32 $1.000000000e+00;
	s3 =	sadd.s32 $0xD840, s6;
	s4 =	sadd.s32 $0x17600, s4;
	s6 =	simm.s32 $0x1  }
.LBB2_1:
0xa: {  	[tilespmem:s2], [sflag:$0x1] =	stream.linear.gather [hbm4b:s3+s2], $0x2710, $0x38;
	[tilespmem:$0x4F10] =	vst v63  }
0xb: {  	_ =	swait.ge [sflag:s6], $0x2710  }
0xc: {  	[sflag:s6] =	ssyncset.done $0x0  }
0xd: {  	s9 =	simm.s32 $0x0;
	[sflag:s6] =	ssyncadd.s32 $0xFFFFD8F0  }
.LBB2_2:
0xe: {  	p0 =	sne.s32 s9, $0x9FC0  }
.Ltmp0:
0xf: {  	_ = 	snop;
	(pc) =	sbr.rel @p0 .LBB2_2-.Ltmp0, $3  }
0x10: {  	_ =	sdelay $0x1  }
0x11: {  	s10 =	sshra.s32 s9, $0x2  }
0x12: {  	s9 =	sadd.s32 $0x40, s9;
	[tilespmem:s10+$0x2710] =	vst v0  }
0x13: {  	s10 =	simm.s32 $0x0;
	s9 =	simm.s32 $0x40  }
.LBB2_4:
0x14: {  	p0 =	sne.s32 s9, $0x9C00;
	v2 =	vld [tilespmem:s10+$0x0];
	_ =	sdelay $0x3  }
.Ltmp1:
0x15: {  	(pc) =	sbr.rel @p0 .LBB2_4-.Ltmp1, $2  }
0x16: {  	_ =	sdelay $0x2  }
0x17: {  	s10 =	sshra.s32 s9, $0x2;
	s9 =	sadd.s32 $0x40, s9;
	[tilespmem:v2+s7+$0x0] =	vst.idx.add.f32.msk $0xffff, v1  }
0x18: {  	v2 =	vld [tilespmem:s10+$0x0];
	_ =	sdelay $0x5  }
0x19: {  	s8 =	sadd.s32 $0x1, s8  }
0x1a: {  	p0 =	sne.s32 s8, s5  }
.Ltmp2:
0x1b: {  	[tilespmem:v2+s7+$0x0] =	vst.idx.add.f32.msk $0xffff, v1;
	(pc) =	sbr.rel @p0 .LBB2_1-.Ltmp2, $4  }
0x1c: {  	[hbm4b:s4+s2] =	stream.linear.scatter [tilespmem:s7], [sflag:$0x1], $0x2800, $0x38;
	[tilespmem:$0x4F10] =	vst v63  }
0x1d: {  	_ =	swait.ge [sflag:s6], $0x2800  }
0x1e: {  	[sflag:s6] =	ssyncset.done $0x0  }
0x1f: {  	[sflag:s6] =	ssyncadd.s32 $0xFFFFD800  }
0x20: {  	_ =	sfence.sel $0x180000  }
0x21: {  	[bflag:$0x0] =	sbarrier.arrive $0xFFFF  }
0x22: {  	p0 =	sne.s32 s0, $0x0;
	_ =	strace $0x90000047  }
0x23: {  	s0 =	sadd.s32 @!p0 $0x100000, s1;
	[bflag:$0x2] =	sbarrier.arrive $0xFFFF  }
0x24: {  	[sflag:s0] =	ssyncadd.tile.s32 @!p0 $0x1;
	_ =	shalt  }
.Lfunc_end2:
_tile_overlayer_lowered:
.L_overlay_start_2:
0x25: {  	(tag) =	ssettag $0x2  }
0x26: {  	s0 =	rddreg [dreg:$0x0];
	s2 =	stileid.u32  }
0x27: {  	s1 =	rddreg [dreg:$0x1];
	p0 =	sne.s32 s2, $0x0  }
0x28: {  	s3 =	rddreg [dreg:$0x2];
	[bflag:$0x3] =	sbarrier.arrive $0xFFFF;
	s2 =	simm.s32 @!p0 $0x1C01  }
0x29: {  	[timem:s3], [sflag:s2] =	dma.local @!p0 [hbm:s0], s1  }
0x2a: {  	s0 =	simm.s32 @!p0 $0x1  }
0x2b: {  	_ =	swait.ge @!p0 [sflag:s0], s1  }
0x2c: {  	s1 =	ssub.s32 @!p0 $0x0, s1;
	[sflag:s0] =	ssyncset.done @!p0 $0x0  }
0x2d: {  	[sflag:s0] =	ssyncadd.s32 @!p0 s1  }
0x2e: {  	[bflag:$0x3] =	sbarrier.arrive $0xFFFF  }
0x2f: {  	_ =	shalt  }

</sc_bundles>
